<compile_context>
chip_gen: v7x
topology: tpu7x:2x2x1
jax: 0.10.2.dev20260603
libtpu: 0.0.44.dev20260713+nightly
codegen_flags: <defaults>
</compile_context>

<pallas_src>
import functools
import math

import jax
import jax.numpy as jnp
from jax import lax
from jax.experimental import pallas as pl
from jax.experimental.pallas import tpu as pltpu
from jax.experimental.pallas import tpu_sc as plsc

N = 10000
E = 320000
D = 64
H = 4

NC = 2
NS = 16
NW = NC * NS
PER_W = E // NW
RW = 125
RPT = PER_W // RW
HP = 16

f32 = jnp.float32


def _mesh():
    return plsc.VectorSubcoreMesh(core_axis_name="c", subcore_axis_name="s")


def _wid():
    return lax.axis_index("s") * NC + lax.axis_index("c")


@functools.cache
def _build_sc_gather_pair():
    RO = 4
    BLK = RO * RW

    @functools.partial(
        pl.kernel, mesh=_mesh(),
        compiler_params=pltpu.CompilerParams(use_tc_tiling_on_sc=False),
        out_type=[jax.ShapeDtypeStruct((E, D), f32),
                  jax.ShapeDtypeStruct((E, D), f32)],
        scratch_types=[pltpu.VMEM((RO, RW), jnp.int32),
                       pltpu.VMEM((RO, RW), jnp.int32),
                       pltpu.VMEM((BLK, D), f32),
                       pltpu.VMEM((BLK, D), f32),
                       pltpu.VMEM_SHARED((N, D), f32),
                       pltpu.SemaphoreType.DMA,
                       pltpu.SemaphoreType.DMA,
                       pltpu.SemaphoreType.DMA,
                       pltpu.SemaphoreType.DMA],
    )
    def gather_pair(inp_hbm, es_hbm, et_hbm, ni_hbm, nj_hbm,
                    esb, etb, nib, njb, inp_sh, sem1, sem2, sem3, sem4):
        sid = lax.axis_index("s")

        @pl.when(sid == 0)
        def _():
            pltpu.sync_copy(inp_hbm, inp_sh)

        plsc.subcore_barrier()
        wid = _wid()

        def body(o, _):
            r = wid * RPT + o * RO
            c1 = pltpu.async_copy(es_hbm.at[pl.ds(r, RO)], esb, sem1)
            c2 = pltpu.async_copy(et_hbm.at[pl.ds(r, RO)], etb, sem2)
            c1.wait()
            c2.wait()
            ds = []
            for k in range(RO):
                dst = pl.ds(k * RW, RW)
                ds.append(pltpu.async_copy(
                    inp_sh.at[esb.at[k]], nib.at[dst], sem3))
                ds.append(pltpu.async_copy(
                    inp_sh.at[etb.at[k]], njb.at[dst], sem4))
            for dcp in ds:
                dcp.wait()
            off = wid * PER_W + o * BLK
            w1 = pltpu.async_copy(nib, ni_hbm.at[pl.ds(off, BLK)], sem1)
            w2 = pltpu.async_copy(njb, nj_hbm.at[pl.ds(off, BLK)], sem2)
            w1.wait()
            w2.wait()
            return 0

        lax.fori_loop(0, RPT // RO, body, 0, unroll=False)

    return gather_pair


def _sc_gather_pair(inp, es, et):
    return _build_sc_gather_pair()(inp, es.reshape(E // RW, RW),
                                   et.reshape(E // RW, RW))


@functools.cache
def _build_sc_scatter(width):
    RO = 8
    BLK = RO * RW

    @functools.partial(
        pl.kernel, mesh=_mesh(),
        compiler_params=pltpu.CompilerParams(use_tc_tiling_on_sc=False),
        out_type=[jax.ShapeDtypeStruct((N, width), f32),
                  jax.ShapeDtypeStruct((N, width), f32)],
        scratch_types=[pltpu.VMEM((RO, RW), jnp.int32),
                       pltpu.VMEM((BLK, width), f32),
                       pltpu.VMEM_SHARED((N, width), f32),
                       pltpu.SemaphoreType.DMA,
                       pltpu.SemaphoreType.DMA],
    )
    def scat(val_hbm, es_hbm, zero_hbm, p0_hbm, p1_hbm, idxb, vb, acc_sh,
             sem1, sem2):
        cid = lax.axis_index("c")
        sid = lax.axis_index("s")

        @pl.when(sid == 0)
        def _():
            pltpu.sync_copy(zero_hbm, acc_sh)

        plsc.subcore_barrier()
        wid = _wid()

        def body(o, _):
            r = wid * RPT + o * RO
            off = wid * PER_W + o * BLK
            c1 = pltpu.async_copy(es_hbm.at[pl.ds(r, RO)], idxb, sem1)
            c2 = pltpu.async_copy(val_hbm.at[pl.ds(off, BLK)], vb, sem2)
            c1.wait()
            c2.wait()
            for k in range(RO):
                pltpu.sync_copy(vb.at[pl.ds(k * RW, RW)],
                                acc_sh.at[idxb.at[k]], add=True)
            return 0

        lax.fori_loop(0, RPT // RO, body, 0, unroll=False)
        plsc.subcore_barrier()

        @pl.when((sid == 0) & (cid == 0))
        def _():
            pltpu.sync_copy(acc_sh, p0_hbm)

        @pl.when((sid == 0) & (cid == 1))
        def _():
            pltpu.sync_copy(acc_sh, p1_hbm)

    return scat


def _sc_scatter_h(val, es, zero):
    return _build_sc_scatter(HP)(val, es.reshape(E // RW, RW), zero)


def _sc_scatter_d(val, es, zero):
    return _build_sc_scatter(D)(val, es.reshape(E // RW, RW), zero)


@functools.cache
def _build_sc_gather_srow():
    RO = 8
    BLK = RO * RW

    @functools.partial(
        pl.kernel, mesh=_mesh(),
        compiler_params=pltpu.CompilerParams(use_tc_tiling_on_sc=False),
        out_type=[jax.ShapeDtypeStruct((E, HP), f32),
                  jax.ShapeDtypeStruct((E, HP), f32)],
        scratch_types=[pltpu.VMEM((RO, RW), jnp.int32),
                       pltpu.VMEM((BLK, HP), f32),
                       pltpu.VMEM((BLK, HP), f32),
                       pltpu.VMEM_SHARED((N, HP), f32),
                       pltpu.VMEM_SHARED((N, HP), f32),
                       pltpu.SemaphoreType.DMA,
                       pltpu.SemaphoreType.DMA,
                       pltpu.SemaphoreType.DMA,
                       pltpu.SemaphoreType.DMA],
    )
    def gather_srow(p0_hbm, p1_hbm, es_hbm, s0_hbm, s1_hbm,
                    idxb, b0, b1, p0_sh, p1_sh, sem1, sem2, sem3, sem4):
        sid = lax.axis_index("s")

        @pl.when(sid == 0)
        def _():
            pltpu.sync_copy(p0_hbm, p0_sh)

        @pl.when(sid == 1)
        def _():
            pltpu.sync_copy(p1_hbm, p1_sh)

        plsc.subcore_barrier()
        wid = _wid()

        def body(o, _):
            r = wid * RPT + o * RO
            pltpu.sync_copy(es_hbm.at[pl.ds(r, RO)], idxb)
            ds = []
            for k in range(RO):
                dst = pl.ds(k * RW, RW)
                ds.append(pltpu.async_copy(
                    p0_sh.at[idxb.at[k]], b0.at[dst], sem1))
                ds.append(pltpu.async_copy(
                    p1_sh.at[idxb.at[k]], b1.at[dst], sem2))
            for dcp in ds:
                dcp.wait()
            off = wid * PER_W + o * BLK
            w1 = pltpu.async_copy(b0, s0_hbm.at[pl.ds(off, BLK)], sem3)
            w2 = pltpu.async_copy(b1, s1_hbm.at[pl.ds(off, BLK)], sem4)
            w1.wait()
            w2.wait()
            return 0

        lax.fori_loop(0, RPT // RO, body, 0, unroll=False)

    return gather_srow


def _sc_gather_srow(p0, p1, es):
    return _build_sc_gather_srow()(p0, p1, es.reshape(E // RW, RW))


_INV_SQRT_BN = 1.0 / math.sqrt(1.0 + 1e-05)


def _sigmoid(x):
    return 1.0 / (1.0 + jnp.exp(-x))


def _softplus(x):
    return jnp.maximum(x, 0.0) + jnp.log(1.0 + jnp.exp(-jnp.abs(x)))


def _elu(x):
    return jnp.where(x > 0.0, x, jnp.exp(jnp.minimum(x, 0.0)) - 1.0)


def _edge_body(ni_ref, nj_ref, rij_ref, pw_ref, ea_ref,
               wg1_ref, wg2_ref, wg3_ref, wm1_ref, wm2_ref, wm3_ref,
               w2g_ref, w2_ref, wat_ref, wab_ref, a1_ref, a2_ref,
               e_ref, ap_ref, u_ref):
    ni = ni_ref[...]
    nj = nj_ref[...]
    r = rij_ref[...]
    r = r + (r == 0.0).astype(f32) * 1e-08
    delta = (ni - nj) / r
    pre_g = ni @ wg1_ref[...] + nj @ wg2_ref[...] + delta @ wg3_ref[...]
    pre_m = ni @ wm1_ref[...] + nj @ wm2_ref[...] + delta @ wm3_ref[...]
    gmat = _sigmoid(pre_g) * _elu(pre_m)
    pw = pw_ref[...]
    gate = _sigmoid(pw @ w2g_ref[...])
    z2 = (pw * gate) @ w2_ref[...]
    ea_w = ea_ref[...] @ wab_ref[...]
    oi = _softplus(ni @ wat_ref[...] + ea_w)
    oj = _softplus(nj @ wat_ref[...] + ea_w)
    alpha = oi @ a1_ref[...] + oj @ a2_ref[...]
    alpha = _softplus(_softplus(alpha) * _INV_SQRT_BN)
    e = jnp.exp(alpha)
    e_ref[:, :H] = e
    e_ref[:, H:] = jnp.zeros((e.shape[0], HP - H), f32)
    ap_ref[...] = gmat * z2
    for h in range(H):
        u_ref[:, h * D:(h + 1) * D] = (
            oj[:, h * D:(h + 1) * D] * gmat
            * ((1.0 / H) * e[:, h:h + 1])).astype(jnp.bfloat16)


BE_A = 2560


def _tc_edge(ni, nj, rij2, pw, ea, wg1, wg2, wg3, wm1, wm2, wm3,
             w2g, w2, wat, wab, a1, a2):
    grid = (E // BE_A,)
    row = lambda i: (i, 0)
    full = lambda i: (0, 0)
    return pl.pallas_call(
        _edge_body,
        grid=grid,
        in_specs=[
            pl.BlockSpec((BE_A, D), row),
            pl.BlockSpec((BE_A, D), row),
            pl.BlockSpec((BE_A, 1), row),
            pl.BlockSpec((BE_A, D), row),
            pl.BlockSpec((BE_A, D), row),
            pl.BlockSpec((D, D), full), pl.BlockSpec((D, D), full),
            pl.BlockSpec((D, D), full), pl.BlockSpec((D, D), full),
            pl.BlockSpec((D, D), full), pl.BlockSpec((D, D), full),
            pl.BlockSpec((D, D), full), pl.BlockSpec((D, D), full),
            pl.BlockSpec((D, H * D), full), pl.BlockSpec((D, H * D), full),
            pl.BlockSpec((H * D, H), full), pl.BlockSpec((H * D, H), full),
        ],
        out_specs=[
            pl.BlockSpec((BE_A, HP), row),
            pl.BlockSpec((BE_A, D), row),
            pl.BlockSpec((BE_A, H * D), row),
        ],
        out_shape=[
            jax.ShapeDtypeStruct((E, HP), f32),
            jax.ShapeDtypeStruct((E, D), f32),
            jax.ShapeDtypeStruct((E, H * D), jnp.bfloat16),
        ],
    )(ni, nj, rij2, pw, ea, wg1, wg2, wg3, wm1, wm2, wm3,
      w2g, w2, wat, wab, a1, a2)


def _combine_body(u_ref, ap_ref, s0_ref, s1_ref, z_ref):
    rcp = 1.0 / (s0_ref[:, :H] + s1_ref[:, :H] + 1e-16)
    z = ap_ref[...]
    u = u_ref[...].astype(f32)
    for h in range(H):
        z = z + u[:, h * D:(h + 1) * D] * rcp[:, h:h + 1]
    z_ref[...] = z


BE_B = 3200


def _tc_combine(u, ap, s0, s1):
    grid = (E // BE_B,)
    row = lambda i: (i, 0)
    return pl.pallas_call(
        _combine_body,
        grid=grid,
        in_specs=[
            pl.BlockSpec((BE_B, H * D), row),
            pl.BlockSpec((BE_B, D), row),
            pl.BlockSpec((BE_B, HP), row),
            pl.BlockSpec((BE_B, HP), row),
        ],
        out_specs=pl.BlockSpec((BE_B, D), row),
        out_shape=jax.ShapeDtypeStruct((E, D), f32),
    )(u, ap, s0, s1)


def _final_body(inp_ref, q0_ref, q1_ref, out_ref):
    out_ref[...] = inp_ref[...] + q0_ref[...] + q1_ref[...]


BN = 2000


def _tc_final(inp, q0, q1):
    grid = (N // BN,)
    row = lambda i: (i, 0)
    return pl.pallas_call(
        _final_body,
        grid=grid,
        in_specs=[pl.BlockSpec((BN, D), row)] * 3,
        out_specs=pl.BlockSpec((BN, D), row),
        out_shape=jax.ShapeDtypeStruct((N, D), f32),
    )(inp, q0, q1)


def kernel(input, nodes, edge_sources, edge_targets, rij, plane_wave,
           edge_attr, edge_index, Wg, Wm, W2g, W2, W_agat, att):
    es = edge_sources.astype(jnp.int32)
    et = edge_targets.astype(jnp.int32)
    rij2 = rij.reshape(E, 1)

    att2 = att[0]
    eye = jnp.eye(H, dtype=f32)
    a1 = jnp.einsum("hd,hg->hdg", att2[:, :D], eye).reshape(H * D, H)
    a2 = jnp.einsum("hd,hg->hdg", att2[:, D:], eye).reshape(H * D, H)

    wg1, wg2, wg3 = Wg[:D], Wg[D:2 * D], Wg[2 * D:]
    wm1, wm2, wm3 = Wm[:D], Wm[D:2 * D], Wm[2 * D:]
    wat, wab = W_agat[:D], W_agat[D:]

    ni, nj = _sc_gather_pair(input, es, et)
    e, ap, u = _tc_edge(ni, nj, rij2, plane_wave, edge_attr,
                        wg1, wg2, wg3, wm1, wm2, wm3, W2g, W2, wat, wab,
                        a1, a2)
    zero_h = jnp.zeros((N, HP), dtype=f32)
    p0, p1 = _sc_scatter_h(e, es, zero_h)
    s0, s1 = _sc_gather_srow(p0, p1, es)
    z = _tc_combine(u, ap, s0, s1)
    zero_d = jnp.zeros((N, D), dtype=f32)
    q0, q1 = _sc_scatter_d(z, es, zero_d)
    return _tc_final(input, q0, q1)

# --- scband reference (transcript-rebuilt; emitter-appended) ---
"""Pipeline reference for scband-tgcgnn-29867202576582 (READ-ONLY COPY).

The authoritative reference and input builder live on the scoring server;
editing this copy changes nothing except your own understanding.
"""

import jax, jax.numpy as jnp
import numpy as np

N = 10000
E = 320000
D = 64
H = 4


def _glorot(key, shape):
    fan_in, fan_out = shape[-2], shape[-1]
    std = float(np.sqrt(6.0 / (fan_in + fan_out)))
    return jax.random.uniform(key, shape, dtype=jnp.float32, minval=-std, maxval=std)


def setup_inputs(seed: int = 0):
    key = jax.random.key(seed)
    ks = jax.random.split(key, 14)
    es = jax.random.randint(ks[0], (E,), 0, N)
    et = jax.random.randint(ks[1], (E,), 0, N)
    return {
        "input": jax.random.normal(ks[2], (N, D), dtype=jnp.float32),
        "nodes": jax.random.normal(ks[3], (N, D), dtype=jnp.float32),
        "edge_sources": es,
        "edge_targets": et,
        "rij": jax.random.uniform(ks[4], (E,), dtype=jnp.float32),
        "plane_wave": jax.random.normal(ks[5], (E, D), dtype=jnp.float32),
        "edge_attr": jax.random.normal(ks[6], (E, D), dtype=jnp.float32),
        "edge_index": jnp.stack([es, et], axis=0),
        "Wg": _glorot(ks[7], (3 * D, D)),
        "Wm": _glorot(ks[8], (3 * D, D)),
        "W2g": _glorot(ks[9], (D, D)),
        "W2": _glorot(ks[10], (D, D)),
        "W_agat": _glorot(ks[11], (2 * D, H * D)),
        "att": _glorot(ks[12], (1, H, 2 * D)),
    }


def segment_softmax(x, seg, num_segments):
    m = jax.ops.segment_max(x, seg, num_segments=num_segments)
    m = jnp.where(jnp.isfinite(m), m, 0.0)
    e = jnp.exp(x - m[seg])
    s = jax.ops.segment_sum(e, seg, num_segments=num_segments)
    return e / (s[seg] + 1e-16)


def reference(input, nodes, edge_sources, edge_targets, rij, plane_wave, edge_attr, edge_index, Wg, Wm, W2g, W2, W_agat, att):
    # GatedGraphConvolution.forward (core gc layer of TGCGNN), eval mode
    ni = jnp.take(input, edge_sources, axis=0)
    nj = jnp.take(input, edge_targets, axis=0)
    r = rij + (rij == 0).astype(jnp.float32) * 1e-08
    r = r[:, None]
    delta = (ni - nj) / r
    final_fe = jnp.concatenate([ni, nj, delta], axis=1)
    e_gate = jax.nn.sigmoid(final_fe @ Wg)
    e_mlp = jax.nn.elu(final_fe @ Wm)
    gate = jax.nn.sigmoid(plane_wave @ W2g)
    z2 = (plane_wave * gate) @ W2
    # AGAT attention (dim=64, heads=4, act=softplus, dropout=0, BN eval w/ running stats 0/1)
    row = edge_index[0]
    col = edge_index[1]
    oi = jax.nn.softplus(jnp.concatenate([jnp.take(input, row, axis=0), edge_attr], axis=1) @ W_agat).reshape(-1, H, D)
    oj = jax.nn.softplus(jnp.concatenate([jnp.take(input, col, axis=0), edge_attr], axis=1) @ W_agat).reshape(-1, H, D)
    alpha = jax.nn.softplus((jnp.concatenate([oi, oj], axis=-1) * att).sum(axis=-1))
    alpha = jax.nn.softplus(alpha / jnp.sqrt(1.0 + 1e-05))  # BatchNorm1d eval w/ mean=0,var=1,gamma=1,beta=0
    alpha = segment_softmax(alpha, row, N)  # tg_softmax over source-node segments
    z1 = (oj * alpha[:, :, None]).mean(axis=1)  # transpose(0,1).mean(dim=0) == mean over heads
    z = e_gate * e_mlp * (z1 + z2)
    out = input.at[edge_sources].add(z)  # output = input.clone(); output.index_add_(0, edge_sources, z)
    return out

if __name__ == "__main__":
    import jax
    _d = setup_inputs()
    print(jax.jit(kernel)(*tuple(_d.values())))

</pallas_src>

<mosaic_0001>
#map = affine_map<(d0, d1) -> (0, 0)>
module attributes {stable_mosaic.version = 14 : i64} {
  func.func @scat(%arg0: i32, %arg1: i32, %arg2: memref<320000x16xf32, #tpu.memory_space<hbm>>, %arg3: memref<2560x125xi32, #tpu.memory_space<hbm>>, %arg4: memref<10000x16xf32, #tpu.memory_space<hbm>>, %arg5: memref<10000x16xf32, #tpu.memory_space<hbm>>, %arg6: memref<10000x16xf32, #tpu.memory_space<hbm>>, %arg7: memref<8x125xi32, #tpu.memory_space<vmem>>, %arg8: memref<1000x16xf32, #tpu.memory_space<vmem>>, %arg9: memref<10000x16xf32, #tpu.memory_space<vmem_shared>>, %arg10: memref<!tpu.dma_semaphore, #tpu.memory_space<semaphore_mem>>, %arg11: memref<!tpu.dma_semaphore, #tpu.memory_space<semaphore_mem>>) attributes {dimension_semantics = [#tpu.dimension_semantics<core_parallel>, #tpu.dimension_semantics<subcore_parallel>], iteration_bounds = array<i64: 2, 16>, scalar_prefetch = 0 : i64, scratch_operands = 5 : i64, tpu.core_type = #tpu.core_type<sc_vector_subcore>, window_params = [{transform_indices = #map}, {transform_indices = #map}, {transform_indices = #map}, {transform_indices = #map}, {transform_indices = #map}]} {
    %eq3A = arith.constant 0 : i32
    %eq3A_0 = arith.cmpi eq, %arg1, %eq3A : i32
    %convert_element_type3A = arith.extui %eq3A_0 : i1 to i32
    %cond3A = arith.constant 0 : i32
    %cond3A_1 = arith.cmpi ne, %convert_element_type3A, %cond3A : i32
    scf.if %cond3A_1 {
      "tpu.region"() ({
        %run_scoped3A = tpu.sem_alloc : memref<!tpu.dma_semaphore, #tpu.memory_space<semaphore_mem>>
        tpu.enqueue_dma source(%arg4 : memref<10000x16xf32, #tpu.memory_space<hbm>>) target(%arg9 : memref<10000x16xf32, #tpu.memory_space<vmem_shared>>) target_semaphore(%run_scoped3A : memref<!tpu.dma_semaphore, #tpu.memory_space<semaphore_mem>>)
        tpu.wait_dma2 semaphore(%run_scoped3A : memref<!tpu.dma_semaphore, #tpu.memory_space<semaphore_mem>>) src(%arg4 : memref<10000x16xf32, #tpu.memory_space<hbm>>) dst(%arg9 : memref<10000x16xf32, #tpu.memory_space<vmem_shared>>)
        tpu.yield
      }) : () -> ()
    } else {
    }
    %barrier3A = arith.constant 0 : index
    tpu.barrier barrier_id(%barrier3A)
    %mul3A = arith.constant 2 : i32
    %mul3A_2 = arith.muli %arg1, %mul3A : i32
    %add3A = arith.addi %mul3A_2, %arg0 : i32
    %scan3A = arith.constant 0 : i32
    %scan3A_3 = arith.constant 0 : i32
    %scan3A_4 = arith.constant 10 : i32
    %scan3A_5 = arith.addi %scan3A_3, %scan3A_4 : i32
    %scan3A_6 = arith.constant 1 : i32
    %scan3A_7 = scf.for %scan3A_25 = %scan3A_3 to %scan3A_5 step %scan3A_6 iter_args(%scan3A_26 = %scan3A) -> (i32)  : i32 {
      %mul3A_27 = arith.constant 80 : i32
      %mul3A_28 = arith.muli %add3A, %mul3A_27 : i32
      %mul3A_29 = arith.constant 8 : i32
      %mul3A_30 = arith.muli %scan3A_25, %mul3A_29 : i32
      %add3A_31 = arith.addi %mul3A_28, %mul3A_30 : i32
      %mul3A_32 = arith.constant 10000 : i32
      %mul3A_33 = arith.muli %add3A, %mul3A_32 : i32
      %mul3A_34 = arith.constant 1000 : i32
      %mul3A_35 = arith.muli %scan3A_25, %mul3A_34 : i32
      %add3A_36 = arith.addi %mul3A_33, %mul3A_35 : i32
      %dma_start3A = arith.constant 0 : i32
      %dma_start3A_37 = tpu.memref_slice %arg3[%add3A_31, %dma_start3A] : memref<2560x125xi32, #tpu.memory_space<hbm>> -> memref<8x125xi32, #tpu.memory_space<hbm>>
      %dma_start3A_38 = arith.constant 0 : i32
      %dma_start3A_39 = tpu.memref_slice %arg3[%add3A_31, %dma_start3A_38] : memref<2560x125xi32, #tpu.memory_space<hbm>> -> memref<8x125xi32, #tpu.memory_space<hbm>>
      tpu.enqueue_dma source(%dma_start3A_39 : memref<8x125xi32, #tpu.memory_space<hbm>>) target(%arg7 : memref<8x125xi32, #tpu.memory_space<vmem>>) target_semaphore(%arg10 : memref<!tpu.dma_semaphore, #tpu.memory_space<semaphore_mem>>)
      %dma_start3A_40 = arith.constant 0 : i32
      %dma_start3A_41 = tpu.memref_slice %arg2[%add3A_36, %dma_start3A_40] : memref<320000x16xf32, #tpu.memory_space<hbm>> -> memref<1000x16xf32, #tpu.memory_space<hbm>>
      %dma_start3A_42 = arith.constant 0 : i32
      %dma_start3A_43 = tpu.memref_slice %arg2[%add3A_36, %dma_start3A_42] : memref<320000x16xf32, #tpu.memory_space<hbm>> -> memref<1000x16xf32, #tpu.memory_space<hbm>>
      tpu.enqueue_dma source(%dma_start3A_43 : memref<1000x16xf32, #tpu.memory_space<hbm>>) target(%arg8 : memref<1000x16xf32, #tpu.memory_space<vmem>>) target_semaphore(%arg11 : memref<!tpu.dma_semaphore, #tpu.memory_space<semaphore_mem>>)
      %dma_wait3A = arith.constant 0 : i32
      %dma_wait3A_44 = tpu.memref_slice %arg3[%add3A_31, %dma_wait3A] : memref<2560x125xi32, #tpu.memory_space<hbm>> -> memref<8x125xi32, #tpu.memory_space<hbm>>
      %dma_wait3A_45 = arith.constant 0 : i32
      %dma_wait3A_46 = tpu.memref_slice %arg3[%add3A_31, %dma_wait3A_45] : memref<2560x125xi32, #tpu.memory_space<hbm>> -> memref<8x125xi32, #tpu.memory_space<hbm>>
      tpu.wait_dma2 semaphore(%arg10 : memref<!tpu.dma_semaphore, #tpu.memory_space<semaphore_mem>>) src(%dma_wait3A_46 : memref<8x125xi32, #tpu.memory_space<hbm>>) dst(%arg7 : memref<8x125xi32, #tpu.memory_space<vmem>>)
      %dma_wait3A_47 = arith.constant 0 : i32
      %dma_wait3A_48 = tpu.memref_slice %arg2[%add3A_36, %dma_wait3A_47] : memref<320000x16xf32, #tpu.memory_space<hbm>> -> memref<1000x16xf32, #tpu.memory_space<hbm>>
      %dma_wait3A_49 = arith.constant 0 : i32
      %dma_wait3A_50 = tpu.memref_slice %arg2[%add3A_36, %dma_wait3A_49] : memref<320000x16xf32, #tpu.memory_space<hbm>> -> memref<1000x16xf32, #tpu.memory_space<hbm>>
      tpu.wait_dma2 semaphore(%arg11 : memref<!tpu.dma_semaphore, #tpu.memory_space<semaphore_mem>>) src(%dma_wait3A_50 : memref<1000x16xf32, #tpu.memory_space<hbm>>) dst(%arg8 : memref<1000x16xf32, #tpu.memory_space<vmem>>)
      %run_scoped3A = arith.constant 0 : i32
      "tpu.region"() ({
        %run_scoped3A_59 = tpu.sem_alloc : memref<!tpu.dma_semaphore, #tpu.memory_space<semaphore_mem>>
        %dma_start3A_60 = arith.constant 0 : i32
        %dma_start3A_61 = arith.constant 0 : i32
        %dma_start3A_62 = tpu.memref_slice %arg8[%dma_start3A_60, %dma_start3A_61] : memref<1000x16xf32, #tpu.memory_space<vmem>> -> memref<125x16xf32, #tpu.memory_space<vmem>>
        %dma_start3A_63 = arith.constant 0 : i32
        %dma_start3A_64 = tpu.memref_slice %arg7[%run_scoped3A, %dma_start3A_63] : memref<8x125xi32, #tpu.memory_space<vmem>> -> memref<1x125xi32, #tpu.memory_space<vmem>>
        %dma_start3A_65 = tpu.memref_squeeze %dma_start3A_64 : memref<1x125xi32, #tpu.memory_space<vmem>> -> memref<125xi32, #tpu.memory_space<vmem>>
        %dma_start3A_66 = arith.constant 0 : i32
        %dma_start3A_67 = arith.constant 0 : i32
        %dma_start3A_68 = tpu.memref_slice %arg9[%dma_start3A_66, %dma_start3A_67] : memref<10000x16xf32, #tpu.memory_space<vmem_shared>> -> memref<10000x16xf32, #tpu.memory_space<vmem_shared>>
        tpu.enqueue_indirect_dma source(%dma_start3A_62 : memref<125x16xf32, #tpu.memory_space<vmem>>) target(%dma_start3A_68 : memref<10000x16xf32, #tpu.memory_space<vmem_shared>>) offsets(%dma_start3A_65 : memref<125xi32, #tpu.memory_space<vmem>>) semaphore(%run_scoped3A_59 : memref<!tpu.dma_semaphore, #tpu.memory_space<semaphore_mem>>) {add = true}
        %dma_wait3A_69 = arith.constant 0 : i32
        %dma_wait3A_70 = arith.constant 0 : i32
        %dma_wait3A_71 = tpu.memref_slice %arg8[%dma_wait3A_69, %dma_wait3A_70] : memref<1000x16xf32, #tpu.memory_space<vmem>> -> memref<125x16xf32, #tpu.memory_space<vmem>>
        %dma_wait3A_72 = arith.constant 0 : i32
        %dma_wait3A_73 = tpu.memref_slice %arg7[%run_scoped3A, %dma_wait3A_72] : memref<8x125xi32, #tpu.memory_space<vmem>> -> memref<1x125xi32, #tpu.memory_space<vmem>>
        %dma_wait3A_74 = tpu.memref_squeeze %dma_wait3A_73 : memref<1x125xi32, #tpu.memory_space<vmem>> -> memref<125xi32, #tpu.memory_space<vmem>>
        %dma_wait3A_75 = arith.constant 0 : i32
        %dma_wait3A_76 = arith.constant 0 : i32
        %dma_wait3A_77 = tpu.memref_slice %arg9[%dma_wait3A_75, %dma_wait3A_76] : memref<10000x16xf32, #tpu.memory_space<vmem_shared>> -> memref<10000x16xf32, #tpu.memory_space<vmem_shared>>
        tpu.wait_indirect_dma semaphore(%run_scoped3A_59 : memref<!tpu.dma_semaphore, #tpu.memory_space<semaphore_mem>>) src(%dma_wait3A_71 : memref<125x16xf32, #tpu.memory_space<vmem>>) dst(%dma_wait3A_77 : memref<10000x16xf32, #tpu.memory_space<vmem_shared>>)
        tpu.yield
      }) : () -> ()
      %run_scoped3A_51 = arith.constant 1 : i32
      "tpu.region"() ({
        %run_scoped3A_59 = tpu.sem_alloc : memref<!tpu.dma_semaphore, #tpu.memory_space<semaphore_mem>>
        %dma_start3A_60 = arith.constant 125 : i32
        %dma_start3A_61 = arith.constant 0 : i32
        %dma_start3A_62 = tpu.memref_slice %arg8[%dma_start3A_60, %dma_start3A_61] : memref<1000x16xf32, #tpu.memory_space<vmem>> -> memref<125x16xf32, #tpu.memory_space<vmem>>
        %dma_start3A_63 = arith.constant 0 : i32
        %dma_start3A_64 = tpu.memref_slice %arg7[%run_scoped3A_51, %dma_start3A_63] : memref<8x125xi32, #tpu.memory_space<vmem>> -> memref<1x125xi32, #tpu.memory_space<vmem>>
        %dma_start3A_65 = tpu.memref_squeeze %dma_start3A_64 : memref<1x125xi32, #tpu.memory_space<vmem>> -> memref<125xi32, #tpu.memory_space<vmem>>
        %dma_start3A_66 = arith.constant 0 : i32
        %dma_start3A_67 = arith.constant 0 : i32
        %dma_start3A_68 = tpu.memref_slice %arg9[%dma_start3A_66, %dma_start3A_67] : memref<10000x16xf32, #tpu.memory_space<vmem_shared>> -> memref<10000x16xf32, #tpu.memory_space<vmem_shared>>
        tpu.enqueue_indirect_dma source(%dma_start3A_62 : memref<125x16xf32, #tpu.memory_space<vmem>>) target(%dma_start3A_68 : memref<10000x16xf32, #tpu.memory_space<vmem_shared>>) offsets(%dma_start3A_65 : memref<125xi32, #tpu.memory_space<vmem>>) semaphore(%run_scoped3A_59 : memref<!tpu.dma_semaphore, #tpu.memory_space<semaphore_mem>>) {add = true}
        %dma_wait3A_69 = arith.constant 125 : i32
        %dma_wait3A_70 = arith.constant 0 : i32
        %dma_wait3A_71 = tpu.memref_slice %arg8[%dma_wait3A_69, %dma_wait3A_70] : memref<1000x16xf32, #tpu.memory_space<vmem>> -> memref<125x16xf32, #tpu.memory_space<vmem>>
        %dma_wait3A_72 = arith.constant 0 : i32
        %dma_wait3A_73 = tpu.memref_slice %arg7[%run_scoped3A_51, %dma_wait3A_72] : memref<8x125xi32, #tpu.memory_space<vmem>> -> memref<1x125xi32, #tpu.memory_space<vmem>>
        %dma_wait3A_74 = tpu.memref_squeeze %dma_wait3A_73 : memref<1x125xi32, #tpu.memory_space<vmem>> -> memref<125xi32, #tpu.memory_space<vmem>>
        %dma_wait3A_75 = arith.constant 0 : i32
        %dma_wait3A_76 = arith.constant 0 : i32
        %dma_wait3A_77 = tpu.memref_slice %arg9[%dma_wait3A_75, %dma_wait3A_76] : memref<10000x16xf32, #tpu.memory_space<vmem_shared>> -> memref<10000x16xf32, #tpu.memory_space<vmem_shared>>
        tpu.wait_indirect_dma semaphore(%run_scoped3A_59 : memref<!tpu.dma_semaphore, #tpu.memory_space<semaphore_mem>>) src(%dma_wait3A_71 : memref<125x16xf32, #tpu.memory_space<vmem>>) dst(%dma_wait3A_77 : memref<10000x16xf32, #tpu.memory_space<vmem_shared>>)
        tpu.yield
      }) : () -> ()
      %run_scoped3A_52 = arith.constant 2 : i32
      "tpu.region"() ({
        %run_scoped3A_59 = tpu.sem_alloc : memref<!tpu.dma_semaphore, #tpu.memory_space<semaphore_mem>>
        %dma_start3A_60 = arith.constant 250 : i32
        %dma_start3A_61 = arith.constant 0 : i32
        %dma_start3A_62 = tpu.memref_slice %arg8[%dma_start3A_60, %dma_start3A_61] : memref<1000x16xf32, #tpu.memory_space<vmem>> -> memref<125x16xf32, #tpu.memory_space<vmem>>
        %dma_start3A_63 = arith.constant 0 : i32
        %dma_start3A_64 = tpu.memref_slice %arg7[%run_scoped3A_52, %dma_start3A_63] : memref<8x125xi32, #tpu.memory_space<vmem>> -> memref<1x125xi32, #tpu.memory_space<vmem>>
        %dma_start3A_65 = tpu.memref_squeeze %dma_start3A_64 : memref<1x125xi32, #tpu.memory_space<vmem>> -> memref<125xi32, #tpu.memory_space<vmem>>
        %dma_start3A_66 = arith.constant 0 : i32
        %dma_start3A_67 = arith.constant 0 : i32
        %dma_start3A_68 = tpu.memref_slice %arg9[%dma_start3A_66, %dma_start3A_67] : memref<10000x16xf32, #tpu.memory_space<vmem_shared>> -> memref<10000x16xf32, #tpu.memory_space<vmem_shared>>
        tpu.enqueue_indirect_dma source(%dma_start3A_62 : memref<125x16xf32, #tpu.memory_space<vmem>>) target(%dma_start3A_68 : memref<10000x16xf32, #tpu.memory_space<vmem_shared>>) offsets(%dma_start3A_65 : memref<125xi32, #tpu.memory_space<vmem>>) semaphore(%run_scoped3A_59 : memref<!tpu.dma_semaphore, #tpu.memory_space<semaphore_mem>>) {add = true}
        %dma_wait3A_69 = arith.constant 250 : i32
        %dma_wait3A_70 = arith.constant 0 : i32
        %dma_wait3A_71 = tpu.memref_slice %arg8[%dma_wait3A_69, %dma_wait3A_70] : memref<1000x16xf32, #tpu.memory_space<vmem>> -> memref<125x16xf32, #tpu.memory_space<vmem>>
        %dma_wait3A_72 = arith.constant 0 : i32
        %dma_wait3A_73 = tpu.memref_slice %arg7[%run_scoped3A_52, %dma_wait3A_72] : memref<8x125xi32, #tpu.memory_space<vmem>> -> memref<1x125xi32, #tpu.memory_space<vmem>>
        %dma_wait3A_74 = tpu.memref_squeeze %dma_wait3A_73 : memref<1x125xi32, #tpu.memory_space<vmem>> -> memref<125xi32, #tpu.memory_space<vmem>>
        %dma_wait3A_75 = arith.constant 0 : i32
        %dma_wait3A_76 = arith.constant 0 : i32
        %dma_wait3A_77 = tpu.memref_slice %arg9[%dma_wait3A_75, %dma_wait3A_76] : memref<10000x16xf32, #tpu.memory_space<vmem_shared>> -> memref<10000x16xf32, #tpu.memory_space<vmem_shared>>
        tpu.wait_indirect_dma semaphore(%run_scoped3A_59 : memref<!tpu.dma_semaphore, #tpu.memory_space<semaphore_mem>>) src(%dma_wait3A_71 : memref<125x16xf32, #tpu.memory_space<vmem>>) dst(%dma_wait3A_77 : memref<10000x16xf32, #tpu.memory_space<vmem_shared>>)
        tpu.yield
      }) : () -> ()
      %run_scoped3A_53 = arith.constant 3 : i32
      "tpu.region"() ({
        %run_scoped3A_59 = tpu.sem_alloc : memref<!tpu.dma_semaphore, #tpu.memory_space<semaphore_mem>>
        %dma_start3A_60 = arith.constant 375 : i32
        %dma_start3A_61 = arith.constant 0 : i32
        %dma_start3A_62 = tpu.memref_slice %arg8[%dma_start3A_60, %dma_start3A_61] : memref<1000x16xf32, #tpu.memory_space<vmem>> -> memref<125x16xf32, #tpu.memory_space<vmem>>
        %dma_start3A_63 = arith.constant 0 : i32
        %dma_start3A_64 = tpu.memref_slice %arg7[%run_scoped3A_53, %dma_start3A_63] : memref<8x125xi32, #tpu.memory_space<vmem>> -> memref<1x125xi32, #tpu.memory_space<vmem>>
        %dma_start3A_65 = tpu.memref_squeeze %dma_start3A_64 : memref<1x125xi32, #tpu.memory_space<vmem>> -> memref<125xi32, #tpu.memory_space<vmem>>
        %dma_start3A_66 = arith.constant 0 : i32
        %dma_start3A_67 = arith.constant 0 : i32
        %dma_start3A_68 = tpu.memref_slice %arg9[%dma_start3A_66, %dma_start3A_67] : memref<10000x16xf32, #tpu.memory_space<vmem_shared>> -> memref<10000x16xf32, #tpu.memory_space<vmem_shared>>
        tpu.enqueue_indirect_dma source(%dma_start3A_62 : memref<125x16xf32, #tpu.memory_space<vmem>>) target(%dma_start3A_68 : memref<10000x16xf32, #tpu.memory_space<vmem_shared>>) offsets(%dma_start3A_65 : memref<125xi32, #tpu.memory_space<vmem>>) semaphore(%run_scoped3A_59 : memref<!tpu.dma_semaphore, #tpu.memory_space<semaphore_mem>>) {add = true}
        %dma_wait3A_69 = arith.constant 375 : i32
        %dma_wait3A_70 = arith.constant 0 : i32
        %dma_wait3A_71 = tpu.memref_slice %arg8[%dma_wait3A_69, %dma_wait3A_70] : memref<1000x16xf32, #tpu.memory_space<vmem>> -> memref<125x16xf32, #tpu.memory_space<vmem>>
        %dma_wait3A_72 = arith.constant 0 : i32
        %dma_wait3A_73 = tpu.memref_slice %arg7[%run_scoped3A_53, %dma_wait3A_72] : memref<8x125xi32, #tpu.memory_space<vmem>> -> memref<1x125xi32, #tpu.memory_space<vmem>>
        %dma_wait3A_74 = tpu.memref_squeeze %dma_wait3A_73 : memref<1x125xi32, #tpu.memory_space<vmem>> -> memref<125xi32, #tpu.memory_space<vmem>>
        %dma_wait3A_75 = arith.constant 0 : i32
        %dma_wait3A_76 = arith.constant 0 : i32
        %dma_wait3A_77 = tpu.memref_slice %arg9[%dma_wait3A_75, %dma_wait3A_76] : memref<10000x16xf32, #tpu.memory_space<vmem_shared>> -> memref<10000x16xf32, #tpu.memory_space<vmem_shared>>
        tpu.wait_indirect_dma semaphore(%run_scoped3A_59 : memref<!tpu.dma_semaphore, #tpu.memory_space<semaphore_mem>>) src(%dma_wait3A_71 : memref<125x16xf32, #tpu.memory_space<vmem>>) dst(%dma_wait3A_77 : memref<10000x16xf32, #tpu.memory_space<vmem_shared>>)
        tpu.yield
      }) : () -> ()
      %run_scoped3A_54 = arith.constant 4 : i32
      "tpu.region"() ({
        %run_scoped3A_59 = tpu.sem_alloc : memref<!tpu.dma_semaphore, #tpu.memory_space<semaphore_mem>>
        %dma_start3A_60 = arith.constant 500 : i32
        %dma_start3A_61 = arith.constant 0 : i32
        %dma_start3A_62 = tpu.memref_slice %arg8[%dma_start3A_60, %dma_start3A_61] : memref<1000x16xf32, #tpu.memory_space<vmem>> -> memref<125x16xf32, #tpu.memory_space<vmem>>
        %dma_start3A_63 = arith.constant 0 : i32
        %dma_start3A_64 = tpu.memref_slice %arg7[%run_scoped3A_54, %dma_start3A_63] : memref<8x125xi32, #tpu.memory_space<vmem>> -> memref<1x125xi32, #tpu.memory_space<vmem>>
        %dma_start3A_65 = tpu.memref_squeeze %dma_start3A_64 : memref<1x125xi32, #tpu.memory_space<vmem>> -> memref<125xi32, #tpu.memory_space<vmem>>
        %dma_start3A_66 = arith.constant 0 : i32
        %dma_start3A_67 = arith.constant 0 : i32
        %dma_start3A_68 = tpu.memref_slice %arg9[%dma_start3A_66, %dma_start3A_67] : memref<10000x16xf32, #tpu.memory_space<vmem_shared>> -> memref<10000x16xf32, #tpu.memory_space<vmem_shared>>
        tpu.enqueue_indirect_dma source(%dma_start3A_62 : memref<125x16xf32, #tpu.memory_space<vmem>>) target(%dma_start3A_68 : memref<10000x16xf32, #tpu.memory_space<vmem_shared>>) offsets(%dma_start3A_65 : memref<125xi32, #tpu.memory_space<vmem>>) semaphore(%run_scoped3A_59 : memref<!tpu.dma_semaphore, #tpu.memory_space<semaphore_mem>>) {add = true}
        %dma_wait3A_69 = arith.constant 500 : i32
        %dma_wait3A_70 = arith.constant 0 : i32
        %dma_wait3A_71 = tpu.memref_slice %arg8[%dma_wait3A_69, %dma_wait3A_70] : memref<1000x16xf32, #tpu.memory_space<vmem>> -> memref<125x16xf32, #tpu.memory_space<vmem>>
        %dma_wait3A_72 = arith.constant 0 : i32
        %dma_wait3A_73 = tpu.memref_slice %arg7[%run_scoped3A_54, %dma_wait3A_72] : memref<8x125xi32, #tpu.memory_space<vmem>> -> memref<1x125xi32, #tpu.memory_space<vmem>>
        %dma_wait3A_74 = tpu.memref_squeeze %dma_wait3A_73 : memref<1x125xi32, #tpu.memory_space<vmem>> -> memref<125xi32, #tpu.memory_space<vmem>>
        %dma_wait3A_75 = arith.constant 0 : i32
        %dma_wait3A_76 = arith.constant 0 : i32
        %dma_wait3A_77 = tpu.memref_slice %arg9[%dma_wait3A_75, %dma_wait3A_76] : memref<10000x16xf32, #tpu.memory_space<vmem_shared>> -> memref<10000x16xf32, #tpu.memory_space<vmem_shared>>
        tpu.wait_indirect_dma semaphore(%run_scoped3A_59 : memref<!tpu.dma_semaphore, #tpu.memory_space<semaphore_mem>>) src(%dma_wait3A_71 : memref<125x16xf32, #tpu.memory_space<vmem>>) dst(%dma_wait3A_77 : memref<10000x16xf32, #tpu.memory_space<vmem_shared>>)
        tpu.yield
      }) : () -> ()
      %run_scoped3A_55 = arith.constant 5 : i32
      "tpu.region"() ({
        %run_scoped3A_59 = tpu.sem_alloc : memref<!tpu.dma_semaphore, #tpu.memory_space<semaphore_mem>>
        %dma_start3A_60 = arith.constant 625 : i32
        %dma_start3A_61 = arith.constant 0 : i32
        %dma_start3A_62 = tpu.memref_slice %arg8[%dma_start3A_60, %dma_start3A_61] : memref<1000x16xf32, #tpu.memory_space<vmem>> -> memref<125x16xf32, #tpu.memory_space<vmem>>
        %dma_start3A_63 = arith.constant 0 : i32
        %dma_start3A_64 = tpu.memref_slice %arg7[%run_scoped3A_55, %dma_start3A_63] : memref<8x125xi32, #tpu.memory_space<vmem>> -> memref<1x125xi32, #tpu.memory_space<vmem>>
        %dma_start3A_65 = tpu.memref_squeeze %dma_start3A_64 : memref<1x125xi32, #tpu.memory_space<vmem>> -> memref<125xi32, #tpu.memory_space<vmem>>
        %dma_start3A_66 = arith.constant 0 : i32
        %dma_start3A_67 = arith.constant 0 : i32
        %dma_start3A_68 = tpu.memref_slice %arg9[%dma_start3A_66, %dma_start3A_67] : memref<10000x16xf32, #tpu.memory_space<vmem_shared>> -> memref<10000x16xf32, #tpu.memory_space<vmem_shared>>
        tpu.enqueue_indirect_dma source(%dma_start3A_62 : memref<125x16xf32, #tpu.memory_space<vmem>>) target(%dma_start3A_68 : memref<10000x16xf32, #tpu.memory_space<vmem_shared>>) offsets(%dma_start3A_65 : memref<125xi32, #tpu.memory_space<vmem>>) semaphore(%run_scoped3A_59 : memref<!tpu.dma_semaphore, #tpu.memory_space<semaphore_mem>>) {add = true}
        %dma_wait3A_69 = arith.constant 625 : i32
        %dma_wait3A_70 = arith.constant 0 : i32
        %dma_wait3A_71 = tpu.memref_slice %arg8[%dma_wait3A_69, %dma_wait3A_70] : memref<1000x16xf32, #tpu.memory_space<vmem>> -> memref<125x16xf32, #tpu.memory_space<vmem>>
        %dma_wait3A_72 = arith.constant 0 : i32
        %dma_wait3A_73 = tpu.memref_slice %arg7[%run_scoped3A_55, %dma_wait3A_72] : memref<8x125xi32, #tpu.memory_space<vmem>> -> memref<1x125xi32, #tpu.memory_space<vmem>>
        %dma_wait3A_74 = tpu.memref_squeeze %dma_wait3A_73 : memref<1x125xi32, #tpu.memory_space<vmem>> -> memref<125xi32, #tpu.memory_space<vmem>>
        %dma_wait3A_75 = arith.constant 0 : i32
        %dma_wait3A_76 = arith.constant 0 : i32
        %dma_wait3A_77 = tpu.memref_slice %arg9[%dma_wait3A_75, %dma_wait3A_76] : memref<10000x16xf32, #tpu.memory_space<vmem_shared>> -> memref<10000x16xf32, #tpu.memory_space<vmem_shared>>
        tpu.wait_indirect_dma semaphore(%run_scoped3A_59 : memref<!tpu.dma_semaphore, #tpu.memory_space<semaphore_mem>>) src(%dma_wait3A_71 : memref<125x16xf32, #tpu.memory_space<vmem>>) dst(%dma_wait3A_77 : memref<10000x16xf32, #tpu.memory_space<vmem_shared>>)
        tpu.yield
      }) : () -> ()
      %run_scoped3A_56 = arith.constant 6 : i32
      "tpu.region"() ({
        %run_scoped3A_59 = tpu.sem_alloc : memref<!tpu.dma_semaphore, #tpu.memory_space<semaphore_mem>>
        %dma_start3A_60 = arith.constant 750 : i32
        %dma_start3A_61 = arith.constant 0 : i32
        %dma_start3A_62 = tpu.memref_slice %arg8[%dma_start3A_60, %dma_start3A_61] : memref<1000x16xf32, #tpu.memory_space<vmem>> -> memref<125x16xf32, #tpu.memory_space<vmem>>
        %dma_start3A_63 = arith.constant 0 : i32
        %dma_start3A_64 = tpu.memref_slice %arg7[%run_scoped3A_56, %dma_start3A_63] : memref<8x125xi32, #tpu.memory_space<vmem>> -> memref<1x125xi32, #tpu.memory_space<vmem>>
        %dma_start3A_65 = tpu.memref_squeeze %dma_start3A_64 : memref<1x125xi32, #tpu.memory_space<vmem>> -> memref<125xi32, #tpu.memory_space<vmem>>
        %dma_start3A_66 = arith.constant 0 : i32
        %dma_start3A_67 = arith.constant 0 : i32
        %dma_start3A_68 = tpu.memref_slice %arg9[%dma_start3A_66, %dma_start3A_67] : memref<10000x16xf32, #tpu.memory_space<vmem_shared>> -> memref<10000x16xf32, #tpu.memory_space<vmem_shared>>
        tpu.enqueue_indirect_dma source(%dma_start3A_62 : memref<125x16xf32, #tpu.memory_space<vmem>>) target(%dma_start3A_68 : memref<10000x16xf32, #tpu.memory_space<vmem_shared>>) offsets(%dma_start3A_65 : memref<125xi32, #tpu.memory_space<vmem>>) semaphore(%run_scoped3A_59 : memref<!tpu.dma_semaphore, #tpu.memory_space<semaphore_mem>>) {add = true}
        %dma_wait3A_69 = arith.constant 750 : i32
        %dma_wait3A_70 = arith.constant 0 : i32
        %dma_wait3A_71 = tpu.memref_slice %arg8[%dma_wait3A_69, %dma_wait3A_70] : memref<1000x16xf32, #tpu.memory_space<vmem>> -> memref<125x16xf32, #tpu.memory_space<vmem>>
        %dma_wait3A_72 = arith.constant 0 : i32
        %dma_wait3A_73 = tpu.memref_slice %arg7[%run_scoped3A_56, %dma_wait3A_72] : memref<8x125xi32, #tpu.memory_space<vmem>> -> memref<1x125xi32, #tpu.memory_space<vmem>>
        %dma_wait3A_74 = tpu.memref_squeeze %dma_wait3A_73 : memref<1x125xi32, #tpu.memory_space<vmem>> -> memref<125xi32, #tpu.memory_space<vmem>>
        %dma_wait3A_75 = arith.constant 0 : i32
        %dma_wait3A_76 = arith.constant 0 : i32
        %dma_wait3A_77 = tpu.memref_slice %arg9[%dma_wait3A_75, %dma_wait3A_76] : memref<10000x16xf32, #tpu.memory_space<vmem_shared>> -> memref<10000x16xf32, #tpu.memory_space<vmem_shared>>
        tpu.wait_indirect_dma semaphore(%run_scoped3A_59 : memref<!tpu.dma_semaphore, #tpu.memory_space<semaphore_mem>>) src(%dma_wait3A_71 : memref<125x16xf32, #tpu.memory_space<vmem>>) dst(%dma_wait3A_77 : memref<10000x16xf32, #tpu.memory_space<vmem_shared>>)
        tpu.yield
      }) : () -> ()
      %run_scoped3A_57 = arith.constant 7 : i32
      "tpu.region"() ({
        %run_scoped3A_59 = tpu.sem_alloc : memref<!tpu.dma_semaphore, #tpu.memory_space<semaphore_mem>>
        %dma_start3A_60 = arith.constant 875 : i32
        %dma_start3A_61 = arith.constant 0 : i32
        %dma_start3A_62 = tpu.memref_slice %arg8[%dma_start3A_60, %dma_start3A_61] : memref<1000x16xf32, #tpu.memory_space<vmem>> -> memref<125x16xf32, #tpu.memory_space<vmem>>
        %dma_start3A_63 = arith.constant 0 : i32
        %dma_start3A_64 = tpu.memref_slice %arg7[%run_scoped3A_57, %dma_start3A_63] : memref<8x125xi32, #tpu.memory_space<vmem>> -> memref<1x125xi32, #tpu.memory_space<vmem>>
        %dma_start3A_65 = tpu.memref_squeeze %dma_start3A_64 : memref<1x125xi32, #tpu.memory_space<vmem>> -> memref<125xi32, #tpu.memory_space<vmem>>
        %dma_start3A_66 = arith.constant 0 : i32
        %dma_start3A_67 = arith.constant 0 : i32
        %dma_start3A_68 = tpu.memref_slice %arg9[%dma_start3A_66, %dma_start3A_67] : memref<10000x16xf32, #tpu.memory_space<vmem_shared>> -> memref<10000x16xf32, #tpu.memory_space<vmem_shared>>
        tpu.enqueue_indirect_dma source(%dma_start3A_62 : memref<125x16xf32, #tpu.memory_space<vmem>>) target(%dma_start3A_68 : memref<10000x16xf32, #tpu.memory_space<vmem_shared>>) offsets(%dma_start3A_65 : memref<125xi32, #tpu.memory_space<vmem>>) semaphore(%run_scoped3A_59 : memref<!tpu.dma_semaphore, #tpu.memory_space<semaphore_mem>>) {add = true}
        %dma_wait3A_69 = arith.constant 875 : i32
        %dma_wait3A_70 = arith.constant 0 : i32
        %dma_wait3A_71 = tpu.memref_slice %arg8[%dma_wait3A_69, %dma_wait3A_70] : memref<1000x16xf32, #tpu.memory_space<vmem>> -> memref<125x16xf32, #tpu.memory_space<vmem>>
        %dma_wait3A_72 = arith.constant 0 : i32
        %dma_wait3A_73 = tpu.memref_slice %arg7[%run_scoped3A_57, %dma_wait3A_72] : memref<8x125xi32, #tpu.memory_space<vmem>> -> memref<1x125xi32, #tpu.memory_space<vmem>>
        %dma_wait3A_74 = tpu.memref_squeeze %dma_wait3A_73 : memref<1x125xi32, #tpu.memory_space<vmem>> -> memref<125xi32, #tpu.memory_space<vmem>>
        %dma_wait3A_75 = arith.constant 0 : i32
        %dma_wait3A_76 = arith.constant 0 : i32
        %dma_wait3A_77 = tpu.memref_slice %arg9[%dma_wait3A_75, %dma_wait3A_76] : memref<10000x16xf32, #tpu.memory_space<vmem_shared>> -> memref<10000x16xf32, #tpu.memory_space<vmem_shared>>
        tpu.wait_indirect_dma semaphore(%run_scoped3A_59 : memref<!tpu.dma_semaphore, #tpu.memory_space<semaphore_mem>>) src(%dma_wait3A_71 : memref<125x16xf32, #tpu.memory_space<vmem>>) dst(%dma_wait3A_77 : memref<10000x16xf32, #tpu.memory_space<vmem_shared>>)
        tpu.yield
      }) : () -> ()
      %scan3A_58 = arith.constant 0 : i32
      scf.yield %scan3A_58 : i32
    }
    %scan3A_8 = arith.constant 10 : i32
    %barrier3A_9 = arith.constant 0 : index
    tpu.barrier barrier_id(%barrier3A_9)
    %eq3A_10 = arith.constant 0 : i32
    %eq3A_11 = arith.cmpi eq, %arg1, %eq3A_10 : i32
    %eq3A_12 = arith.constant 0 : i32
    %eq3A_13 = arith.cmpi eq, %arg0, %eq3A_12 : i32
    %and3A = arith.andi %eq3A_11, %eq3A_13 : i1
    %convert_element_type3A_14 = arith.extui %and3A : i1 to i32
    %cond3A_15 = arith.constant 0 : i32
    %cond3A_16 = arith.cmpi ne, %convert_element_type3A_14, %cond3A_15 : i32
    scf.if %cond3A_16 {
      "tpu.region"() ({
        %run_scoped3A = tpu.sem_alloc : memref<!tpu.dma_semaphore, #tpu.memory_space<semaphore_mem>>
        tpu.enqueue_dma source(%arg9 : memref<10000x16xf32, #tpu.memory_space<vmem_shared>>) target(%arg5 : memref<10000x16xf32, #tpu.memory_space<hbm>>) target_semaphore(%run_scoped3A : memref<!tpu.dma_semaphore, #tpu.memory_space<semaphore_mem>>)
        tpu.wait_dma2 semaphore(%run_scoped3A : memref<!tpu.dma_semaphore, #tpu.memory_space<semaphore_mem>>) src(%arg9 : memref<10000x16xf32, #tpu.memory_space<vmem_shared>>) dst(%arg5 : memref<10000x16xf32, #tpu.memory_space<hbm>>)
        tpu.yield
      }) : () -> ()
    } else {
    }
    %eq3A_17 = arith.constant 0 : i32
    %eq3A_18 = arith.cmpi eq, %arg1, %eq3A_17 : i32
    %eq3A_19 = arith.constant 1 : i32
    %eq3A_20 = arith.cmpi eq, %arg0, %eq3A_19 : i32
    %and3A_21 = arith.andi %eq3A_18, %eq3A_20 : i1
    %convert_element_type3A_22 = arith.extui %and3A_21 : i1 to i32
    %cond3A_23 = arith.constant 0 : i32
    %cond3A_24 = arith.cmpi ne, %convert_element_type3A_22, %cond3A_23 : i32
    scf.if %cond3A_24 {
      "tpu.region"() ({
        %run_scoped3A = tpu.sem_alloc : memref<!tpu.dma_semaphore, #tpu.memory_space<semaphore_mem>>
        tpu.enqueue_dma source(%arg9 : memref<10000x16xf32, #tpu.memory_space<vmem_shared>>) target(%arg6 : memref<10000x16xf32, #tpu.memory_space<hbm>>) target_semaphore(%run_scoped3A : memref<!tpu.dma_semaphore, #tpu.memory_space<semaphore_mem>>)
        tpu.wait_dma2 semaphore(%run_scoped3A : memref<!tpu.dma_semaphore, #tpu.memory_space<semaphore_mem>>) src(%arg9 : memref<10000x16xf32, #tpu.memory_space<vmem_shared>>) dst(%arg6 : memref<10000x16xf32, #tpu.memory_space<hbm>>)
        tpu.yield
      }) : () -> ()
    } else {
    }
    return
  }
}

#map = affine_map<(d0, d1) -> (0, 0)>
module attributes {stable_mosaic.version = 14 : i64} {
  func.func @gather_srow(%arg0: i32, %arg1: i32, %arg2: memref<10000x16xf32, #tpu.memory_space<hbm>>, %arg3: memref<10000x16xf32, #tpu.memory_space<hbm>>, %arg4: memref<2560x125xi32, #tpu.memory_space<hbm>>, %arg5: memref<320000x16xf32, #tpu.memory_space<hbm>>, %arg6: memref<320000x16xf32, #tpu.memory_space<hbm>>, %arg7: memref<8x125xi32, #tpu.memory_space<vmem>>, %arg8: memref<1000x16xf32, #tpu.memory_space<vmem>>, %arg9: memref<1000x16xf32, #tpu.memory_space<vmem>>, %arg10: memref<10000x16xf32, #tpu.memory_space<vmem_shared>>, %arg11: memref<10000x16xf32, #tpu.memory_space<vmem_shared>>, %arg12: memref<!tpu.dma_semaphore, #tpu.memory_space<semaphore_mem>>, %arg13: memref<!tpu.dma_semaphore, #tpu.memory_space<semaphore_mem>>, %arg14: memref<!tpu.dma_semaphore, #tpu.memory_space<semaphore_mem>>, %arg15: memref<!tpu.dma_semaphore, #tpu.memory_space<semaphore_mem>>) attributes {dimension_semantics = [#tpu.dimension_semantics<core_parallel>, #tpu.dimension_semantics<subcore_parallel>], iteration_bounds = array<i64: 2, 16>, scalar_prefetch = 0 : i64, scratch_operands = 9 : i64, tpu.core_type = #tpu.core_type<sc_vector_subcore>, window_params = [{transform_indices = #map}, {transform_indices = #map}, {transform_indices = #map}, {transform_indices = #map}, {transform_indices = #map}]} {
    %eq3A = arith.constant 0 : i32
    %eq3A_0 = arith.cmpi eq, %arg1, %eq3A : i32
    %convert_element_type3A = arith.extui %eq3A_0 : i1 to i32
    %cond3A = arith.constant 0 : i32
    %cond3A_1 = arith.cmpi ne, %convert_element_type3A, %cond3A : i32
    scf.if %cond3A_1 {
      "tpu.region"() ({
        %run_scoped3A = tpu.sem_alloc : memref<!tpu.dma_semaphore, #tpu.memory_space<semaphore_mem>>
        tpu.enqueue_dma source(%arg2 : memref<10000x16xf32, #tpu.memory_space<hbm>>) target(%arg10 : memref<10000x16xf32, #tpu.memory_space<vmem_shared>>) target_semaphore(%run_scoped3A : memref<!tpu.dma_semaphore, #tpu.memory_space<semaphore_mem>>)
        tpu.wait_dma2 semaphore(%run_scoped3A : memref<!tpu.dma_semaphore, #tpu.memory_space<semaphore_mem>>) src(%arg2 : memref<10000x16xf32, #tpu.memory_space<hbm>>) dst(%arg10 : memref<10000x16xf32, #tpu.memory_space<vmem_shared>>)
        tpu.yield
      }) : () -> ()
    } else {
    }
    %eq3A_2 = arith.constant 1 : i32
    %eq3A_3 = arith.cmpi eq, %arg1, %eq3A_2 : i32
    %convert_element_type3A_4 = arith.extui %eq3A_3 : i1 to i32
    %cond3A_5 = arith.constant 0 : i32
    %cond3A_6 = arith.cmpi ne, %convert_element_type3A_4, %cond3A_5 : i32
    scf.if %cond3A_6 {
      "tpu.region"() ({
        %run_scoped3A = tpu.sem_alloc : memref<!tpu.dma_semaphore, #tpu.memory_space<semaphore_mem>>
        tpu.enqueue_dma source(%arg3 : memref<10000x16xf32, #tpu.memory_space<hbm>>) target(%arg11 : memref<10000x16xf32, #tpu.memory_space<vmem_shared>>) target_semaphore(%run_scoped3A : memref<!tpu.dma_semaphore, #tpu.memory_space<semaphore_mem>>)
        tpu.wait_dma2 semaphore(%run_scoped3A : memref<!tpu.dma_semaphore, #tpu.memory_space<semaphore_mem>>) src(%arg3 : memref<10000x16xf32, #tpu.memory_space<hbm>>) dst(%arg11 : memref<10000x16xf32, #tpu.memory_space<vmem_shared>>)
        tpu.yield
      }) : () -> ()
    } else {
    }
    %barrier3A = arith.constant 0 : index
    tpu.barrier barrier_id(%barrier3A)
    %mul3A = arith.constant 2 : i32
    %mul3A_7 = arith.muli %arg1, %mul3A : i32
    %add3A = arith.addi %mul3A_7, %arg0 : i32
    %scan3A = arith.constant 0 : i32
    %scan3A_8 = arith.constant 0 : i32
    %scan3A_9 = arith.constant 10 : i32
    %scan3A_10 = arith.addi %scan3A_8, %scan3A_9 : i32
    %scan3A_11 = arith.constant 1 : i32
    %scan3A_12 = scf.for %scan3A_14 = %scan3A_8 to %scan3A_10 step %scan3A_11 iter_args(%scan3A_15 = %scan3A) -> (i32)  : i32 {
      %mul3A_16 = arith.constant 80 : i32
      %mul3A_17 = arith.muli %add3A, %mul3A_16 : i32
      %mul3A_18 = arith.constant 8 : i32
      %mul3A_19 = arith.muli %scan3A_14, %mul3A_18 : i32
      %add3A_20 = arith.addi %mul3A_17, %mul3A_19 : i32
      "tpu.region"() ({
        %run_scoped3A = tpu.sem_alloc : memref<!tpu.dma_semaphore, #tpu.memory_space<semaphore_mem>>
        %dma_start3A_361 = arith.constant 0 : i32
        %dma_start3A_362 = tpu.memref_slice %arg4[%add3A_20, %dma_start3A_361] : memref<2560x125xi32, #tpu.memory_space<hbm>> -> memref<8x125xi32, #tpu.memory_space<hbm>>
        %dma_start3A_363 = arith.constant 0 : i32
        %dma_start3A_364 = tpu.memref_slice %arg4[%add3A_20, %dma_start3A_363] : memref<2560x125xi32, #tpu.memory_space<hbm>> -> memref<8x125xi32, #tpu.memory_space<hbm>>
        tpu.enqueue_dma source(%dma_start3A_364 : memref<8x125xi32, #tpu.memory_space<hbm>>) target(%arg7 : memref<8x125xi32, #tpu.memory_space<vmem>>) target_semaphore(%run_scoped3A : memref<!tpu.dma_semaphore, #tpu.memory_space<semaphore_mem>>)
        %dma_wait3A_365 = arith.constant 0 : i32
        %dma_wait3A_366 = tpu.memref_slice %arg4[%add3A_20, %dma_wait3A_365] : memref<2560x125xi32, #tpu.memory_space<hbm>> -> memref<8x125xi32, #tpu.memory_space<hbm>>
        %dma_wait3A_367 = arith.constant 0 : i32
        %dma_wait3A_368 = tpu.memref_slice %arg4[%add3A_20, %dma_wait3A_367] : memref<2560x125xi32, #tpu.memory_space<hbm>> -> memref<8x125xi32, #tpu.memory_space<hbm>>
        tpu.wait_dma2 semaphore(%run_scoped3A : memref<!tpu.dma_semaphore, #tpu.memory_space<semaphore_mem>>) src(%dma_wait3A_368 : memref<8x125xi32, #tpu.memory_space<hbm>>) dst(%arg7 : memref<8x125xi32, #tpu.memory_space<vmem>>)
        tpu.yield
      }) : () -> ()
      %dma_start3A = arith.constant 0 : i32
      %dma_start3A_21 = arith.constant 0 : i32
      %dma_start3A_22 = arith.constant 0 : i32
      %dma_start3A_23 = tpu.memref_slice %arg8[%dma_start3A_21, %dma_start3A_22] : memref<1000x16xf32, #tpu.memory_space<vmem>> -> memref<125x16xf32, #tpu.memory_space<vmem>>
      %dma_start3A_24 = arith.constant 0 : i32
      %dma_start3A_25 = tpu.memref_slice %arg7[%dma_start3A, %dma_start3A_24] : memref<8x125xi32, #tpu.memory_space<vmem>> -> memref<1x125xi32, #tpu.memory_space<vmem>>
      %dma_start3A_26 = tpu.memref_squeeze %dma_start3A_25 : memref<1x125xi32, #tpu.memory_space<vmem>> -> memref<125xi32, #tpu.memory_space<vmem>>
      %dma_start3A_27 = arith.constant 0 : i32
      %dma_start3A_28 = arith.constant 0 : i32
      %dma_start3A_29 = tpu.memref_slice %arg10[%dma_start3A_27, %dma_start3A_28] : memref<10000x16xf32, #tpu.memory_space<vmem_shared>> -> memref<10000x16xf32, #tpu.memory_space<vmem_shared>>
      tpu.enqueue_indirect_dma source(%dma_start3A_29 : memref<10000x16xf32, #tpu.memory_space<vmem_shared>>) target(%dma_start3A_23 : memref<125x16xf32, #tpu.memory_space<vmem>>) offsets(%dma_start3A_26 : memref<125xi32, #tpu.memory_space<vmem>>) semaphore(%arg12 : memref<!tpu.dma_semaphore, #tpu.memory_space<semaphore_mem>>)
      %dma_start3A_30 = arith.constant 0 : i32
      %dma_start3A_31 = arith.constant 0 : i32
      %dma_start3A_32 = arith.constant 0 : i32
      %dma_start3A_33 = tpu.memref_slice %arg9[%dma_start3A_31, %dma_start3A_32] : memref<1000x16xf32, #tpu.memory_space<vmem>> -> memref<125x16xf32, #tpu.memory_space<vmem>>
      %dma_start3A_34 = arith.constant 0 : i32
      %dma_start3A_35 = tpu.memref_slice %arg7[%dma_start3A_30, %dma_start3A_34] : memref<8x125xi32, #tpu.memory_space<vmem>> -> memref<1x125xi32, #tpu.memory_space<vmem>>
      %dma_start3A_36 = tpu.memref_squeeze %dma_start3A_35 : memref<1x125xi32, #tpu.memory_space<vmem>> -> memref<125xi32, #tpu.memory_space<vmem>>
      %dma_start3A_37 = arith.constant 0 : i32
      %dma_start3A_38 = arith.constant 0 : i32
      %dma_start3A_39 = tpu.memref_slice %arg11[%dma_start3A_37, %dma_start3A_38] : memref<10000x16xf32, #tpu.memory_space<vmem_shared>> -> memref<10000x16xf32, #tpu.memory_space<vmem_shared>>
      tpu.enqueue_indirect_dma source(%dma_start3A_39 : memref<10000x16xf32, #tpu.memory_space<vmem_shared>>) target(%dma_start3A_33 : memref<125x16xf32, #tpu.memory_space<vmem>>) offsets(%dma_start3A_36 : memref<125xi32, #tpu.memory_space<vmem>>) semaphore(%arg13 : memref<!tpu.dma_semaphore, #tpu.memory_space<semaphore_mem>>)
      %dma_start3A_40 = arith.constant 1 : i32
      %dma_start3A_41 = arith.constant 125 : i32
      %dma_start3A_42 = arith.constant 0 : i32
      %dma_start3A_43 = tpu.memref_slice %arg8[%dma_start3A_41, %dma_start3A_42] : memref<1000x16xf32, #tpu.memory_space<vmem>> -> memref<125x16xf32, #tpu.memory_space<vmem>>
      %dma_start3A_44 = arith.constant 0 : i32
      %dma_start3A_45 = tpu.memref_slice %arg7[%dma_start3A_40, %dma_start3A_44] : memref<8x125xi32, #tpu.memory_space<vmem>> -> memref<1x125xi32, #tpu.memory_space<vmem>>
      %dma_start3A_46 = tpu.memref_squeeze %dma_start3A_45 : memref<1x125xi32, #tpu.memory_space<vmem>> -> memref<125xi32, #tpu.memory_space<vmem>>
      %dma_start3A_47 = arith.constant 0 : i32
      %dma_start3A_48 = arith.constant 0 : i32
      %dma_start3A_49 = tpu.memref_slice %arg10[%dma_start3A_47, %dma_start3A_48] : memref<10000x16xf32, #tpu.memory_space<vmem_shared>> -> memref<10000x16xf32, #tpu.memory_space<vmem_shared>>
      tpu.enqueue_indirect_dma source(%dma_start3A_49 : memref<10000x16xf32, #tpu.memory_space<vmem_shared>>) target(%dma_start3A_43 : memref<125x16xf32, #tpu.memory_space<vmem>>) offsets(%dma_start3A_46 : memref<125xi32, #tpu.memory_space<vmem>>) semaphore(%arg12 : memref<!tpu.dma_semaphore, #tpu.memory_space<semaphore_mem>>)
      %dma_start3A_50 = arith.constant 1 : i32
      %dma_start3A_51 = arith.constant 125 : i32
      %dma_start3A_52 = arith.constant 0 : i32
      %dma_start3A_53 = tpu.memref_slice %arg9[%dma_start3A_51, %dma_start3A_52] : memref<1000x16xf32, #tpu.memory_space<vmem>> -> memref<125x16xf32, #tpu.memory_space<vmem>>
      %dma_start3A_54 = arith.constant 0 : i32
      %dma_start3A_55 = tpu.memref_slice %arg7[%dma_start3A_50, %dma_start3A_54] : memref<8x125xi32, #tpu.memory_space<vmem>> -> memref<1x125xi32, #tpu.memory_space<vmem>>
      %dma_start3A_56 = tpu.memref_squeeze %dma_start3A_55 : memref<1x125xi32, #tpu.memory_space<vmem>> -> memref<125xi32, #tpu.memory_space<vmem>>
      %dma_start3A_57 = arith.constant 0 : i32
      %dma_start3A_58 = arith.constant 0 : i32
      %dma_start3A_59 = tpu.memref_slice %arg11[%dma_start3A_57, %dma_start3A_58] : memref<10000x16xf32, #tpu.memory_space<vmem_shared>> -> memref<10000x16xf32, #tpu.memory_space<vmem_shared>>
      tpu.enqueue_indirect_dma source(%dma_start3A_59 : memref<10000x16xf32, #tpu.memory_space<vmem_shared>>) target(%dma_start3A_53 : memref<125x16xf32, #tpu.memory_space<vmem>>) offsets(%dma_start3A_56 : memref<125xi32, #tpu.memory_space<vmem>>) semaphore(%arg13 : memref<!tpu.dma_semaphore, #tpu.memory_space<semaphore_mem>>)
      %dma_start3A_60 = arith.constant 2 : i32
      %dma_start3A_61 = arith.constant 250 : i32
      %dma_start3A_62 = arith.constant 0 : i32
      %dma_start3A_63 = tpu.memref_slice %arg8[%dma_start3A_61, %dma_start3A_62] : memref<1000x16xf32, #tpu.memory_space<vmem>> -> memref<125x16xf32, #tpu.memory_space<vmem>>
      %dma_start3A_64 = arith.constant 0 : i32
      %dma_start3A_65 = tpu.memref_slice %arg7[%dma_start3A_60, %dma_start3A_64] : memref<8x125xi32, #tpu.memory_space<vmem>> -> memref<1x125xi32, #tpu.memory_space<vmem>>
      %dma_start3A_66 = tpu.memref_squeeze %dma_start3A_65 : memref<1x125xi32, #tpu.memory_space<vmem>> -> memref<125xi32, #tpu.memory_space<vmem>>
      %dma_start3A_67 = arith.constant 0 : i32
      %dma_start3A_68 = arith.constant 0 : i32
      %dma_start3A_69 = tpu.memref_slice %arg10[%dma_start3A_67, %dma_start3A_68] : memref<10000x16xf32, #tpu.memory_space<vmem_shared>> -> memref<10000x16xf32, #tpu.memory_space<vmem_shared>>
      tpu.enqueue_indirect_dma source(%dma_start3A_69 : memref<10000x16xf32, #tpu.memory_space<vmem_shared>>) target(%dma_start3A_63 : memref<125x16xf32, #tpu.memory_space<vmem>>) offsets(%dma_start3A_66 : memref<125xi32, #tpu.memory_space<vmem>>) semaphore(%arg12 : memref<!tpu.dma_semaphore, #tpu.memory_space<semaphore_mem>>)
      %dma_start3A_70 = arith.constant 2 : i32
      %dma_start3A_71 = arith.constant 250 : i32
      %dma_start3A_72 = arith.constant 0 : i32
      %dma_start3A_73 = tpu.memref_slice %arg9[%dma_start3A_71, %dma_start3A_72] : memref<1000x16xf32, #tpu.memory_space<vmem>> -> memref<125x16xf32, #tpu.memory_space<vmem>>
      %dma_start3A_74 = arith.constant 0 : i32
      %dma_start3A_75 = tpu.memref_slice %arg7[%dma_start3A_70, %dma_start3A_74] : memref<8x125xi32, #tpu.memory_space<vmem>> -> memref<1x125xi32, #tpu.memory_space<vmem>>
      %dma_start3A_76 = tpu.memref_squeeze %dma_start3A_75 : memref<1x125xi32, #tpu.memory_space<vmem>> -> memref<125xi32, #tpu.memory_space<vmem>>
      %dma_start3A_77 = arith.constant 0 : i32
      %dma_start3A_78 = arith.constant 0 : i32
      %dma_start3A_79 = tpu.memref_slice %arg11[%dma_start3A_77, %dma_start3A_78] : memref<10000x16xf32, #tpu.memory_space<vmem_shared>> -> memref<10000x16xf32, #tpu.memory_space<vmem_shared>>
      tpu.enqueue_indirect_dma source(%dma_start3A_79 : memref<10000x16xf32, #tpu.memory_space<vmem_shared>>) target(%dma_start3A_73 : memref<125x16xf32, #tpu.memory_space<vmem>>) offsets(%dma_start3A_76 : memref<125xi32, #tpu.memory_space<vmem>>) semaphore(%arg13 : memref<!tpu.dma_semaphore, #tpu.memory_space<semaphore_mem>>)
      %dma_start3A_80 = arith.constant 3 : i32
      %dma_start3A_81 = arith.constant 375 : i32
      %dma_start3A_82 = arith.constant 0 : i32
      %dma_start3A_83 = tpu.memref_slice %arg8[%dma_start3A_81, %dma_start3A_82] : memref<1000x16xf32, #tpu.memory_space<vmem>> -> memref<125x16xf32, #tpu.memory_space<vmem>>
      %dma_start3A_84 = arith.constant 0 : i32
      %dma_start3A_85 = tpu.memref_slice %arg7[%dma_start3A_80, %dma_start3A_84] : memref<8x125xi32, #tpu.memory_space<vmem>> -> memref<1x125xi32, #tpu.memory_space<vmem>>
      %dma_start3A_86 = tpu.memref_squeeze %dma_start3A_85 : memref<1x125xi32, #tpu.memory_space<vmem>> -> memref<125xi32, #tpu.memory_space<vmem>>
      %dma_start3A_87 = arith.constant 0 : i32
      %dma_start3A_88 = arith.constant 0 : i32
      %dma_start3A_89 = tpu.memref_slice %arg10[%dma_start3A_87, %dma_start3A_88] : memref<10000x16xf32, #tpu.memory_space<vmem_shared>> -> memref<10000x16xf32, #tpu.memory_space<vmem_shared>>
      tpu.enqueue_indirect_dma source(%dma_start3A_89 : memref<10000x16xf32, #tpu.memory_space<vmem_shared>>) target(%dma_start3A_83 : memref<125x16xf32, #tpu.memory_space<vmem>>) offsets(%dma_start3A_86 : memref<125xi32, #tpu.memory_space<vmem>>) semaphore(%arg12 : memref<!tpu.dma_semaphore, #tpu.memory_space<semaphore_mem>>)
      %dma_start3A_90 = arith.constant 3 : i32
      %dma_start3A_91 = arith.constant 375 : i32
      %dma_start3A_92 = arith.constant 0 : i32
      %dma_start3A_93 = tpu.memref_slice %arg9[%dma_start3A_91, %dma_start3A_92] : memref<1000x16xf32, #tpu.memory_space<vmem>> -> memref<125x16xf32, #tpu.memory_space<vmem>>
      %dma_start3A_94 = arith.constant 0 : i32
      %dma_start3A_95 = tpu.memref_slice %arg7[%dma_start3A_90, %dma_start3A_94] : memref<8x125xi32, #tpu.memory_space<vmem>> -> memref<1x125xi32, #tpu.memory_space<vmem>>
      %dma_start3A_96 = tpu.memref_squeeze %dma_start3A_95 : memref<1x125xi32, #tpu.memory_space<vmem>> -> memref<125xi32, #tpu.memory_space<vmem>>
      %dma_start3A_97 = arith.constant 0 : i32
      %dma_start3A_98 = arith.constant 0 : i32
      %dma_start3A_99 = tpu.memref_slice %arg11[%dma_start3A_97, %dma_start3A_98] : memref<10000x16xf32, #tpu.memory_space<vmem_shared>> -> memref<10000x16xf32, #tpu.memory_space<vmem_shared>>
      tpu.enqueue_indirect_dma source(%dma_start3A_99 : memref<10000x16xf32, #tpu.memory_space<vmem_shared>>) target(%dma_start3A_93 : memref<125x16xf32, #tpu.memory_space<vmem>>) offsets(%dma_start3A_96 : memref<125xi32, #tpu.memory_space<vmem>>) semaphore(%arg13 : memref<!tpu.dma_semaphore, #tpu.memory_space<semaphore_mem>>)
      %dma_start3A_100 = arith.constant 4 : i32
      %dma_start3A_101 = arith.constant 500 : i32
      %dma_start3A_102 = arith.constant 0 : i32
      %dma_start3A_103 = tpu.memref_slice %arg8[%dma_start3A_101, %dma_start3A_102] : memref<1000x16xf32, #tpu.memory_space<vmem>> -> memref<125x16xf32, #tpu.memory_space<vmem>>
      %dma_start3A_104 = arith.constant 0 : i32
      %dma_start3A_105 = tpu.memref_slice %arg7[%dma_start3A_100, %dma_start3A_104] : memref<8x125xi32, #tpu.memory_space<vmem>> -> memref<1x125xi32, #tpu.memory_space<vmem>>
      %dma_start3A_106 = tpu.memref_squeeze %dma_start3A_105 : memref<1x125xi32, #tpu.memory_space<vmem>> -> memref<125xi32, #tpu.memory_space<vmem>>
      %dma_start3A_107 = arith.constant 0 : i32
      %dma_start3A_108 = arith.constant 0 : i32
      %dma_start3A_109 = tpu.memref_slice %arg10[%dma_start3A_107, %dma_start3A_108] : memref<10000x16xf32, #tpu.memory_space<vmem_shared>> -> memref<10000x16xf32, #tpu.memory_space<vmem_shared>>
      tpu.enqueue_indirect_dma source(%dma_start3A_109 : memref<10000x16xf32, #tpu.memory_space<vmem_shared>>) target(%dma_start3A_103 : memref<125x16xf32, #tpu.memory_space<vmem>>) offsets(%dma_start3A_106 : memref<125xi32, #tpu.memory_space<vmem>>) semaphore(%arg12 : memref<!tpu.dma_semaphore, #tpu.memory_space<semaphore_mem>>)
      %dma_start3A_110 = arith.constant 4 : i32
      %dma_start3A_111 = arith.constant 500 : i32
      %dma_start3A_112 = arith.constant 0 : i32
      %dma_start3A_113 = tpu.memref_slice %arg9[%dma_start3A_111, %dma_start3A_112] : memref<1000x16xf32, #tpu.memory_space<vmem>> -> memref<125x16xf32, #tpu.memory_space<vmem>>
      %dma_start3A_114 = arith.constant 0 : i32
      %dma_start3A_115 = tpu.memref_slice %arg7[%dma_start3A_110, %dma_start3A_114] : memref<8x125xi32, #tpu.memory_space<vmem>> -> memref<1x125xi32, #tpu.memory_space<vmem>>
      %dma_start3A_116 = tpu.memref_squeeze %dma_start3A_115 : memref<1x125xi32, #tpu.memory_space<vmem>> -> memref<125xi32, #tpu.memory_space<vmem>>
      %dma_start3A_117 = arith.constant 0 : i32
      %dma_start3A_118 = arith.constant 0 : i32
      %dma_start3A_119 = tpu.memref_slice %arg11[%dma_start3A_117, %dma_start3A_118] : memref<10000x16xf32, #tpu.memory_space<vmem_shared>> -> memref<10000x16xf32, #tpu.memory_space<vmem_shared>>
      tpu.enqueue_indirect_dma source(%dma_start3A_119 : memref<10000x16xf32, #tpu.memory_space<vmem_shared>>) target(%dma_start3A_113 : memref<125x16xf32, #tpu.memory_space<vmem>>) offsets(%dma_start3A_116 : memref<125xi32, #tpu.memory_space<vmem>>) semaphore(%arg13 : memref<!tpu.dma_semaphore, #tpu.memory_space<semaphore_mem>>)
      %dma_start3A_120 = arith.constant 5 : i32
      %dma_start3A_121 = arith.constant 625 : i32
      %dma_start3A_122 = arith.constant 0 : i32
      %dma_start3A_123 = tpu.memref_slice %arg8[%dma_start3A_121, %dma_start3A_122] : memref<1000x16xf32, #tpu.memory_space<vmem>> -> memref<125x16xf32, #tpu.memory_space<vmem>>
      %dma_start3A_124 = arith.constant 0 : i32
      %dma_start3A_125 = tpu.memref_slice %arg7[%dma_start3A_120, %dma_start3A_124] : memref<8x125xi32, #tpu.memory_space<vmem>> -> memref<1x125xi32, #tpu.memory_space<vmem>>
      %dma_start3A_126 = tpu.memref_squeeze %dma_start3A_125 : memref<1x125xi32, #tpu.memory_space<vmem>> -> memref<125xi32, #tpu.memory_space<vmem>>
      %dma_start3A_127 = arith.constant 0 : i32
      %dma_start3A_128 = arith.constant 0 : i32
      %dma_start3A_129 = tpu.memref_slice %arg10[%dma_start3A_127, %dma_start3A_128] : memref<10000x16xf32, #tpu.memory_space<vmem_shared>> -> memref<10000x16xf32, #tpu.memory_space<vmem_shared>>
      tpu.enqueue_indirect_dma source(%dma_start3A_129 : memref<10000x16xf32, #tpu.memory_space<vmem_shared>>) target(%dma_start3A_123 : memref<125x16xf32, #tpu.memory_space<vmem>>) offsets(%dma_start3A_126 : memref<125xi32, #tpu.memory_space<vmem>>) semaphore(%arg12 : memref<!tpu.dma_semaphore, #tpu.memory_space<semaphore_mem>>)
      %dma_start3A_130 = arith.constant 5 : i32
      %dma_start3A_131 = arith.constant 625 : i32
      %dma_start3A_132 = arith.constant 0 : i32
      %dma_start3A_133 = tpu.memref_slice %arg9[%dma_start3A_131, %dma_start3A_132] : memref<1000x16xf32, #tpu.memory_space<vmem>> -> memref<125x16xf32, #tpu.memory_space<vmem>>
      %dma_start3A_134 = arith.constant 0 : i32
      %dma_start3A_135 = tpu.memref_slice %arg7[%dma_start3A_130, %dma_start3A_134] : memref<8x125xi32, #tpu.memory_space<vmem>> -> memref<1x125xi32, #tpu.memory_space<vmem>>
      %dma_start3A_136 = tpu.memref_squeeze %dma_start3A_135 : memref<1x125xi32, #tpu.memory_space<vmem>> -> memref<125xi32, #tpu.memory_space<vmem>>
      %dma_start3A_137 = arith.constant 0 : i32
      %dma_start3A_138 = arith.constant 0 : i32
      %dma_start3A_139 = tpu.memref_slice %arg11[%dma_start3A_137, %dma_start3A_138] : memref<10000x16xf32, #tpu.memory_space<vmem_shared>> -> memref<10000x16xf32, #tpu.memory_space<vmem_shared>>
      tpu.enqueue_indirect_dma source(%dma_start3A_139 : memref<10000x16xf32, #tpu.memory_space<vmem_shared>>) target(%dma_start3A_133 : memref<125x16xf32, #tpu.memory_space<vmem>>) offsets(%dma_start3A_136 : memref<125xi32, #tpu.memory_space<vmem>>) semaphore(%arg13 : memref<!tpu.dma_semaphore, #tpu.memory_space<semaphore_mem>>)
      %dma_start3A_140 = arith.constant 6 : i32
      %dma_start3A_141 = arith.constant 750 : i32
      %dma_start3A_142 = arith.constant 0 : i32
      %dma_start3A_143 = tpu.memref_slice %arg8[%dma_start3A_141, %dma_start3A_142] : memref<1000x16xf32, #tpu.memory_space<vmem>> -> memref<125x16xf32, #tpu.memory_space<vmem>>
      %dma_start3A_144 = arith.constant 0 : i32
      %dma_start3A_145 = tpu.memref_slice %arg7[%dma_start3A_140, %dma_start3A_144] : memref<8x125xi32, #tpu.memory_space<vmem>> -> memref<1x125xi32, #tpu.memory_space<vmem>>
      %dma_start3A_146 = tpu.memref_squeeze %dma_start3A_145 : memref<1x125xi32, #tpu.memory_space<vmem>> -> memref<125xi32, #tpu.memory_space<vmem>>
      %dma_start3A_147 = arith.constant 0 : i32
      %dma_start3A_148 = arith.constant 0 : i32
      %dma_start3A_149 = tpu.memref_slice %arg10[%dma_start3A_147, %dma_start3A_148] : memref<10000x16xf32, #tpu.memory_space<vmem_shared>> -> memref<10000x16xf32, #tpu.memory_space<vmem_shared>>
      tpu.enqueue_indirect_dma source(%dma_start3A_149 : memref<10000x16xf32, #tpu.memory_space<vmem_shared>>) target(%dma_start3A_143 : memref<125x16xf32, #tpu.memory_space<vmem>>) offsets(%dma_start3A_146 : memref<125xi32, #tpu.memory_space<vmem>>) semaphore(%arg12 : memref<!tpu.dma_semaphore, #tpu.memory_space<semaphore_mem>>)
      %dma_start3A_150 = arith.constant 6 : i32
      %dma_start3A_151 = arith.constant 750 : i32
      %dma_start3A_152 = arith.constant 0 : i32
      %dma_start3A_153 = tpu.memref_slice %arg9[%dma_start3A_151, %dma_start3A_152] : memref<1000x16xf32, #tpu.memory_space<vmem>> -> memref<125x16xf32, #tpu.memory_space<vmem>>
      %dma_start3A_154 = arith.constant 0 : i32
      %dma_start3A_155 = tpu.memref_slice %arg7[%dma_start3A_150, %dma_start3A_154] : memref<8x125xi32, #tpu.memory_space<vmem>> -> memref<1x125xi32, #tpu.memory_space<vmem>>
      %dma_start3A_156 = tpu.memref_squeeze %dma_start3A_155 : memref<1x125xi32, #tpu.memory_space<vmem>> -> memref<125xi32, #tpu.memory_space<vmem>>
      %dma_start3A_157 = arith.constant 0 : i32
      %dma_start3A_158 = arith.constant 0 : i32
      %dma_start3A_159 = tpu.memref_slice %arg11[%dma_start3A_157, %dma_start3A_158] : memref<10000x16xf32, #tpu.memory_space<vmem_shared>> -> memref<10000x16xf32, #tpu.memory_space<vmem_shared>>
      tpu.enqueue_indirect_dma source(%dma_start3A_159 : memref<10000x16xf32, #tpu.memory_space<vmem_shared>>) target(%dma_start3A_153 : memref<125x16xf32, #tpu.memory_space<vmem>>) offsets(%dma_start3A_156 : memref<125xi32, #tpu.memory_space<vmem>>) semaphore(%arg13 : memref<!tpu.dma_semaphore, #tpu.memory_space<semaphore_mem>>)
      %dma_start3A_160 = arith.constant 7 : i32
      %dma_start3A_161 = arith.constant 875 : i32
      %dma_start3A_162 = arith.constant 0 : i32
      %dma_start3A_163 = tpu.memref_slice %arg8[%dma_start3A_161, %dma_start3A_162] : memref<1000x16xf32, #tpu.memory_space<vmem>> -> memref<125x16xf32, #tpu.memory_space<vmem>>
      %dma_start3A_164 = arith.constant 0 : i32
      %dma_start3A_165 = tpu.memref_slice %arg7[%dma_start3A_160, %dma_start3A_164] : memref<8x125xi32, #tpu.memory_space<vmem>> -> memref<1x125xi32, #tpu.memory_space<vmem>>
      %dma_start3A_166 = tpu.memref_squeeze %dma_start3A_165 : memref<1x125xi32, #tpu.memory_space<vmem>> -> memref<125xi32, #tpu.memory_space<vmem>>
      %dma_start3A_167 = arith.constant 0 : i32
      %dma_start3A_168 = arith.constant 0 : i32
      %dma_start3A_169 = tpu.memref_slice %arg10[%dma_start3A_167, %dma_start3A_168] : memref<10000x16xf32, #tpu.memory_space<vmem_shared>> -> memref<10000x16xf32, #tpu.memory_space<vmem_shared>>
      tpu.enqueue_indirect_dma source(%dma_start3A_169 : memref<10000x16xf32, #tpu.memory_space<vmem_shared>>) target(%dma_start3A_163 : memref<125x16xf32, #tpu.memory_space<vmem>>) offsets(%dma_start3A_166 : memref<125xi32, #tpu.memory_space<vmem>>) semaphore(%arg12 : memref<!tpu.dma_semaphore, #tpu.memory_space<semaphore_mem>>)
      %dma_start3A_170 = arith.constant 7 : i32
      %dma_start3A_171 = arith.constant 875 : i32
      %dma_start3A_172 = arith.constant 0 : i32
      %dma_start3A_173 = tpu.memref_slice %arg9[%dma_start3A_171, %dma_start3A_172] : memref<1000x16xf32, #tpu.memory_space<vmem>> -> memref<125x16xf32, #tpu.memory_space<vmem>>
      %dma_start3A_174 = arith.constant 0 : i32
      %dma_start3A_175 = tpu.memref_slice %arg7[%dma_start3A_170, %dma_start3A_174] : memref<8x125xi32, #tpu.memory_space<vmem>> -> memref<1x125xi32, #tpu.memory_space<vmem>>
      %dma_start3A_176 = tpu.memref_squeeze %dma_start3A_175 : memref<1x125xi32, #tpu.memory_space<vmem>> -> memref<125xi32, #tpu.memory_space<vmem>>
      %dma_start3A_177 = arith.constant 0 : i32
      %dma_start3A_178 = arith.constant 0 : i32
      %dma_start3A_179 = tpu.memref_slice %arg11[%dma_start3A_177, %dma_start3A_178] : memref<10000x16xf32, #tpu.memory_space<vmem_shared>> -> memref<10000x16xf32, #tpu.memory_space<vmem_shared>>
      tpu.enqueue_indirect_dma source(%dma_start3A_179 : memref<10000x16xf32, #tpu.memory_space<vmem_shared>>) target(%dma_start3A_173 : memref<125x16xf32, #tpu.memory_space<vmem>>) offsets(%dma_start3A_176 : memref<125xi32, #tpu.memory_space<vmem>>) semaphore(%arg13 : memref<!tpu.dma_semaphore, #tpu.memory_space<semaphore_mem>>)
      %dma_wait3A = arith.constant 0 : i32
      %dma_wait3A_180 = arith.constant 0 : i32
      %dma_wait3A_181 = arith.constant 0 : i32
      %dma_wait3A_182 = tpu.memref_slice %arg8[%dma_wait3A_180, %dma_wait3A_181] : memref<1000x16xf32, #tpu.memory_space<vmem>> -> memref<125x16xf32, #tpu.memory_space<vmem>>
      %dma_wait3A_183 = arith.constant 0 : i32
      %dma_wait3A_184 = tpu.memref_slice %arg7[%dma_wait3A, %dma_wait3A_183] : memref<8x125xi32, #tpu.memory_space<vmem>> -> memref<1x125xi32, #tpu.memory_space<vmem>>
      %dma_wait3A_185 = tpu.memref_squeeze %dma_wait3A_184 : memref<1x125xi32, #tpu.memory_space<vmem>> -> memref<125xi32, #tpu.memory_space<vmem>>
      %dma_wait3A_186 = arith.constant 0 : i32
      %dma_wait3A_187 = arith.constant 0 : i32
      %dma_wait3A_188 = tpu.memref_slice %arg10[%dma_wait3A_186, %dma_wait3A_187] : memref<10000x16xf32, #tpu.memory_space<vmem_shared>> -> memref<10000x16xf32, #tpu.memory_space<vmem_shared>>
      tpu.wait_indirect_dma semaphore(%arg12 : memref<!tpu.dma_semaphore, #tpu.memory_space<semaphore_mem>>) src(%dma_wait3A_188 : memref<10000x16xf32, #tpu.memory_space<vmem_shared>>) dst(%dma_wait3A_182 : memref<125x16xf32, #tpu.memory_space<vmem>>)
      %dma_wait3A_189 = arith.constant 0 : i32
      %dma_wait3A_190 = arith.constant 0 : i32
      %dma_wait3A_191 = arith.constant 0 : i32
      %dma_wait3A_192 = tpu.memref_slice %arg9[%dma_wait3A_190, %dma_wait3A_191] : memref<1000x16xf32, #tpu.memory_space<vmem>> -> memref<125x16xf32, #tpu.memory_space<vmem>>
      %dma_wait3A_193 = arith.constant 0 : i32
      %dma_wait3A_194 = tpu.memref_slice %arg7[%dma_wait3A_189, %dma_wait3A_193] : memref<8x125xi32, #tpu.memory_space<vmem>> -> memref<1x125xi32, #tpu.memory_space<vmem>>
      %dma_wait3A_195 = tpu.memref_squeeze %dma_wait3A_194 : memref<1x125xi32, #tpu.memory_space<vmem>> -> memref<125xi32, #tpu.memory_space<vmem>>
      %dma_wait3A_196 = arith.constant 0 : i32
      %dma_wait3A_197 = arith.constant 0 : i32
      %dma_wait3A_198 = tpu.memref_slice %arg11[%dma_wait3A_196, %dma_wait3A_197] : memref<10000x16xf32, #tpu.memory_space<vmem_shared>> -> memref<10000x16xf32, #tpu.memory_space<vmem_shared>>
      tpu.wait_indirect_dma semaphore(%arg13 : memref<!tpu.dma_semaphore, #tpu.memory_space<semaphore_mem>>) src(%dma_wait3A_198 : memref<10000x16xf32, #tpu.memory_space<vmem_shared>>) dst(%dma_wait3A_192 : memref<125x16xf32, #tpu.memory_space<vmem>>)
      %dma_wait3A_199 = arith.constant 1 : i32
      %dma_wait3A_200 = arith.constant 125 : i32
      %dma_wait3A_201 = arith.constant 0 : i32
      %dma_wait3A_202 = tpu.memref_slice %arg8[%dma_wait3A_200, %dma_wait3A_201] : memref<1000x16xf32, #tpu.memory_space<vmem>> -> memref<125x16xf32, #tpu.memory_space<vmem>>
      %dma_wait3A_203 = arith.constant 0 : i32
      %dma_wait3A_204 = tpu.memref_slice %arg7[%dma_wait3A_199, %dma_wait3A_203] : memref<8x125xi32, #tpu.memory_space<vmem>> -> memref<1x125xi32, #tpu.memory_space<vmem>>
      %dma_wait3A_205 = tpu.memref_squeeze %dma_wait3A_204 : memref<1x125xi32, #tpu.memory_space<vmem>> -> memref<125xi32, #tpu.memory_space<vmem>>
      %dma_wait3A_206 = arith.constant 0 : i32
      %dma_wait3A_207 = arith.constant 0 : i32
      %dma_wait3A_208 = tpu.memref_slice %arg10[%dma_wait3A_206, %dma_wait3A_207] : memref<10000x16xf32, #tpu.memory_space<vmem_shared>> -> memref<10000x16xf32, #tpu.memory_space<vmem_shared>>
      tpu.wait_indirect_dma semaphore(%arg12 : memref<!tpu.dma_semaphore, #tpu.memory_space<semaphore_mem>>) src(%dma_wait3A_208 : memref<10000x16xf32, #tpu.memory_space<vmem_shared>>) dst(%dma_wait3A_202 : memref<125x16xf32, #tpu.memory_space<vmem>>)
      %dma_wait3A_209 = arith.constant 1 : i32
      %dma_wait3A_210 = arith.constant 125 : i32
      %dma_wait3A_211 = arith.constant 0 : i32
      %dma_wait3A_212 = tpu.memref_slice %arg9[%dma_wait3A_210, %dma_wait3A_211] : memref<1000x16xf32, #tpu.memory_space<vmem>> -> memref<125x16xf32, #tpu.memory_space<vmem>>
      %dma_wait3A_213 = arith.constant 0 : i32
      %dma_wait3A_214 = tpu.memref_slice %arg7[%dma_wait3A_209, %dma_wait3A_213] : memref<8x125xi32, #tpu.memory_space<vmem>> -> memref<1x125xi32, #tpu.memory_space<vmem>>
      %dma_wait3A_215 = tpu.memref_squeeze %dma_wait3A_214 : memref<1x125xi32, #tpu.memory_space<vmem>> -> memref<125xi32, #tpu.memory_space<vmem>>
      %dma_wait3A_216 = arith.constant 0 : i32
      %dma_wait3A_217 = arith.constant 0 : i32
      %dma_wait3A_218 = tpu.memref_slice %arg11[%dma_wait3A_216, %dma_wait3A_217] : memref<10000x16xf32, #tpu.memory_space<vmem_shared>> -> memref<10000x16xf32, #tpu.memory_space<vmem_shared>>
      tpu.wait_indirect_dma semaphore(%arg13 : memref<!tpu.dma_semaphore, #tpu.memory_space<semaphore_mem>>) src(%dma_wait3A_218 : memref<10000x16xf32, #tpu.memory_space<vmem_shared>>) dst(%dma_wait3A_212 : memref<125x16xf32, #tpu.memory_space<vmem>>)
      %dma_wait3A_219 = arith.constant 2 : i32
      %dma_wait3A_220 = arith.constant 250 : i32
      %dma_wait3A_221 = arith.constant 0 : i32
      %dma_wait3A_222 = tpu.memref_slice %arg8[%dma_wait3A_220, %dma_wait3A_221] : memref<1000x16xf32, #tpu.memory_space<vmem>> -> memref<125x16xf32, #tpu.memory_space<vmem>>
      %dma_wait3A_223 = arith.constant 0 : i32
      %dma_wait3A_224 = tpu.memref_slice %arg7[%dma_wait3A_219, %dma_wait3A_223] : memref<8x125xi32, #tpu.memory_space<vmem>> -> memref<1x125xi32, #tpu.memory_space<vmem>>
      %dma_wait3A_225 = tpu.memref_squeeze %dma_wait3A_224 : memref<1x125xi32, #tpu.memory_space<vmem>> -> memref<125xi32, #tpu.memory_space<vmem>>
      %dma_wait3A_226 = arith.constant 0 : i32
      %dma_wait3A_227 = arith.constant 0 : i32
      %dma_wait3A_228 = tpu.memref_slice %arg10[%dma_wait3A_226, %dma_wait3A_227] : memref<10000x16xf32, #tpu.memory_space<vmem_shared>> -> memref<10000x16xf32, #tpu.memory_space<vmem_shared>>
      tpu.wait_indirect_dma semaphore(%arg12 : memref<!tpu.dma_semaphore, #tpu.memory_space<semaphore_mem>>) src(%dma_wait3A_228 : memref<10000x16xf32, #tpu.memory_space<vmem_shared>>) dst(%dma_wait3A_222 : memref<125x16xf32, #tpu.memory_space<vmem>>)
      %dma_wait3A_229 = arith.constant 2 : i32
      %dma_wait3A_230 = arith.constant 250 : i32
      %dma_wait3A_231 = arith.constant 0 : i32
      %dma_wait3A_232 = tpu.memref_slice %arg9[%dma_wait3A_230, %dma_wait3A_231] : memref<1000x16xf32, #tpu.memory_space<vmem>> -> memref<125x16xf32, #tpu.memory_space<vmem>>
      %dma_wait3A_233 = arith.constant 0 : i32
      %dma_wait3A_234 = tpu.memref_slice %arg7[%dma_wait3A_229, %dma_wait3A_233] : memref<8x125xi32, #tpu.memory_space<vmem>> -> memref<1x125xi32, #tpu.memory_space<vmem>>
      %dma_wait3A_235 = tpu.memref_squeeze %dma_wait3A_234 : memref<1x125xi32, #tpu.memory_space<vmem>> -> memref<125xi32, #tpu.memory_space<vmem>>
      %dma_wait3A_236 = arith.constant 0 : i32
      %dma_wait3A_237 = arith.constant 0 : i32
      %dma_wait3A_238 = tpu.memref_slice %arg11[%dma_wait3A_236, %dma_wait3A_237] : memref<10000x16xf32, #tpu.memory_space<vmem_shared>> -> memref<10000x16xf32, #tpu.memory_space<vmem_shared>>
      tpu.wait_indirect_dma semaphore(%arg13 : memref<!tpu.dma_semaphore, #tpu.memory_space<semaphore_mem>>) src(%dma_wait3A_238 : memref<10000x16xf32, #tpu.memory_space<vmem_shared>>) dst(%dma_wait3A_232 : memref<125x16xf32, #tpu.memory_space<vmem>>)
      %dma_wait3A_239 = arith.constant 3 : i32
      %dma_wait3A_240 = arith.constant 375 : i32
      %dma_wait3A_241 = arith.constant 0 : i32
      %dma_wait3A_242 = tpu.memref_slice %arg8[%dma_wait3A_240, %dma_wait3A_241] : memref<1000x16xf32, #tpu.memory_space<vmem>> -> memref<125x16xf32, #tpu.memory_space<vmem>>
      %dma_wait3A_243 = arith.constant 0 : i32
      %dma_wait3A_244 = tpu.memref_slice %arg7[%dma_wait3A_239, %dma_wait3A_243] : memref<8x125xi32, #tpu.memory_space<vmem>> -> memref<1x125xi32, #tpu.memory_space<vmem>>
      %dma_wait3A_245 = tpu.memref_squeeze %dma_wait3A_244 : memref<1x125xi32, #tpu.memory_space<vmem>> -> memref<125xi32, #tpu.memory_space<vmem>>
      %dma_wait3A_246 = arith.constant 0 : i32
      %dma_wait3A_247 = arith.constant 0 : i32
      %dma_wait3A_248 = tpu.memref_slice %arg10[%dma_wait3A_246, %dma_wait3A_247] : memref<10000x16xf32, #tpu.memory_space<vmem_shared>> -> memref<10000x16xf32, #tpu.memory_space<vmem_shared>>
      tpu.wait_indirect_dma semaphore(%arg12 : memref<!tpu.dma_semaphore, #tpu.memory_space<semaphore_mem>>) src(%dma_wait3A_248 : memref<10000x16xf32, #tpu.memory_space<vmem_shared>>) dst(%dma_wait3A_242 : memref<125x16xf32, #tpu.memory_space<vmem>>)
      %dma_wait3A_249 = arith.constant 3 : i32
      %dma_wait3A_250 = arith.constant 375 : i32
      %dma_wait3A_251 = arith.constant 0 : i32
      %dma_wait3A_252 = tpu.memref_slice %arg9[%dma_wait3A_250, %dma_wait3A_251] : memref<1000x16xf32, #tpu.memory_space<vmem>> -> memref<125x16xf32, #tpu.memory_space<vmem>>
      %dma_wait3A_253 = arith.constant 0 : i32
      %dma_wait3A_254 = tpu.memref_slice %arg7[%dma_wait3A_249, %dma_wait3A_253] : memref<8x125xi32, #tpu.memory_space<vmem>> -> memref<1x125xi32, #tpu.memory_space<vmem>>
      %dma_wait3A_255 = tpu.memref_squeeze %dma_wait3A_254 : memref<1x125xi32, #tpu.memory_space<vmem>> -> memref<125xi32, #tpu.memory_space<vmem>>
      %dma_wait3A_256 = arith.constant 0 : i32
      %dma_wait3A_257 = arith.constant 0 : i32
      %dma_wait3A_258 = tpu.memref_slice %arg11[%dma_wait3A_256, %dma_wait3A_257] : memref<10000x16xf32, #tpu.memory_space<vmem_shared>> -> memref<10000x16xf32, #tpu.memory_space<vmem_shared>>
      tpu.wait_indirect_dma semaphore(%arg13 : memref<!tpu.dma_semaphore, #tpu.memory_space<semaphore_mem>>) src(%dma_wait3A_258 : memref<10000x16xf32, #tpu.memory_space<vmem_shared>>) dst(%dma_wait3A_252 : memref<125x16xf32, #tpu.memory_space<vmem>>)
      %dma_wait3A_259 = arith.constant 4 : i32
      %dma_wait3A_260 = arith.constant 500 : i32
      %dma_wait3A_261 = arith.constant 0 : i32
      %dma_wait3A_262 = tpu.memref_slice %arg8[%dma_wait3A_260, %dma_wait3A_261] : memref<1000x16xf32, #tpu.memory_space<vmem>> -> memref<125x16xf32, #tpu.memory_space<vmem>>
      %dma_wait3A_263 = arith.constant 0 : i32
      %dma_wait3A_264 = tpu.memref_slice %arg7[%dma_wait3A_259, %dma_wait3A_263] : memref<8x125xi32, #tpu.memory_space<vmem>> -> memref<1x125xi32, #tpu.memory_space<vmem>>
      %dma_wait3A_265 = tpu.memref_squeeze %dma_wait3A_264 : memref<1x125xi32, #tpu.memory_space<vmem>> -> memref<125xi32, #tpu.memory_space<vmem>>
      %dma_wait3A_266 = arith.constant 0 : i32
      %dma_wait3A_267 = arith.constant 0 : i32
      %dma_wait3A_268 = tpu.memref_slice %arg10[%dma_wait3A_266, %dma_wait3A_267] : memref<10000x16xf32, #tpu.memory_space<vmem_shared>> -> memref<10000x16xf32, #tpu.memory_space<vmem_shared>>
      tpu.wait_indirect_dma semaphore(%arg12 : memref<!tpu.dma_semaphore, #tpu.memory_space<semaphore_mem>>) src(%dma_wait3A_268 : memref<10000x16xf32, #tpu.memory_space<vmem_shared>>) dst(%dma_wait3A_262 : memref<125x16xf32, #tpu.memory_space<vmem>>)
      %dma_wait3A_269 = arith.constant 4 : i32
      %dma_wait3A_270 = arith.constant 500 : i32
      %dma_wait3A_271 = arith.constant 0 : i32
      %dma_wait3A_272 = tpu.memref_slice %arg9[%dma_wait3A_270, %dma_wait3A_271] : memref<1000x16xf32, #tpu.memory_space<vmem>> -> memref<125x16xf32, #tpu.memory_space<vmem>>
      %dma_wait3A_273 = arith.constant 0 : i32
      %dma_wait3A_274 = tpu.memref_slice %arg7[%dma_wait3A_269, %dma_wait3A_273] : memref<8x125xi32, #tpu.memory_space<vmem>> -> memref<1x125xi32, #tpu.memory_space<vmem>>
      %dma_wait3A_275 = tpu.memref_squeeze %dma_wait3A_274 : memref<1x125xi32, #tpu.memory_space<vmem>> -> memref<125xi32, #tpu.memory_space<vmem>>
      %dma_wait3A_276 = arith.constant 0 : i32
      %dma_wait3A_277 = arith.constant 0 : i32
      %dma_wait3A_278 = tpu.memref_slice %arg11[%dma_wait3A_276, %dma_wait3A_277] : memref<10000x16xf32, #tpu.memory_space<vmem_shared>> -> memref<10000x16xf32, #tpu.memory_space<vmem_shared>>
      tpu.wait_indirect_dma semaphore(%arg13 : memref<!tpu.dma_semaphore, #tpu.memory_space<semaphore_mem>>) src(%dma_wait3A_278 : memref<10000x16xf32, #tpu.memory_space<vmem_shared>>) dst(%dma_wait3A_272 : memref<125x16xf32, #tpu.memory_space<vmem>>)
      %dma_wait3A_279 = arith.constant 5 : i32
      %dma_wait3A_280 = arith.constant 625 : i32
      %dma_wait3A_281 = arith.constant 0 : i32
      %dma_wait3A_282 = tpu.memref_slice %arg8[%dma_wait3A_280, %dma_wait3A_281] : memref<1000x16xf32, #tpu.memory_space<vmem>> -> memref<125x16xf32, #tpu.memory_space<vmem>>
      %dma_wait3A_283 = arith.constant 0 : i32
      %dma_wait3A_284 = tpu.memref_slice %arg7[%dma_wait3A_279, %dma_wait3A_283] : memref<8x125xi32, #tpu.memory_space<vmem>> -> memref<1x125xi32, #tpu.memory_space<vmem>>
      %dma_wait3A_285 = tpu.memref_squeeze %dma_wait3A_284 : memref<1x125xi32, #tpu.memory_space<vmem>> -> memref<125xi32, #tpu.memory_space<vmem>>
      %dma_wait3A_286 = arith.constant 0 : i32
      %dma_wait3A_287 = arith.constant 0 : i32
      %dma_wait3A_288 = tpu.memref_slice %arg10[%dma_wait3A_286, %dma_wait3A_287] : memref<10000x16xf32, #tpu.memory_space<vmem_shared>> -> memref<10000x16xf32, #tpu.memory_space<vmem_shared>>
      tpu.wait_indirect_dma semaphore(%arg12 : memref<!tpu.dma_semaphore, #tpu.memory_space<semaphore_mem>>) src(%dma_wait3A_288 : memref<10000x16xf32, #tpu.memory_space<vmem_shared>>) dst(%dma_wait3A_282 : memref<125x16xf32, #tpu.memory_space<vmem>>)
      %dma_wait3A_289 = arith.constant 5 : i32
      %dma_wait3A_290 = arith.constant 625 : i32
      %dma_wait3A_291 = arith.constant 0 : i32
      %dma_wait3A_292 = tpu.memref_slice %arg9[%dma_wait3A_290, %dma_wait3A_291] : memref<1000x16xf32, #tpu.memory_space<vmem>> -> memref<125x16xf32, #tpu.memory_space<vmem>>
      %dma_wait3A_293 = arith.constant 0 : i32
      %dma_wait3A_294 = tpu.memref_slice %arg7[%dma_wait3A_289, %dma_wait3A_293] : memref<8x125xi32, #tpu.memory_space<vmem>> -> memref<1x125xi32, #tpu.memory_space<vmem>>
      %dma_wait3A_295 = tpu.memref_squeeze %dma_wait3A_294 : memref<1x125xi32, #tpu.memory_space<vmem>> -> memref<125xi32, #tpu.memory_space<vmem>>
      %dma_wait3A_296 = arith.constant 0 : i32
      %dma_wait3A_297 = arith.constant 0 : i32
      %dma_wait3A_298 = tpu.memref_slice %arg11[%dma_wait3A_296, %dma_wait3A_297] : memref<10000x16xf32, #tpu.memory_space<vmem_shared>> -> memref<10000x16xf32, #tpu.memory_space<vmem_shared>>
      tpu.wait_indirect_dma semaphore(%arg13 : memref<!tpu.dma_semaphore, #tpu.memory_space<semaphore_mem>>) src(%dma_wait3A_298 : memref<10000x16xf32, #tpu.memory_space<vmem_shared>>) dst(%dma_wait3A_292 : memref<125x16xf32, #tpu.memory_space<vmem>>)
      %dma_wait3A_299 = arith.constant 6 : i32
      %dma_wait3A_300 = arith.constant 750 : i32
      %dma_wait3A_301 = arith.constant 0 : i32
      %dma_wait3A_302 = tpu.memref_slice %arg8[%dma_wait3A_300, %dma_wait3A_301] : memref<1000x16xf32, #tpu.memory_space<vmem>> -> memref<125x16xf32, #tpu.memory_space<vmem>>
      %dma_wait3A_303 = arith.constant 0 : i32
      %dma_wait3A_304 = tpu.memref_slice %arg7[%dma_wait3A_299, %dma_wait3A_303] : memref<8x125xi32, #tpu.memory_space<vmem>> -> memref<1x125xi32, #tpu.memory_space<vmem>>
      %dma_wait3A_305 = tpu.memref_squeeze %dma_wait3A_304 : memref<1x125xi32, #tpu.memory_space<vmem>> -> memref<125xi32, #tpu.memory_space<vmem>>
      %dma_wait3A_306 = arith.constant 0 : i32
      %dma_wait3A_307 = arith.constant 0 : i32
      %dma_wait3A_308 = tpu.memref_slice %arg10[%dma_wait3A_306, %dma_wait3A_307] : memref<10000x16xf32, #tpu.memory_space<vmem_shared>> -> memref<10000x16xf32, #tpu.memory_space<vmem_shared>>
      tpu.wait_indirect_dma semaphore(%arg12 : memref<!tpu.dma_semaphore, #tpu.memory_space<semaphore_mem>>) src(%dma_wait3A_308 : memref<10000x16xf32, #tpu.memory_space<vmem_shared>>) dst(%dma_wait3A_302 : memref<125x16xf32, #tpu.memory_space<vmem>>)
      %dma_wait3A_309 = arith.constant 6 : i32
      %dma_wait3A_310 = arith.constant 750 : i32
      %dma_wait3A_311 = arith.constant 0 : i32
      %dma_wait3A_312 = tpu.memref_slice %arg9[%dma_wait3A_310, %dma_wait3A_311] : memref<1000x16xf32, #tpu.memory_space<vmem>> -> memref<125x16xf32, #tpu.memory_space<vmem>>
      %dma_wait3A_313 = arith.constant 0 : i32
      %dma_wait3A_314 = tpu.memref_slice %arg7[%dma_wait3A_309, %dma_wait3A_313] : memref<8x125xi32, #tpu.memory_space<vmem>> -> memref<1x125xi32, #tpu.memory_space<vmem>>
      %dma_wait3A_315 = tpu.memref_squeeze %dma_wait3A_314 : memref<1x125xi32, #tpu.memory_space<vmem>> -> memref<125xi32, #tpu.memory_space<vmem>>
      %dma_wait3A_316 = arith.constant 0 : i32
      %dma_wait3A_317 = arith.constant 0 : i32
      %dma_wait3A_318 = tpu.memref_slice %arg11[%dma_wait3A_316, %dma_wait3A_317] : memref<10000x16xf32, #tpu.memory_space<vmem_shared>> -> memref<10000x16xf32, #tpu.memory_space<vmem_shared>>
      tpu.wait_indirect_dma semaphore(%arg13 : memref<!tpu.dma_semaphore, #tpu.memory_space<semaphore_mem>>) src(%dma_wait3A_318 : memref<10000x16xf32, #tpu.memory_space<vmem_shared>>) dst(%dma_wait3A_312 : memref<125x16xf32, #tpu.memory_space<vmem>>)
      %dma_wait3A_319 = arith.constant 7 : i32
      %dma_wait3A_320 = arith.constant 875 : i32
      %dma_wait3A_321 = arith.constant 0 : i32
      %dma_wait3A_322 = tpu.memref_slice %arg8[%dma_wait3A_320, %dma_wait3A_321] : memref<1000x16xf32, #tpu.memory_space<vmem>> -> memref<125x16xf32, #tpu.memory_space<vmem>>
      %dma_wait3A_323 = arith.constant 0 : i32
      %dma_wait3A_324 = tpu.memref_slice %arg7[%dma_wait3A_319, %dma_wait3A_323] : memref<8x125xi32, #tpu.memory_space<vmem>> -> memref<1x125xi32, #tpu.memory_space<vmem>>
      %dma_wait3A_325 = tpu.memref_squeeze %dma_wait3A_324 : memref<1x125xi32, #tpu.memory_space<vmem>> -> memref<125xi32, #tpu.memory_space<vmem>>
      %dma_wait3A_326 = arith.constant 0 : i32
      %dma_wait3A_327 = arith.constant 0 : i32
      %dma_wait3A_328 = tpu.memref_slice %arg10[%dma_wait3A_326, %dma_wait3A_327] : memref<10000x16xf32, #tpu.memory_space<vmem_shared>> -> memref<10000x16xf32, #tpu.memory_space<vmem_shared>>
      tpu.wait_indirect_dma semaphore(%arg12 : memref<!tpu.dma_semaphore, #tpu.memory_space<semaphore_mem>>) src(%dma_wait3A_328 : memref<10000x16xf32, #tpu.memory_space<vmem_shared>>) dst(%dma_wait3A_322 : memref<125x16xf32, #tpu.memory_space<vmem>>)
      %dma_wait3A_329 = arith.constant 7 : i32
      %dma_wait3A_330 = arith.constant 875 : i32
      %dma_wait3A_331 = arith.constant 0 : i32
      %dma_wait3A_332 = tpu.memref_slice %arg9[%dma_wait3A_330, %dma_wait3A_331] : memref<1000x16xf32, #tpu.memory_space<vmem>> -> memref<125x16xf32, #tpu.memory_space<vmem>>
      %dma_wait3A_333 = arith.constant 0 : i32
      %dma_wait3A_334 = tpu.memref_slice %arg7[%dma_wait3A_329, %dma_wait3A_333] : memref<8x125xi32, #tpu.memory_space<vmem>> -> memref<1x125xi32, #tpu.memory_space<vmem>>
      %dma_wait3A_335 = tpu.memref_squeeze %dma_wait3A_334 : memref<1x125xi32, #tpu.memory_space<vmem>> -> memref<125xi32, #tpu.memory_space<vmem>>
      %dma_wait3A_336 = arith.constant 0 : i32
      %dma_wait3A_337 = arith.constant 0 : i32
      %dma_wait3A_338 = tpu.memref_slice %arg11[%dma_wait3A_336, %dma_wait3A_337] : memref<10000x16xf32, #tpu.memory_space<vmem_shared>> -> memref<10000x16xf32, #tpu.memory_space<vmem_shared>>
      tpu.wait_indirect_dma semaphore(%arg13 : memref<!tpu.dma_semaphore, #tpu.memory_space<semaphore_mem>>) src(%dma_wait3A_338 : memref<10000x16xf32, #tpu.memory_space<vmem_shared>>) dst(%dma_wait3A_332 : memref<125x16xf32, #tpu.memory_space<vmem>>)
      %mul3A_339 = arith.constant 10000 : i32
      %mul3A_340 = arith.muli %add3A, %mul3A_339 : i32
      %mul3A_341 = arith.constant 1000 : i32
      %mul3A_342 = arith.muli %scan3A_14, %mul3A_341 : i32
      %add3A_343 = arith.addi %mul3A_340, %mul3A_342 : i32
      %dma_start3A_344 = arith.constant 0 : i32
      %dma_start3A_345 = tpu.memref_slice %arg5[%add3A_343, %dma_start3A_344] : memref<320000x16xf32, #tpu.memory_space<hbm>> -> memref<1000x16xf32, #tpu.memory_space<hbm>>
      %dma_start3A_346 = arith.constant 0 : i32
      %dma_start3A_347 = tpu.memref_slice %arg5[%add3A_343, %dma_start3A_346] : memref<320000x16xf32, #tpu.memory_space<hbm>> -> memref<1000x16xf32, #tpu.memory_space<hbm>>
      tpu.enqueue_dma source(%arg8 : memref<1000x16xf32, #tpu.memory_space<vmem>>) target(%dma_start3A_347 : memref<1000x16xf32, #tpu.memory_space<hbm>>) target_semaphore(%arg14 : memref<!tpu.dma_semaphore, #tpu.memory_space<semaphore_mem>>)
      %dma_start3A_348 = arith.constant 0 : i32
      %dma_start3A_349 = tpu.memref_slice %arg6[%add3A_343, %dma_start3A_348] : memref<320000x16xf32, #tpu.memory_space<hbm>> -> memref<1000x16xf32, #tpu.memory_space<hbm>>
      %dma_start3A_350 = arith.constant 0 : i32
      %dma_start3A_351 = tpu.memref_slice %arg6[%add3A_343, %dma_start3A_350] : memref<320000x16xf32, #tpu.memory_space<hbm>> -> memref<1000x16xf32, #tpu.memory_space<hbm>>
      tpu.enqueue_dma source(%arg9 : memref<1000x16xf32, #tpu.memory_space<vmem>>) target(%dma_start3A_351 : memref<1000x16xf32, #tpu.memory_space<hbm>>) target_semaphore(%arg15 : memref<!tpu.dma_semaphore, #tpu.memory_space<semaphore_mem>>)
      %dma_wait3A_352 = arith.constant 0 : i32
      %dma_wait3A_353 = tpu.memref_slice %arg5[%add3A_343, %dma_wait3A_352] : memref<320000x16xf32, #tpu.memory_space<hbm>> -> memref<1000x16xf32, #tpu.memory_space<hbm>>
      %dma_wait3A_354 = arith.constant 0 : i32
      %dma_wait3A_355 = tpu.memref_slice %arg5[%add3A_343, %dma_wait3A_354] : memref<320000x16xf32, #tpu.memory_space<hbm>> -> memref<1000x16xf32, #tpu.memory_space<hbm>>
      tpu.wait_dma2 semaphore(%arg14 : memref<!tpu.dma_semaphore, #tpu.memory_space<semaphore_mem>>) src(%arg8 : memref<1000x16xf32, #tpu.memory_space<vmem>>) dst(%dma_wait3A_355 : memref<1000x16xf32, #tpu.memory_space<hbm>>)
      %dma_wait3A_356 = arith.constant 0 : i32
      %dma_wait3A_357 = tpu.memref_slice %arg6[%add3A_343, %dma_wait3A_356] : memref<320000x16xf32, #tpu.memory_space<hbm>> -> memref<1000x16xf32, #tpu.memory_space<hbm>>
      %dma_wait3A_358 = arith.constant 0 : i32
      %dma_wait3A_359 = tpu.memref_slice %arg6[%add3A_343, %dma_wait3A_358] : memref<320000x16xf32, #tpu.memory_space<hbm>> -> memref<1000x16xf32, #tpu.memory_space<hbm>>
      tpu.wait_dma2 semaphore(%arg15 : memref<!tpu.dma_semaphore, #tpu.memory_space<semaphore_mem>>) src(%arg9 : memref<1000x16xf32, #tpu.memory_space<vmem>>) dst(%dma_wait3A_359 : memref<1000x16xf32, #tpu.memory_space<hbm>>)
      %scan3A_360 = arith.constant 0 : i32
      scf.yield %scan3A_360 : i32
    }
    %scan3A_13 = arith.constant 10 : i32
    return
  }
}

#map = affine_map<(d0, d1) -> (0, 0)>
module attributes {stable_mosaic.version = 14 : i64} {
  func.func @gather_pair(%arg0: i32, %arg1: i32, %arg2: memref<10000x64xf32, #tpu.memory_space<hbm>>, %arg3: memref<2560x125xi32, #tpu.memory_space<hbm>>, %arg4: memref<2560x125xi32, #tpu.memory_space<hbm>>, %arg5: memref<320000x64xf32, #tpu.memory_space<hbm>>, %arg6: memref<320000x64xf32, #tpu.memory_space<hbm>>, %arg7: memref<4x125xi32, #tpu.memory_space<vmem>>, %arg8: memref<4x125xi32, #tpu.memory_space<vmem>>, %arg9: memref<500x64xf32, #tpu.memory_space<vmem>>, %arg10: memref<500x64xf32, #tpu.memory_space<vmem>>, %arg11: memref<10000x64xf32, #tpu.memory_space<vmem_shared>>, %arg12: memref<!tpu.dma_semaphore, #tpu.memory_space<semaphore_mem>>, %arg13: memref<!tpu.dma_semaphore, #tpu.memory_space<semaphore_mem>>, %arg14: memref<!tpu.dma_semaphore, #tpu.memory_space<semaphore_mem>>, %arg15: memref<!tpu.dma_semaphore, #tpu.memory_space<semaphore_mem>>) attributes {dimension_semantics = [#tpu.dimension_semantics<core_parallel>, #tpu.dimension_semantics<subcore_parallel>], iteration_bounds = array<i64: 2, 16>, scalar_prefetch = 0 : i64, scratch_operands = 9 : i64, tpu.core_type = #tpu.core_type<sc_vector_subcore>, window_params = [{transform_indices = #map}, {transform_indices = #map}, {transform_indices = #map}, {transform_indices = #map}, {transform_indices = #map}]} {
    %eq3A = arith.constant 0 : i32
    %eq3A_0 = arith.cmpi eq, %arg1, %eq3A : i32
    %convert_element_type3A = arith.extui %eq3A_0 : i1 to i32
    %cond3A = arith.constant 0 : i32
    %cond3A_1 = arith.cmpi ne, %convert_element_type3A, %cond3A : i32
    scf.if %cond3A_1 {
      "tpu.region"() ({
        %run_scoped3A = tpu.sem_alloc : memref<!tpu.dma_semaphore, #tpu.memory_space<semaphore_mem>>
        tpu.enqueue_dma source(%arg2 : memref<10000x64xf32, #tpu.memory_space<hbm>>) target(%arg11 : memref<10000x64xf32, #tpu.memory_space<vmem_shared>>) target_semaphore(%run_scoped3A : memref<!tpu.dma_semaphore, #tpu.memory_space<semaphore_mem>>)
        tpu.wait_dma2 semaphore(%run_scoped3A : memref<!tpu.dma_semaphore, #tpu.memory_space<semaphore_mem>>) src(%arg2 : memref<10000x64xf32, #tpu.memory_space<hbm>>) dst(%arg11 : memref<10000x64xf32, #tpu.memory_space<vmem_shared>>)
        tpu.yield
      }) : () -> ()
    } else {
    }
    %barrier3A = arith.constant 0 : index
    tpu.barrier barrier_id(%barrier3A)
    %mul3A = arith.constant 2 : i32
    %mul3A_2 = arith.muli %arg1, %mul3A : i32
    %add3A = arith.addi %mul3A_2, %arg0 : i32
    %scan3A = arith.constant 0 : i32
    %scan3A_3 = arith.constant 0 : i32
    %scan3A_4 = arith.constant 20 : i32
    %scan3A_5 = arith.addi %scan3A_3, %scan3A_4 : i32
    %scan3A_6 = arith.constant 1 : i32
    %scan3A_7 = scf.for %scan3A_9 = %scan3A_3 to %scan3A_5 step %scan3A_6 iter_args(%scan3A_10 = %scan3A) -> (i32)  : i32 {
      %mul3A_11 = arith.constant 80 : i32
      %mul3A_12 = arith.muli %add3A, %mul3A_11 : i32
      %mul3A_13 = arith.constant 4 : i32
      %mul3A_14 = arith.muli %scan3A_9, %mul3A_13 : i32
      %add3A_15 = arith.addi %mul3A_12, %mul3A_14 : i32
      %dma_start3A = arith.constant 0 : i32
      %dma_start3A_16 = tpu.memref_slice %arg3[%add3A_15, %dma_start3A] : memref<2560x125xi32, #tpu.memory_space<hbm>> -> memref<4x125xi32, #tpu.memory_space<hbm>>
      %dma_start3A_17 = arith.constant 0 : i32
      %dma_start3A_18 = tpu.memref_slice %arg3[%add3A_15, %dma_start3A_17] : memref<2560x125xi32, #tpu.memory_space<hbm>> -> memref<4x125xi32, #tpu.memory_space<hbm>>
      tpu.enqueue_dma source(%dma_start3A_18 : memref<4x125xi32, #tpu.memory_space<hbm>>) target(%arg7 : memref<4x125xi32, #tpu.memory_space<vmem>>) target_semaphore(%arg12 : memref<!tpu.dma_semaphore, #tpu.memory_space<semaphore_mem>>)
      %dma_start3A_19 = arith.constant 0 : i32
      %dma_start3A_20 = tpu.memref_slice %arg4[%add3A_15, %dma_start3A_19] : memref<2560x125xi32, #tpu.memory_space<hbm>> -> memref<4x125xi32, #tpu.memory_space<hbm>>
      %dma_start3A_21 = arith.constant 0 : i32
      %dma_start3A_22 = tpu.memref_slice %arg4[%add3A_15, %dma_start3A_21] : memref<2560x125xi32, #tpu.memory_space<hbm>> -> memref<4x125xi32, #tpu.memory_space<hbm>>
      tpu.enqueue_dma source(%dma_start3A_22 : memref<4x125xi32, #tpu.memory_space<hbm>>) target(%arg8 : memref<4x125xi32, #tpu.memory_space<vmem>>) target_semaphore(%arg13 : memref<!tpu.dma_semaphore, #tpu.memory_space<semaphore_mem>>)
      %dma_wait3A = arith.constant 0 : i32
      %dma_wait3A_23 = tpu.memref_slice %arg3[%add3A_15, %dma_wait3A] : memref<2560x125xi32, #tpu.memory_space<hbm>> -> memref<4x125xi32, #tpu.memory_space<hbm>>
      %dma_wait3A_24 = arith.constant 0 : i32
      %dma_wait3A_25 = tpu.memref_slice %arg3[%add3A_15, %dma_wait3A_24] : memref<2560x125xi32, #tpu.memory_space<hbm>> -> memref<4x125xi32, #tpu.memory_space<hbm>>
      tpu.wait_dma2 semaphore(%arg12 : memref<!tpu.dma_semaphore, #tpu.memory_space<semaphore_mem>>) src(%dma_wait3A_25 : memref<4x125xi32, #tpu.memory_space<hbm>>) dst(%arg7 : memref<4x125xi32, #tpu.memory_space<vmem>>)
      %dma_wait3A_26 = arith.constant 0 : i32
      %dma_wait3A_27 = tpu.memref_slice %arg4[%add3A_15, %dma_wait3A_26] : memref<2560x125xi32, #tpu.memory_space<hbm>> -> memref<4x125xi32, #tpu.memory_space<hbm>>
      %dma_wait3A_28 = arith.constant 0 : i32
      %dma_wait3A_29 = tpu.memref_slice %arg4[%add3A_15, %dma_wait3A_28] : memref<2560x125xi32, #tpu.memory_space<hbm>> -> memref<4x125xi32, #tpu.memory_space<hbm>>
      tpu.wait_dma2 semaphore(%arg13 : memref<!tpu.dma_semaphore, #tpu.memory_space<semaphore_mem>>) src(%dma_wait3A_29 : memref<4x125xi32, #tpu.memory_space<hbm>>) dst(%arg8 : memref<4x125xi32, #tpu.memory_space<vmem>>)
      %dma_start3A_30 = arith.constant 0 : i32
      %dma_start3A_31 = arith.constant 0 : i32
      %dma_start3A_32 = arith.constant 0 : i32
      %dma_start3A_33 = tpu.memref_slice %arg9[%dma_start3A_31, %dma_start3A_32] : memref<500x64xf32, #tpu.memory_space<vmem>> -> memref<125x64xf32, #tpu.memory_space<vmem>>
      %dma_start3A_34 = arith.constant 0 : i32
      %dma_start3A_35 = tpu.memref_slice %arg7[%dma_start3A_30, %dma_start3A_34] : memref<4x125xi32, #tpu.memory_space<vmem>> -> memref<1x125xi32, #tpu.memory_space<vmem>>
      %dma_start3A_36 = tpu.memref_squeeze %dma_start3A_35 : memref<1x125xi32, #tpu.memory_space<vmem>> -> memref<125xi32, #tpu.memory_space<vmem>>
      %dma_start3A_37 = arith.constant 0 : i32
      %dma_start3A_38 = arith.constant 0 : i32
      %dma_start3A_39 = tpu.memref_slice %arg11[%dma_start3A_37, %dma_start3A_38] : memref<10000x64xf32, #tpu.memory_space<vmem_shared>> -> memref<10000x64xf32, #tpu.memory_space<vmem_shared>>
      tpu.enqueue_indirect_dma source(%dma_start3A_39 : memref<10000x64xf32, #tpu.memory_space<vmem_shared>>) target(%dma_start3A_33 : memref<125x64xf32, #tpu.memory_space<vmem>>) offsets(%dma_start3A_36 : memref<125xi32, #tpu.memory_space<vmem>>) semaphore(%arg14 : memref<!tpu.dma_semaphore, #tpu.memory_space<semaphore_mem>>)
      %dma_start3A_40 = arith.constant 0 : i32
      %dma_start3A_41 = arith.constant 0 : i32
      %dma_start3A_42 = arith.constant 0 : i32
      %dma_start3A_43 = tpu.memref_slice %arg10[%dma_start3A_41, %dma_start3A_42] : memref<500x64xf32, #tpu.memory_space<vmem>> -> memref<125x64xf32, #tpu.memory_space<vmem>>
      %dma_start3A_44 = arith.constant 0 : i32
      %dma_start3A_45 = tpu.memref_slice %arg8[%dma_start3A_40, %dma_start3A_44] : memref<4x125xi32, #tpu.memory_space<vmem>> -> memref<1x125xi32, #tpu.memory_space<vmem>>
      %dma_start3A_46 = tpu.memref_squeeze %dma_start3A_45 : memref<1x125xi32, #tpu.memory_space<vmem>> -> memref<125xi32, #tpu.memory_space<vmem>>
      %dma_start3A_47 = arith.constant 0 : i32
      %dma_start3A_48 = arith.constant 0 : i32
      %dma_start3A_49 = tpu.memref_slice %arg11[%dma_start3A_47, %dma_start3A_48] : memref<10000x64xf32, #tpu.memory_space<vmem_shared>> -> memref<10000x64xf32, #tpu.memory_space<vmem_shared>>
      tpu.enqueue_indirect_dma source(%dma_start3A_49 : memref<10000x64xf32, #tpu.memory_space<vmem_shared>>) target(%dma_start3A_43 : memref<125x64xf32, #tpu.memory_space<vmem>>) offsets(%dma_start3A_46 : memref<125xi32, #tpu.memory_space<vmem>>) semaphore(%arg15 : memref<!tpu.dma_semaphore, #tpu.memory_space<semaphore_mem>>)
      %dma_start3A_50 = arith.constant 1 : i32
      %dma_start3A_51 = arith.constant 125 : i32
      %dma_start3A_52 = arith.constant 0 : i32
      %dma_start3A_53 = tpu.memref_slice %arg9[%dma_start3A_51, %dma_start3A_52] : memref<500x64xf32, #tpu.memory_space<vmem>> -> memref<125x64xf32, #tpu.memory_space<vmem>>
      %dma_start3A_54 = arith.constant 0 : i32
      %dma_start3A_55 = tpu.memref_slice %arg7[%dma_start3A_50, %dma_start3A_54] : memref<4x125xi32, #tpu.memory_space<vmem>> -> memref<1x125xi32, #tpu.memory_space<vmem>>
      %dma_start3A_56 = tpu.memref_squeeze %dma_start3A_55 : memref<1x125xi32, #tpu.memory_space<vmem>> -> memref<125xi32, #tpu.memory_space<vmem>>
      %dma_start3A_57 = arith.constant 0 : i32
      %dma_start3A_58 = arith.constant 0 : i32
      %dma_start3A_59 = tpu.memref_slice %arg11[%dma_start3A_57, %dma_start3A_58] : memref<10000x64xf32, #tpu.memory_space<vmem_shared>> -> memref<10000x64xf32, #tpu.memory_space<vmem_shared>>
      tpu.enqueue_indirect_dma source(%dma_start3A_59 : memref<10000x64xf32, #tpu.memory_space<vmem_shared>>) target(%dma_start3A_53 : memref<125x64xf32, #tpu.memory_space<vmem>>) offsets(%dma_start3A_56 : memref<125xi32, #tpu.memory_space<vmem>>) semaphore(%arg14 : memref<!tpu.dma_semaphore, #tpu.memory_space<semaphore_mem>>)
      %dma_start3A_60 = arith.constant 1 : i32
      %dma_start3A_61 = arith.constant 125 : i32
      %dma_start3A_62 = arith.constant 0 : i32
      %dma_start3A_63 = tpu.memref_slice %arg10[%dma_start3A_61, %dma_start3A_62] : memref<500x64xf32, #tpu.memory_space<vmem>> -> memref<125x64xf32, #tpu.memory_space<vmem>>
      %dma_start3A_64 = arith.constant 0 : i32
      %dma_start3A_65 = tpu.memref_slice %arg8[%dma_start3A_60, %dma_start3A_64] : memref<4x125xi32, #tpu.memory_space<vmem>> -> memref<1x125xi32, #tpu.memory_space<vmem>>
      %dma_start3A_66 = tpu.memref_squeeze %dma_start3A_65 : memref<1x125xi32, #tpu.memory_space<vmem>> -> memref<125xi32, #tpu.memory_space<vmem>>
      %dma_start3A_67 = arith.constant 0 : i32
      %dma_start3A_68 = arith.constant 0 : i32
      %dma_start3A_69 = tpu.memref_slice %arg11[%dma_start3A_67, %dma_start3A_68] : memref<10000x64xf32, #tpu.memory_space<vmem_shared>> -> memref<10000x64xf32, #tpu.memory_space<vmem_shared>>
      tpu.enqueue_indirect_dma source(%dma_start3A_69 : memref<10000x64xf32, #tpu.memory_space<vmem_shared>>) target(%dma_start3A_63 : memref<125x64xf32, #tpu.memory_space<vmem>>) offsets(%dma_start3A_66 : memref<125xi32, #tpu.memory_space<vmem>>) semaphore(%arg15 : memref<!tpu.dma_semaphore, #tpu.memory_space<semaphore_mem>>)
      %dma_start3A_70 = arith.constant 2 : i32
      %dma_start3A_71 = arith.constant 250 : i32
      %dma_start3A_72 = arith.constant 0 : i32
      %dma_start3A_73 = tpu.memref_slice %arg9[%dma_start3A_71, %dma_start3A_72] : memref<500x64xf32, #tpu.memory_space<vmem>> -> memref<125x64xf32, #tpu.memory_space<vmem>>
      %dma_start3A_74 = arith.constant 0 : i32
      %dma_start3A_75 = tpu.memref_slice %arg7[%dma_start3A_70, %dma_start3A_74] : memref<4x125xi32, #tpu.memory_space<vmem>> -> memref<1x125xi32, #tpu.memory_space<vmem>>
      %dma_start3A_76 = tpu.memref_squeeze %dma_start3A_75 : memref<1x125xi32, #tpu.memory_space<vmem>> -> memref<125xi32, #tpu.memory_space<vmem>>
      %dma_start3A_77 = arith.constant 0 : i32
      %dma_start3A_78 = arith.constant 0 : i32
      %dma_start3A_79 = tpu.memref_slice %arg11[%dma_start3A_77, %dma_start3A_78] : memref<10000x64xf32, #tpu.memory_space<vmem_shared>> -> memref<10000x64xf32, #tpu.memory_space<vmem_shared>>
      tpu.enqueue_indirect_dma source(%dma_start3A_79 : memref<10000x64xf32, #tpu.memory_space<vmem_shared>>) target(%dma_start3A_73 : memref<125x64xf32, #tpu.memory_space<vmem>>) offsets(%dma_start3A_76 : memref<125xi32, #tpu.memory_space<vmem>>) semaphore(%arg14 : memref<!tpu.dma_semaphore, #tpu.memory_space<semaphore_mem>>)
      %dma_start3A_80 = arith.constant 2 : i32
      %dma_start3A_81 = arith.constant 250 : i32
      %dma_start3A_82 = arith.constant 0 : i32
      %dma_start3A_83 = tpu.memref_slice %arg10[%dma_start3A_81, %dma_start3A_82] : memref<500x64xf32, #tpu.memory_space<vmem>> -> memref<125x64xf32, #tpu.memory_space<vmem>>
      %dma_start3A_84 = arith.constant 0 : i32
      %dma_start3A_85 = tpu.memref_slice %arg8[%dma_start3A_80, %dma_start3A_84] : memref<4x125xi32, #tpu.memory_space<vmem>> -> memref<1x125xi32, #tpu.memory_space<vmem>>
      %dma_start3A_86 = tpu.memref_squeeze %dma_start3A_85 : memref<1x125xi32, #tpu.memory_space<vmem>> -> memref<125xi32, #tpu.memory_space<vmem>>
      %dma_start3A_87 = arith.constant 0 : i32
      %dma_start3A_88 = arith.constant 0 : i32
      %dma_start3A_89 = tpu.memref_slice %arg11[%dma_start3A_87, %dma_start3A_88] : memref<10000x64xf32, #tpu.memory_space<vmem_shared>> -> memref<10000x64xf32, #tpu.memory_space<vmem_shared>>
      tpu.enqueue_indirect_dma source(%dma_start3A_89 : memref<10000x64xf32, #tpu.memory_space<vmem_shared>>) target(%dma_start3A_83 : memref<125x64xf32, #tpu.memory_space<vmem>>) offsets(%dma_start3A_86 : memref<125xi32, #tpu.memory_space<vmem>>) semaphore(%arg15 : memref<!tpu.dma_semaphore, #tpu.memory_space<semaphore_mem>>)
      %dma_start3A_90 = arith.constant 3 : i32
      %dma_start3A_91 = arith.constant 375 : i32
      %dma_start3A_92 = arith.constant 0 : i32
      %dma_start3A_93 = tpu.memref_slice %arg9[%dma_start3A_91, %dma_start3A_92] : memref<500x64xf32, #tpu.memory_space<vmem>> -> memref<125x64xf32, #tpu.memory_space<vmem>>
      %dma_start3A_94 = arith.constant 0 : i32
      %dma_start3A_95 = tpu.memref_slice %arg7[%dma_start3A_90, %dma_start3A_94] : memref<4x125xi32, #tpu.memory_space<vmem>> -> memref<1x125xi32, #tpu.memory_space<vmem>>
      %dma_start3A_96 = tpu.memref_squeeze %dma_start3A_95 : memref<1x125xi32, #tpu.memory_space<vmem>> -> memref<125xi32, #tpu.memory_space<vmem>>
      %dma_start3A_97 = arith.constant 0 : i32
      %dma_start3A_98 = arith.constant 0 : i32
      %dma_start3A_99 = tpu.memref_slice %arg11[%dma_start3A_97, %dma_start3A_98] : memref<10000x64xf32, #tpu.memory_space<vmem_shared>> -> memref<10000x64xf32, #tpu.memory_space<vmem_shared>>
      tpu.enqueue_indirect_dma source(%dma_start3A_99 : memref<10000x64xf32, #tpu.memory_space<vmem_shared>>) target(%dma_start3A_93 : memref<125x64xf32, #tpu.memory_space<vmem>>) offsets(%dma_start3A_96 : memref<125xi32, #tpu.memory_space<vmem>>) semaphore(%arg14 : memref<!tpu.dma_semaphore, #tpu.memory_space<semaphore_mem>>)
      %dma_start3A_100 = arith.constant 3 : i32
      %dma_start3A_101 = arith.constant 375 : i32
      %dma_start3A_102 = arith.constant 0 : i32
      %dma_start3A_103 = tpu.memref_slice %arg10[%dma_start3A_101, %dma_start3A_102] : memref<500x64xf32, #tpu.memory_space<vmem>> -> memref<125x64xf32, #tpu.memory_space<vmem>>
      %dma_start3A_104 = arith.constant 0 : i32
      %dma_start3A_105 = tpu.memref_slice %arg8[%dma_start3A_100, %dma_start3A_104] : memref<4x125xi32, #tpu.memory_space<vmem>> -> memref<1x125xi32, #tpu.memory_space<vmem>>
      %dma_start3A_106 = tpu.memref_squeeze %dma_start3A_105 : memref<1x125xi32, #tpu.memory_space<vmem>> -> memref<125xi32, #tpu.memory_space<vmem>>
      %dma_start3A_107 = arith.constant 0 : i32
      %dma_start3A_108 = arith.constant 0 : i32
      %dma_start3A_109 = tpu.memref_slice %arg11[%dma_start3A_107, %dma_start3A_108] : memref<10000x64xf32, #tpu.memory_space<vmem_shared>> -> memref<10000x64xf32, #tpu.memory_space<vmem_shared>>
      tpu.enqueue_indirect_dma source(%dma_start3A_109 : memref<10000x64xf32, #tpu.memory_space<vmem_shared>>) target(%dma_start3A_103 : memref<125x64xf32, #tpu.memory_space<vmem>>) offsets(%dma_start3A_106 : memref<125xi32, #tpu.memory_space<vmem>>) semaphore(%arg15 : memref<!tpu.dma_semaphore, #tpu.memory_space<semaphore_mem>>)
      %dma_wait3A_110 = arith.constant 0 : i32
      %dma_wait3A_111 = arith.constant 0 : i32
      %dma_wait3A_112 = arith.constant 0 : i32
      %dma_wait3A_113 = tpu.memref_slice %arg9[%dma_wait3A_111, %dma_wait3A_112] : memref<500x64xf32, #tpu.memory_space<vmem>> -> memref<125x64xf32, #tpu.memory_space<vmem>>
      %dma_wait3A_114 = arith.constant 0 : i32
      %dma_wait3A_115 = tpu.memref_slice %arg7[%dma_wait3A_110, %dma_wait3A_114] : memref<4x125xi32, #tpu.memory_space<vmem>> -> memref<1x125xi32, #tpu.memory_space<vmem>>
      %dma_wait3A_116 = tpu.memref_squeeze %dma_wait3A_115 : memref<1x125xi32, #tpu.memory_space<vmem>> -> memref<125xi32, #tpu.memory_space<vmem>>
      %dma_wait3A_117 = arith.constant 0 : i32
      %dma_wait3A_118 = arith.constant 0 : i32
      %dma_wait3A_119 = tpu.memref_slice %arg11[%dma_wait3A_117, %dma_wait3A_118] : memref<10000x64xf32, #tpu.memory_space<vmem_shared>> -> memref<10000x64xf32, #tpu.memory_space<vmem_shared>>
      tpu.wait_indirect_dma semaphore(%arg14 : memref<!tpu.dma_semaphore, #tpu.memory_space<semaphore_mem>>) src(%dma_wait3A_119 : memref<10000x64xf32, #tpu.memory_space<vmem_shared>>) dst(%dma_wait3A_113 : memref<125x64xf32, #tpu.memory_space<vmem>>)
      %dma_wait3A_120 = arith.constant 0 : i32
      %dma_wait3A_121 = arith.constant 0 : i32
      %dma_wait3A_122 = arith.constant 0 : i32
      %dma_wait3A_123 = tpu.memref_slice %arg10[%dma_wait3A_121, %dma_wait3A_122] : memref<500x64xf32, #tpu.memory_space<vmem>> -> memref<125x64xf32, #tpu.memory_space<vmem>>
      %dma_wait3A_124 = arith.constant 0 : i32
      %dma_wait3A_125 = tpu.memref_slice %arg8[%dma_wait3A_120, %dma_wait3A_124] : memref<4x125xi32, #tpu.memory_space<vmem>> -> memref<1x125xi32, #tpu.memory_space<vmem>>
      %dma_wait3A_126 = tpu.memref_squeeze %dma_wait3A_125 : memref<1x125xi32, #tpu.memory_space<vmem>> -> memref<125xi32, #tpu.memory_space<vmem>>
      %dma_wait3A_127 = arith.constant 0 : i32
      %dma_wait3A_128 = arith.constant 0 : i32
      %dma_wait3A_129 = tpu.memref_slice %arg11[%dma_wait3A_127, %dma_wait3A_128] : memref<10000x64xf32, #tpu.memory_space<vmem_shared>> -> memref<10000x64xf32, #tpu.memory_space<vmem_shared>>
      tpu.wait_indirect_dma semaphore(%arg15 : memref<!tpu.dma_semaphore, #tpu.memory_space<semaphore_mem>>) src(%dma_wait3A_129 : memref<10000x64xf32, #tpu.memory_space<vmem_shared>>) dst(%dma_wait3A_123 : memref<125x64xf32, #tpu.memory_space<vmem>>)
      %dma_wait3A_130 = arith.constant 1 : i32
      %dma_wait3A_131 = arith.constant 125 : i32
      %dma_wait3A_132 = arith.constant 0 : i32
      %dma_wait3A_133 = tpu.memref_slice %arg9[%dma_wait3A_131, %dma_wait3A_132] : memref<500x64xf32, #tpu.memory_space<vmem>> -> memref<125x64xf32, #tpu.memory_space<vmem>>
      %dma_wait3A_134 = arith.constant 0 : i32
      %dma_wait3A_135 = tpu.memref_slice %arg7[%dma_wait3A_130, %dma_wait3A_134] : memref<4x125xi32, #tpu.memory_space<vmem>> -> memref<1x125xi32, #tpu.memory_space<vmem>>
      %dma_wait3A_136 = tpu.memref_squeeze %dma_wait3A_135 : memref<1x125xi32, #tpu.memory_space<vmem>> -> memref<125xi32, #tpu.memory_space<vmem>>
      %dma_wait3A_137 = arith.constant 0 : i32
      %dma_wait3A_138 = arith.constant 0 : i32
      %dma_wait3A_139 = tpu.memref_slice %arg11[%dma_wait3A_137, %dma_wait3A_138] : memref<10000x64xf32, #tpu.memory_space<vmem_shared>> -> memref<10000x64xf32, #tpu.memory_space<vmem_shared>>
      tpu.wait_indirect_dma semaphore(%arg14 : memref<!tpu.dma_semaphore, #tpu.memory_space<semaphore_mem>>) src(%dma_wait3A_139 : memref<10000x64xf32, #tpu.memory_space<vmem_shared>>) dst(%dma_wait3A_133 : memref<125x64xf32, #tpu.memory_space<vmem>>)
      %dma_wait3A_140 = arith.constant 1 : i32
      %dma_wait3A_141 = arith.constant 125 : i32
      %dma_wait3A_142 = arith.constant 0 : i32
      %dma_wait3A_143 = tpu.memref_slice %arg10[%dma_wait3A_141, %dma_wait3A_142] : memref<500x64xf32, #tpu.memory_space<vmem>> -> memref<125x64xf32, #tpu.memory_space<vmem>>
      %dma_wait3A_144 = arith.constant 0 : i32
      %dma_wait3A_145 = tpu.memref_slice %arg8[%dma_wait3A_140, %dma_wait3A_144] : memref<4x125xi32, #tpu.memory_space<vmem>> -> memref<1x125xi32, #tpu.memory_space<vmem>>
      %dma_wait3A_146 = tpu.memref_squeeze %dma_wait3A_145 : memref<1x125xi32, #tpu.memory_space<vmem>> -> memref<125xi32, #tpu.memory_space<vmem>>
      %dma_wait3A_147 = arith.constant 0 : i32
      %dma_wait3A_148 = arith.constant 0 : i32
      %dma_wait3A_149 = tpu.memref_slice %arg11[%dma_wait3A_147, %dma_wait3A_148] : memref<10000x64xf32, #tpu.memory_space<vmem_shared>> -> memref<10000x64xf32, #tpu.memory_space<vmem_shared>>
      tpu.wait_indirect_dma semaphore(%arg15 : memref<!tpu.dma_semaphore, #tpu.memory_space<semaphore_mem>>) src(%dma_wait3A_149 : memref<10000x64xf32, #tpu.memory_space<vmem_shared>>) dst(%dma_wait3A_143 : memref<125x64xf32, #tpu.memory_space<vmem>>)
      %dma_wait3A_150 = arith.constant 2 : i32
      %dma_wait3A_151 = arith.constant 250 : i32
      %dma_wait3A_152 = arith.constant 0 : i32
      %dma_wait3A_153 = tpu.memref_slice %arg9[%dma_wait3A_151, %dma_wait3A_152] : memref<500x64xf32, #tpu.memory_space<vmem>> -> memref<125x64xf32, #tpu.memory_space<vmem>>
      %dma_wait3A_154 = arith.constant 0 : i32
      %dma_wait3A_155 = tpu.memref_slice %arg7[%dma_wait3A_150, %dma_wait3A_154] : memref<4x125xi32, #tpu.memory_space<vmem>> -> memref<1x125xi32, #tpu.memory_space<vmem>>
      %dma_wait3A_156 = tpu.memref_squeeze %dma_wait3A_155 : memref<1x125xi32, #tpu.memory_space<vmem>> -> memref<125xi32, #tpu.memory_space<vmem>>
      %dma_wait3A_157 = arith.constant 0 : i32
      %dma_wait3A_158 = arith.constant 0 : i32
      %dma_wait3A_159 = tpu.memref_slice %arg11[%dma_wait3A_157, %dma_wait3A_158] : memref<10000x64xf32, #tpu.memory_space<vmem_shared>> -> memref<10000x64xf32, #tpu.memory_space<vmem_shared>>
      tpu.wait_indirect_dma semaphore(%arg14 : memref<!tpu.dma_semaphore, #tpu.memory_space<semaphore_mem>>) src(%dma_wait3A_159 : memref<10000x64xf32, #tpu.memory_space<vmem_shared>>) dst(%dma_wait3A_153 : memref<125x64xf32, #tpu.memory_space<vmem>>)
      %dma_wait3A_160 = arith.constant 2 : i32
      %dma_wait3A_161 = arith.constant 250 : i32
      %dma_wait3A_162 = arith.constant 0 : i32
      %dma_wait3A_163 = tpu.memref_slice %arg10[%dma_wait3A_161, %dma_wait3A_162] : memref<500x64xf32, #tpu.memory_space<vmem>> -> memref<125x64xf32, #tpu.memory_space<vmem>>
      %dma_wait3A_164 = arith.constant 0 : i32
      %dma_wait3A_165 = tpu.memref_slice %arg8[%dma_wait3A_160, %dma_wait3A_164] : memref<4x125xi32, #tpu.memory_space<vmem>> -> memref<1x125xi32, #tpu.memory_space<vmem>>
      %dma_wait3A_166 = tpu.memref_squeeze %dma_wait3A_165 : memref<1x125xi32, #tpu.memory_space<vmem>> -> memref<125xi32, #tpu.memory_space<vmem>>
      %dma_wait3A_167 = arith.constant 0 : i32
      %dma_wait3A_168 = arith.constant 0 : i32
      %dma_wait3A_169 = tpu.memref_slice %arg11[%dma_wait3A_167, %dma_wait3A_168] : memref<10000x64xf32, #tpu.memory_space<vmem_shared>> -> memref<10000x64xf32, #tpu.memory_space<vmem_shared>>
      tpu.wait_indirect_dma semaphore(%arg15 : memref<!tpu.dma_semaphore, #tpu.memory_space<semaphore_mem>>) src(%dma_wait3A_169 : memref<10000x64xf32, #tpu.memory_space<vmem_shared>>) dst(%dma_wait3A_163 : memref<125x64xf32, #tpu.memory_space<vmem>>)
      %dma_wait3A_170 = arith.constant 3 : i32
      %dma_wait3A_171 = arith.constant 375 : i32
      %dma_wait3A_172 = arith.constant 0 : i32
      %dma_wait3A_173 = tpu.memref_slice %arg9[%dma_wait3A_171, %dma_wait3A_172] : memref<500x64xf32, #tpu.memory_space<vmem>> -> memref<125x64xf32, #tpu.memory_space<vmem>>
      %dma_wait3A_174 = arith.constant 0 : i32
      %dma_wait3A_175 = tpu.memref_slice %arg7[%dma_wait3A_170, %dma_wait3A_174] : memref<4x125xi32, #tpu.memory_space<vmem>> -> memref<1x125xi32, #tpu.memory_space<vmem>>
      %dma_wait3A_176 = tpu.memref_squeeze %dma_wait3A_175 : memref<1x125xi32, #tpu.memory_space<vmem>> -> memref<125xi32, #tpu.memory_space<vmem>>
      %dma_wait3A_177 = arith.constant 0 : i32
      %dma_wait3A_178 = arith.constant 0 : i32
      %dma_wait3A_179 = tpu.memref_slice %arg11[%dma_wait3A_177, %dma_wait3A_178] : memref<10000x64xf32, #tpu.memory_space<vmem_shared>> -> memref<10000x64xf32, #tpu.memory_space<vmem_shared>>
      tpu.wait_indirect_dma semaphore(%arg14 : memref<!tpu.dma_semaphore, #tpu.memory_space<semaphore_mem>>) src(%dma_wait3A_179 : memref<10000x64xf32, #tpu.memory_space<vmem_shared>>) dst(%dma_wait3A_173 : memref<125x64xf32, #tpu.memory_space<vmem>>)
      %dma_wait3A_180 = arith.constant 3 : i32
      %dma_wait3A_181 = arith.constant 375 : i32
      %dma_wait3A_182 = arith.constant 0 : i32
      %dma_wait3A_183 = tpu.memref_slice %arg10[%dma_wait3A_181, %dma_wait3A_182] : memref<500x64xf32, #tpu.memory_space<vmem>> -> memref<125x64xf32, #tpu.memory_space<vmem>>
      %dma_wait3A_184 = arith.constant 0 : i32
      %dma_wait3A_185 = tpu.memref_slice %arg8[%dma_wait3A_180, %dma_wait3A_184] : memref<4x125xi32, #tpu.memory_space<vmem>> -> memref<1x125xi32, #tpu.memory_space<vmem>>
      %dma_wait3A_186 = tpu.memref_squeeze %dma_wait3A_185 : memref<1x125xi32, #tpu.memory_space<vmem>> -> memref<125xi32, #tpu.memory_space<vmem>>
      %dma_wait3A_187 = arith.constant 0 : i32
      %dma_wait3A_188 = arith.constant 0 : i32
      %dma_wait3A_189 = tpu.memref_slice %arg11[%dma_wait3A_187, %dma_wait3A_188] : memref<10000x64xf32, #tpu.memory_space<vmem_shared>> -> memref<10000x64xf32, #tpu.memory_space<vmem_shared>>
      tpu.wait_indirect_dma semaphore(%arg15 : memref<!tpu.dma_semaphore, #tpu.memory_space<semaphore_mem>>) src(%dma_wait3A_189 : memref<10000x64xf32, #tpu.memory_space<vmem_shared>>) dst(%dma_wait3A_183 : memref<125x64xf32, #tpu.memory_space<vmem>>)
      %mul3A_190 = arith.constant 10000 : i32
      %mul3A_191 = arith.muli %add3A, %mul3A_190 : i32
      %mul3A_192 = arith.constant 500 : i32
      %mul3A_193 = arith.muli %scan3A_9, %mul3A_192 : i32
      %add3A_194 = arith.addi %mul3A_191, %mul3A_193 : i32
      %dma_start3A_195 = arith.constant 0 : i32
      %dma_start3A_196 = tpu.memref_slice %arg5[%add3A_194, %dma_start3A_195] : memref<320000x64xf32, #tpu.memory_space<hbm>> -> memref<500x64xf32, #tpu.memory_space<hbm>>
      %dma_start3A_197 = arith.constant 0 : i32
      %dma_start3A_198 = tpu.memref_slice %arg5[%add3A_194, %dma_start3A_197] : memref<320000x64xf32, #tpu.memory_space<hbm>> -> memref<500x64xf32, #tpu.memory_space<hbm>>
      tpu.enqueue_dma source(%arg9 : memref<500x64xf32, #tpu.memory_space<vmem>>) target(%dma_start3A_198 : memref<500x64xf32, #tpu.memory_space<hbm>>) target_semaphore(%arg12 : memref<!tpu.dma_semaphore, #tpu.memory_space<semaphore_mem>>)
      %dma_start3A_199 = arith.constant 0 : i32
      %dma_start3A_200 = tpu.memref_slice %arg6[%add3A_194, %dma_start3A_199] : memref<320000x64xf32, #tpu.memory_space<hbm>> -> memref<500x64xf32, #tpu.memory_space<hbm>>
      %dma_start3A_201 = arith.constant 0 : i32
      %dma_start3A_202 = tpu.memref_slice %arg6[%add3A_194, %dma_start3A_201] : memref<320000x64xf32, #tpu.memory_space<hbm>> -> memref<500x64xf32, #tpu.memory_space<hbm>>
      tpu.enqueue_dma source(%arg10 : memref<500x64xf32, #tpu.memory_space<vmem>>) target(%dma_start3A_202 : memref<500x64xf32, #tpu.memory_space<hbm>>) target_semaphore(%arg13 : memref<!tpu.dma_semaphore, #tpu.memory_space<semaphore_mem>>)
      %dma_wait3A_203 = arith.constant 0 : i32
      %dma_wait3A_204 = tpu.memref_slice %arg5[%add3A_194, %dma_wait3A_203] : memref<320000x64xf32, #tpu.memory_space<hbm>> -> memref<500x64xf32, #tpu.memory_space<hbm>>
      %dma_wait3A_205 = arith.constant 0 : i32
      %dma_wait3A_206 = tpu.memref_slice %arg5[%add3A_194, %dma_wait3A_205] : memref<320000x64xf32, #tpu.memory_space<hbm>> -> memref<500x64xf32, #tpu.memory_space<hbm>>
      tpu.wait_dma2 semaphore(%arg12 : memref<!tpu.dma_semaphore, #tpu.memory_space<semaphore_mem>>) src(%arg9 : memref<500x64xf32, #tpu.memory_space<vmem>>) dst(%dma_wait3A_206 : memref<500x64xf32, #tpu.memory_space<hbm>>)
      %dma_wait3A_207 = arith.constant 0 : i32
      %dma_wait3A_208 = tpu.memref_slice %arg6[%add3A_194, %dma_wait3A_207] : memref<320000x64xf32, #tpu.memory_space<hbm>> -> memref<500x64xf32, #tpu.memory_space<hbm>>
      %dma_wait3A_209 = arith.constant 0 : i32
      %dma_wait3A_210 = tpu.memref_slice %arg6[%add3A_194, %dma_wait3A_209] : memref<320000x64xf32, #tpu.memory_space<hbm>> -> memref<500x64xf32, #tpu.memory_space<hbm>>
      tpu.wait_dma2 semaphore(%arg13 : memref<!tpu.dma_semaphore, #tpu.memory_space<semaphore_mem>>) src(%arg10 : memref<500x64xf32, #tpu.memory_space<vmem>>) dst(%dma_wait3A_210 : memref<500x64xf32, #tpu.memory_space<hbm>>)
      %scan3A_211 = arith.constant 0 : i32
      scf.yield %scan3A_211 : i32
    }
    %scan3A_8 = arith.constant 20 : i32
    return
  }
}

#map = affine_map<(d0, d1) -> (0, 0)>
module attributes {stable_mosaic.version = 14 : i64} {
  func.func @scat(%arg0: i32, %arg1: i32, %arg2: memref<320000x64xf32, #tpu.memory_space<hbm>>, %arg3: memref<2560x125xi32, #tpu.memory_space<hbm>>, %arg4: memref<10000x64xf32, #tpu.memory_space<hbm>>, %arg5: memref<10000x64xf32, #tpu.memory_space<hbm>>, %arg6: memref<10000x64xf32, #tpu.memory_space<hbm>>, %arg7: memref<8x125xi32, #tpu.memory_space<vmem>>, %arg8: memref<1000x64xf32, #tpu.memory_space<vmem>>, %arg9: memref<10000x64xf32, #tpu.memory_space<vmem_shared>>, %arg10: memref<!tpu.dma_semaphore, #tpu.memory_space<semaphore_mem>>, %arg11: memref<!tpu.dma_semaphore, #tpu.memory_space<semaphore_mem>>) attributes {dimension_semantics = [#tpu.dimension_semantics<core_parallel>, #tpu.dimension_semantics<subcore_parallel>], iteration_bounds = array<i64: 2, 16>, scalar_prefetch = 0 : i64, scratch_operands = 5 : i64, tpu.core_type = #tpu.core_type<sc_vector_subcore>, window_params = [{transform_indices = #map}, {transform_indices = #map}, {transform_indices = #map}, {transform_indices = #map}, {transform_indices = #map}]} {
    %eq3A = arith.constant 0 : i32
    %eq3A_0 = arith.cmpi eq, %arg1, %eq3A : i32
    %convert_element_type3A = arith.extui %eq3A_0 : i1 to i32
    %cond3A = arith.constant 0 : i32
    %cond3A_1 = arith.cmpi ne, %convert_element_type3A, %cond3A : i32
    scf.if %cond3A_1 {
      "tpu.region"() ({
        %run_scoped3A = tpu.sem_alloc : memref<!tpu.dma_semaphore, #tpu.memory_space<semaphore_mem>>
        tpu.enqueue_dma source(%arg4 : memref<10000x64xf32, #tpu.memory_space<hbm>>) target(%arg9 : memref<10000x64xf32, #tpu.memory_space<vmem_shared>>) target_semaphore(%run_scoped3A : memref<!tpu.dma_semaphore, #tpu.memory_space<semaphore_mem>>)
        tpu.wait_dma2 semaphore(%run_scoped3A : memref<!tpu.dma_semaphore, #tpu.memory_space<semaphore_mem>>) src(%arg4 : memref<10000x64xf32, #tpu.memory_space<hbm>>) dst(%arg9 : memref<10000x64xf32, #tpu.memory_space<vmem_shared>>)
        tpu.yield
      }) : () -> ()
    } else {
    }
    %barrier3A = arith.constant 0 : index
    tpu.barrier barrier_id(%barrier3A)
    %mul3A = arith.constant 2 : i32
    %mul3A_2 = arith.muli %arg1, %mul3A : i32
    %add3A = arith.addi %mul3A_2, %arg0 : i32
    %scan3A = arith.constant 0 : i32
    %scan3A_3 = arith.constant 0 : i32
    %scan3A_4 = arith.constant 10 : i32
    %scan3A_5 = arith.addi %scan3A_3, %scan3A_4 : i32
    %scan3A_6 = arith.constant 1 : i32
    %scan3A_7 = scf.for %scan3A_25 = %scan3A_3 to %scan3A_5 step %scan3A_6 iter_args(%scan3A_26 = %scan3A) -> (i32)  : i32 {
      %mul3A_27 = arith.constant 80 : i32
      %mul3A_28 = arith.muli %add3A, %mul3A_27 : i32
      %mul3A_29 = arith.constant 8 : i32
      %mul3A_30 = arith.muli %scan3A_25, %mul3A_29 : i32
      %add3A_31 = arith.addi %mul3A_28, %mul3A_30 : i32
      %mul3A_32 = arith.constant 10000 : i32
      %mul3A_33 = arith.muli %add3A, %mul3A_32 : i32
      %mul3A_34 = arith.constant 1000 : i32
      %mul3A_35 = arith.muli %scan3A_25, %mul3A_34 : i32
      %add3A_36 = arith.addi %mul3A_33, %mul3A_35 : i32
      %dma_start3A = arith.constant 0 : i32
      %dma_start3A_37 = tpu.memref_slice %arg3[%add3A_31, %dma_start3A] : memref<2560x125xi32, #tpu.memory_space<hbm>> -> memref<8x125xi32, #tpu.memory_space<hbm>>
      %dma_start3A_38 = arith.constant 0 : i32
      %dma_start3A_39 = tpu.memref_slice %arg3[%add3A_31, %dma_start3A_38] : memref<2560x125xi32, #tpu.memory_space<hbm>> -> memref<8x125xi32, #tpu.memory_space<hbm>>
      tpu.enqueue_dma source(%dma_start3A_39 : memref<8x125xi32, #tpu.memory_space<hbm>>) target(%arg7 : memref<8x125xi32, #tpu.memory_space<vmem>>) target_semaphore(%arg10 : memref<!tpu.dma_semaphore, #tpu.memory_space<semaphore_mem>>)
      %dma_start3A_40 = arith.constant 0 : i32
      %dma_start3A_41 = tpu.memref_slice %arg2[%add3A_36, %dma_start3A_40] : memref<320000x64xf32, #tpu.memory_space<hbm>> -> memref<1000x64xf32, #tpu.memory_space<hbm>>
      %dma_start3A_42 = arith.constant 0 : i32
      %dma_start3A_43 = tpu.memref_slice %arg2[%add3A_36, %dma_start3A_42] : memref<320000x64xf32, #tpu.memory_space<hbm>> -> memref<1000x64xf32, #tpu.memory_space<hbm>>
      tpu.enqueue_dma source(%dma_start3A_43 : memref<1000x64xf32, #tpu.memory_space<hbm>>) target(%arg8 : memref<1000x64xf32, #tpu.memory_space<vmem>>) target_semaphore(%arg11 : memref<!tpu.dma_semaphore, #tpu.memory_space<semaphore_mem>>)
      %dma_wait3A = arith.constant 0 : i32
      %dma_wait3A_44 = tpu.memref_slice %arg3[%add3A_31, %dma_wait3A] : memref<2560x125xi32, #tpu.memory_space<hbm>> -> memref<8x125xi32, #tpu.memory_space<hbm>>
      %dma_wait3A_45 = arith.constant 0 : i32
      %dma_wait3A_46 = tpu.memref_slice %arg3[%add3A_31, %dma_wait3A_45] : memref<2560x125xi32, #tpu.memory_space<hbm>> -> memref<8x125xi32, #tpu.memory_space<hbm>>
      tpu.wait_dma2 semaphore(%arg10 : memref<!tpu.dma_semaphore, #tpu.memory_space<semaphore_mem>>) src(%dma_wait3A_46 : memref<8x125xi32, #tpu.memory_space<hbm>>) dst(%arg7 : memref<8x125xi32, #tpu.memory_space<vmem>>)
      %dma_wait3A_47 = arith.constant 0 : i32
      %dma_wait3A_48 = tpu.memref_slice %arg2[%add3A_36, %dma_wait3A_47] : memref<320000x64xf32, #tpu.memory_space<hbm>> -> memref<1000x64xf32, #tpu.memory_space<hbm>>
      %dma_wait3A_49 = arith.constant 0 : i32
      %dma_wait3A_50 = tpu.memref_slice %arg2[%add3A_36, %dma_wait3A_49] : memref<320000x64xf32, #tpu.memory_space<hbm>> -> memref<1000x64xf32, #tpu.memory_space<hbm>>
      tpu.wait_dma2 semaphore(%arg11 : memref<!tpu.dma_semaphore, #tpu.memory_space<semaphore_mem>>) src(%dma_wait3A_50 : memref<1000x64xf32, #tpu.memory_space<hbm>>) dst(%arg8 : memref<1000x64xf32, #tpu.memory_space<vmem>>)
      %run_scoped3A = arith.constant 0 : i32
      "tpu.region"() ({
        %run_scoped3A_59 = tpu.sem_alloc : memref<!tpu.dma_semaphore, #tpu.memory_space<semaphore_mem>>
        %dma_start3A_60 = arith.constant 0 : i32
        %dma_start3A_61 = arith.constant 0 : i32
        %dma_start3A_62 = tpu.memref_slice %arg8[%dma_start3A_60, %dma_start3A_61] : memref<1000x64xf32, #tpu.memory_space<vmem>> -> memref<125x64xf32, #tpu.memory_space<vmem>>
        %dma_start3A_63 = arith.constant 0 : i32
        %dma_start3A_64 = tpu.memref_slice %arg7[%run_scoped3A, %dma_start3A_63] : memref<8x125xi32, #tpu.memory_space<vmem>> -> memref<1x125xi32, #tpu.memory_space<vmem>>
        %dma_start3A_65 = tpu.memref_squeeze %dma_start3A_64 : memref<1x125xi32, #tpu.memory_space<vmem>> -> memref<125xi32, #tpu.memory_space<vmem>>
        %dma_start3A_66 = arith.constant 0 : i32
        %dma_start3A_67 = arith.constant 0 : i32
        %dma_start3A_68 = tpu.memref_slice %arg9[%dma_start3A_66, %dma_start3A_67] : memref<10000x64xf32, #tpu.memory_space<vmem_shared>> -> memref<10000x64xf32, #tpu.memory_space<vmem_shared>>
        tpu.enqueue_indirect_dma source(%dma_start3A_62 : memref<125x64xf32, #tpu.memory_space<vmem>>) target(%dma_start3A_68 : memref<10000x64xf32, #tpu.memory_space<vmem_shared>>) offsets(%dma_start3A_65 : memref<125xi32, #tpu.memory_space<vmem>>) semaphore(%run_scoped3A_59 : memref<!tpu.dma_semaphore, #tpu.memory_space<semaphore_mem>>) {add = true}
        %dma_wait3A_69 = arith.constant 0 : i32
        %dma_wait3A_70 = arith.constant 0 : i32
        %dma_wait3A_71 = tpu.memref_slice %arg8[%dma_wait3A_69, %dma_wait3A_70] : memref<1000x64xf32, #tpu.memory_space<vmem>> -> memref<125x64xf32, #tpu.memory_space<vmem>>
        %dma_wait3A_72 = arith.constant 0 : i32
        %dma_wait3A_73 = tpu.memref_slice %arg7[%run_scoped3A, %dma_wait3A_72] : memref<8x125xi32, #tpu.memory_space<vmem>> -> memref<1x125xi32, #tpu.memory_space<vmem>>
        %dma_wait3A_74 = tpu.memref_squeeze %dma_wait3A_73 : memref<1x125xi32, #tpu.memory_space<vmem>> -> memref<125xi32, #tpu.memory_space<vmem>>
        %dma_wait3A_75 = arith.constant 0 : i32
        %dma_wait3A_76 = arith.constant 0 : i32
        %dma_wait3A_77 = tpu.memref_slice %arg9[%dma_wait3A_75, %dma_wait3A_76] : memref<10000x64xf32, #tpu.memory_space<vmem_shared>> -> memref<10000x64xf32, #tpu.memory_space<vmem_shared>>
        tpu.wait_indirect_dma semaphore(%run_scoped3A_59 : memref<!tpu.dma_semaphore, #tpu.memory_space<semaphore_mem>>) src(%dma_wait3A_71 : memref<125x64xf32, #tpu.memory_space<vmem>>) dst(%dma_wait3A_77 : memref<10000x64xf32, #tpu.memory_space<vmem_shared>>)
        tpu.yield
      }) : () -> ()
      %run_scoped3A_51 = arith.constant 1 : i32
      "tpu.region"() ({
        %run_scoped3A_59 = tpu.sem_alloc : memref<!tpu.dma_semaphore, #tpu.memory_space<semaphore_mem>>
        %dma_start3A_60 = arith.constant 125 : i32
        %dma_start3A_61 = arith.constant 0 : i32
        %dma_start3A_62 = tpu.memref_slice %arg8[%dma_start3A_60, %dma_start3A_61] : memref<1000x64xf32, #tpu.memory_space<vmem>> -> memref<125x64xf32, #tpu.memory_space<vmem>>
        %dma_start3A_63 = arith.constant 0 : i32
        %dma_start3A_64 = tpu.memref_slice %arg7[%run_scoped3A_51, %dma_start3A_63] : memref<8x125xi32, #tpu.memory_space<vmem>> -> memref<1x125xi32, #tpu.memory_space<vmem>>
        %dma_start3A_65 = tpu.memref_squeeze %dma_start3A_64 : memref<1x125xi32, #tpu.memory_space<vmem>> -> memref<125xi32, #tpu.memory_space<vmem>>
        %dma_start3A_66 = arith.constant 0 : i32
        %dma_start3A_67 = arith.constant 0 : i32
        %dma_start3A_68 = tpu.memref_slice %arg9[%dma_start3A_66, %dma_start3A_67] : memref<10000x64xf32, #tpu.memory_space<vmem_shared>> -> memref<10000x64xf32, #tpu.memory_space<vmem_shared>>
        tpu.enqueue_indirect_dma source(%dma_start3A_62 : memref<125x64xf32, #tpu.memory_space<vmem>>) target(%dma_start3A_68 : memref<10000x64xf32, #tpu.memory_space<vmem_shared>>) offsets(%dma_start3A_65 : memref<125xi32, #tpu.memory_space<vmem>>) semaphore(%run_scoped3A_59 : memref<!tpu.dma_semaphore, #tpu.memory_space<semaphore_mem>>) {add = true}
        %dma_wait3A_69 = arith.constant 125 : i32
        %dma_wait3A_70 = arith.constant 0 : i32
        %dma_wait3A_71 = tpu.memref_slice %arg8[%dma_wait3A_69, %dma_wait3A_70] : memref<1000x64xf32, #tpu.memory_space<vmem>> -> memref<125x64xf32, #tpu.memory_space<vmem>>
        %dma_wait3A_72 = arith.constant 0 : i32
        %dma_wait3A_73 = tpu.memref_slice %arg7[%run_scoped3A_51, %dma_wait3A_72] : memref<8x125xi32, #tpu.memory_space<vmem>> -> memref<1x125xi32, #tpu.memory_space<vmem>>
        %dma_wait3A_74 = tpu.memref_squeeze %dma_wait3A_73 : memref<1x125xi32, #tpu.memory_space<vmem>> -> memref<125xi32, #tpu.memory_space<vmem>>
        %dma_wait3A_75 = arith.constant 0 : i32
        %dma_wait3A_76 = arith.constant 0 : i32
        %dma_wait3A_77 = tpu.memref_slice %arg9[%dma_wait3A_75, %dma_wait3A_76] : memref<10000x64xf32, #tpu.memory_space<vmem_shared>> -> memref<10000x64xf32, #tpu.memory_space<vmem_shared>>
        tpu.wait_indirect_dma semaphore(%run_scoped3A_59 : memref<!tpu.dma_semaphore, #tpu.memory_space<semaphore_mem>>) src(%dma_wait3A_71 : memref<125x64xf32, #tpu.memory_space<vmem>>) dst(%dma_wait3A_77 : memref<10000x64xf32, #tpu.memory_space<vmem_shared>>)
        tpu.yield
      }) : () -> ()
      %run_scoped3A_52 = arith.constant 2 : i32
      "tpu.region"() ({
        %run_scoped3A_59 = tpu.sem_alloc : memref<!tpu.dma_semaphore, #tpu.memory_space<semaphore_mem>>
        %dma_start3A_60 = arith.constant 250 : i32
        %dma_start3A_61 = arith.constant 0 : i32
        %dma_start3A_62 = tpu.memref_slice %arg8[%dma_start3A_60, %dma_start3A_61] : memref<1000x64xf32, #tpu.memory_space<vmem>> -> memref<125x64xf32, #tpu.memory_space<vmem>>
        %dma_start3A_63 = arith.constant 0 : i32
        %dma_start3A_64 = tpu.memref_slice %arg7[%run_scoped3A_52, %dma_start3A_63] : memref<8x125xi32, #tpu.memory_space<vmem>> -> memref<1x125xi32, #tpu.memory_space<vmem>>
        %dma_start3A_65 = tpu.memref_squeeze %dma_start3A_64 : memref<1x125xi32, #tpu.memory_space<vmem>> -> memref<125xi32, #tpu.memory_space<vmem>>
        %dma_start3A_66 = arith.constant 0 : i32
        %dma_start3A_67 = arith.constant 0 : i32
        %dma_start3A_68 = tpu.memref_slice %arg9[%dma_start3A_66, %dma_start3A_67] : memref<10000x64xf32, #tpu.memory_space<vmem_shared>> -> memref<10000x64xf32, #tpu.memory_space<vmem_shared>>
        tpu.enqueue_indirect_dma source(%dma_start3A_62 : memref<125x64xf32, #tpu.memory_space<vmem>>) target(%dma_start3A_68 : memref<10000x64xf32, #tpu.memory_space<vmem_shared>>) offsets(%dma_start3A_65 : memref<125xi32, #tpu.memory_space<vmem>>) semaphore(%run_scoped3A_59 : memref<!tpu.dma_semaphore, #tpu.memory_space<semaphore_mem>>) {add = true}
        %dma_wait3A_69 = arith.constant 250 : i32
        %dma_wait3A_70 = arith.constant 0 : i32
        %dma_wait3A_71 = tpu.memref_slice %arg8[%dma_wait3A_69, %dma_wait3A_70] : memref<1000x64xf32, #tpu.memory_space<vmem>> -> memref<125x64xf32, #tpu.memory_space<vmem>>
        %dma_wait3A_72 = arith.constant 0 : i32
        %dma_wait3A_73 = tpu.memref_slice %arg7[%run_scoped3A_52, %dma_wait3A_72] : memref<8x125xi32, #tpu.memory_space<vmem>> -> memref<1x125xi32, #tpu.memory_space<vmem>>
        %dma_wait3A_74 = tpu.memref_squeeze %dma_wait3A_73 : memref<1x125xi32, #tpu.memory_space<vmem>> -> memref<125xi32, #tpu.memory_space<vmem>>
        %dma_wait3A_75 = arith.constant 0 : i32
        %dma_wait3A_76 = arith.constant 0 : i32
        %dma_wait3A_77 = tpu.memref_slice %arg9[%dma_wait3A_75, %dma_wait3A_76] : memref<10000x64xf32, #tpu.memory_space<vmem_shared>> -> memref<10000x64xf32, #tpu.memory_space<vmem_shared>>
        tpu.wait_indirect_dma semaphore(%run_scoped3A_59 : memref<!tpu.dma_semaphore, #tpu.memory_space<semaphore_mem>>) src(%dma_wait3A_71 : memref<125x64xf32, #tpu.memory_space<vmem>>) dst(%dma_wait3A_77 : memref<10000x64xf32, #tpu.memory_space<vmem_shared>>)
        tpu.yield
      }) : () -> ()
      %run_scoped3A_53 = arith.constant 3 : i32
      "tpu.region"() ({
        %run_scoped3A_59 = tpu.sem_alloc : memref<!tpu.dma_semaphore, #tpu.memory_space<semaphore_mem>>
        %dma_start3A_60 = arith.constant 375 : i32
        %dma_start3A_61 = arith.constant 0 : i32
        %dma_start3A_62 = tpu.memref_slice %arg8[%dma_start3A_60, %dma_start3A_61] : memref<1000x64xf32, #tpu.memory_space<vmem>> -> memref<125x64xf32, #tpu.memory_space<vmem>>
        %dma_start3A_63 = arith.constant 0 : i32
        %dma_start3A_64 = tpu.memref_slice %arg7[%run_scoped3A_53, %dma_start3A_63] : memref<8x125xi32, #tpu.memory_space<vmem>> -> memref<1x125xi32, #tpu.memory_space<vmem>>
        %dma_start3A_65 = tpu.memref_squeeze %dma_start3A_64 : memref<1x125xi32, #tpu.memory_space<vmem>> -> memref<125xi32, #tpu.memory_space<vmem>>
        %dma_start3A_66 = arith.constant 0 : i32
        %dma_start3A_67 = arith.constant 0 : i32
        %dma_start3A_68 = tpu.memref_slice %arg9[%dma_start3A_66, %dma_start3A_67] : memref<10000x64xf32, #tpu.memory_space<vmem_shared>> -> memref<10000x64xf32, #tpu.memory_space<vmem_shared>>
        tpu.enqueue_indirect_dma source(%dma_start3A_62 : memref<125x64xf32, #tpu.memory_space<vmem>>) target(%dma_start3A_68 : memref<10000x64xf32, #tpu.memory_space<vmem_shared>>) offsets(%dma_start3A_65 : memref<125xi32, #tpu.memory_space<vmem>>) semaphore(%run_scoped3A_59 : memref<!tpu.dma_semaphore, #tpu.memory_space<semaphore_mem>>) {add = true}
        %dma_wait3A_69 = arith.constant 375 : i32
        %dma_wait3A_70 = arith.constant 0 : i32
        %dma_wait3A_71 = tpu.memref_slice %arg8[%dma_wait3A_69, %dma_wait3A_70] : memref<1000x64xf32, #tpu.memory_space<vmem>> -> memref<125x64xf32, #tpu.memory_space<vmem>>
        %dma_wait3A_72 = arith.constant 0 : i32
        %dma_wait3A_73 = tpu.memref_slice %arg7[%run_scoped3A_53, %dma_wait3A_72] : memref<8x125xi32, #tpu.memory_space<vmem>> -> memref<1x125xi32, #tpu.memory_space<vmem>>
        %dma_wait3A_74 = tpu.memref_squeeze %dma_wait3A_73 : memref<1x125xi32, #tpu.memory_space<vmem>> -> memref<125xi32, #tpu.memory_space<vmem>>
        %dma_wait3A_75 = arith.constant 0 : i32
        %dma_wait3A_76 = arith.constant 0 : i32
        %dma_wait3A_77 = tpu.memref_slice %arg9[%dma_wait3A_75, %dma_wait3A_76] : memref<10000x64xf32, #tpu.memory_space<vmem_shared>> -> memref<10000x64xf32, #tpu.memory_space<vmem_shared>>
        tpu.wait_indirect_dma semaphore(%run_scoped3A_59 : memref<!tpu.dma_semaphore, #tpu.memory_space<semaphore_mem>>) src(%dma_wait3A_71 : memref<125x64xf32, #tpu.memory_space<vmem>>) dst(%dma_wait3A_77 : memref<10000x64xf32, #tpu.memory_space<vmem_shared>>)
        tpu.yield
      }) : () -> ()
      %run_scoped3A_54 = arith.constant 4 : i32
      "tpu.region"() ({
        %run_scoped3A_59 = tpu.sem_alloc : memref<!tpu.dma_semaphore, #tpu.memory_space<semaphore_mem>>
        %dma_start3A_60 = arith.constant 500 : i32
        %dma_start3A_61 = arith.constant 0 : i32
        %dma_start3A_62 = tpu.memref_slice %arg8[%dma_start3A_60, %dma_start3A_61] : memref<1000x64xf32, #tpu.memory_space<vmem>> -> memref<125x64xf32, #tpu.memory_space<vmem>>
        %dma_start3A_63 = arith.constant 0 : i32
        %dma_start3A_64 = tpu.memref_slice %arg7[%run_scoped3A_54, %dma_start3A_63] : memref<8x125xi32, #tpu.memory_space<vmem>> -> memref<1x125xi32, #tpu.memory_space<vmem>>
        %dma_start3A_65 = tpu.memref_squeeze %dma_start3A_64 : memref<1x125xi32, #tpu.memory_space<vmem>> -> memref<125xi32, #tpu.memory_space<vmem>>
        %dma_start3A_66 = arith.constant 0 : i32
        %dma_start3A_67 = arith.constant 0 : i32
        %dma_start3A_68 = tpu.memref_slice %arg9[%dma_start3A_66, %dma_start3A_67] : memref<10000x64xf32, #tpu.memory_space<vmem_shared>> -> memref<10000x64xf32, #tpu.memory_space<vmem_shared>>
        tpu.enqueue_indirect_dma source(%dma_start3A_62 : memref<125x64xf32, #tpu.memory_space<vmem>>) target(%dma_start3A_68 : memref<10000x64xf32, #tpu.memory_space<vmem_shared>>) offsets(%dma_start3A_65 : memref<125xi32, #tpu.memory_space<vmem>>) semaphore(%run_scoped3A_59 : memref<!tpu.dma_semaphore, #tpu.memory_space<semaphore_mem>>) {add = true}
        %dma_wait3A_69 = arith.constant 500 : i32
        %dma_wait3A_70 = arith.constant 0 : i32
        %dma_wait3A_71 = tpu.memref_slice %arg8[%dma_wait3A_69, %dma_wait3A_70] : memref<1000x64xf32, #tpu.memory_space<vmem>> -> memref<125x64xf32, #tpu.memory_space<vmem>>
        %dma_wait3A_72 = arith.constant 0 : i32
        %dma_wait3A_73 = tpu.memref_slice %arg7[%run_scoped3A_54, %dma_wait3A_72] : memref<8x125xi32, #tpu.memory_space<vmem>> -> memref<1x125xi32, #tpu.memory_space<vmem>>
        %dma_wait3A_74 = tpu.memref_squeeze %dma_wait3A_73 : memref<1x125xi32, #tpu.memory_space<vmem>> -> memref<125xi32, #tpu.memory_space<vmem>>
        %dma_wait3A_75 = arith.constant 0 : i32
        %dma_wait3A_76 = arith.constant 0 : i32
        %dma_wait3A_77 = tpu.memref_slice %arg9[%dma_wait3A_75, %dma_wait3A_76] : memref<10000x64xf32, #tpu.memory_space<vmem_shared>> -> memref<10000x64xf32, #tpu.memory_space<vmem_shared>>
        tpu.wait_indirect_dma semaphore(%run_scoped3A_59 : memref<!tpu.dma_semaphore, #tpu.memory_space<semaphore_mem>>) src(%dma_wait3A_71 : memref<125x64xf32, #tpu.memory_space<vmem>>) dst(%dma_wait3A_77 : memref<10000x64xf32, #tpu.memory_space<vmem_shared>>)
        tpu.yield
      }) : () -> ()
      %run_scoped3A_55 = arith.constant 5 : i32
      "tpu.region"() ({
        %run_scoped3A_59 = tpu.sem_alloc : memref<!tpu.dma_semaphore, #tpu.memory_space<semaphore_mem>>
        %dma_start3A_60 = arith.constant 625 : i32
        %dma_start3A_61 = arith.constant 0 : i32
        %dma_start3A_62 = tpu.memref_slice %arg8[%dma_start3A_60, %dma_start3A_61] : memref<1000x64xf32, #tpu.memory_space<vmem>> -> memref<125x64xf32, #tpu.memory_space<vmem>>
        %dma_start3A_63 = arith.constant 0 : i32
        %dma_start3A_64 = tpu.memref_slice %arg7[%run_scoped3A_55, %dma_start3A_63] : memref<8x125xi32, #tpu.memory_space<vmem>> -> memref<1x125xi32, #tpu.memory_space<vmem>>
        %dma_start3A_65 = tpu.memref_squeeze %dma_start3A_64 : memref<1x125xi32, #tpu.memory_space<vmem>> -> memref<125xi32, #tpu.memory_space<vmem>>
        %dma_start3A_66 = arith.constant 0 : i32
        %dma_start3A_67 = arith.constant 0 : i32
        %dma_start3A_68 = tpu.memref_slice %arg9[%dma_start3A_66, %dma_start3A_67] : memref<10000x64xf32, #tpu.memory_space<vmem_shared>> -> memref<10000x64xf32, #tpu.memory_space<vmem_shared>>
        tpu.enqueue_indirect_dma source(%dma_start3A_62 : memref<125x64xf32, #tpu.memory_space<vmem>>) target(%dma_start3A_68 : memref<10000x64xf32, #tpu.memory_space<vmem_shared>>) offsets(%dma_start3A_65 : memref<125xi32, #tpu.memory_space<vmem>>) semaphore(%run_scoped3A_59 : memref<!tpu.dma_semaphore, #tpu.memory_space<semaphore_mem>>) {add = true}
        %dma_wait3A_69 = arith.constant 625 : i32
        %dma_wait3A_70 = arith.constant 0 : i32
        %dma_wait3A_71 = tpu.memref_slice %arg8[%dma_wait3A_69, %dma_wait3A_70] : memref<1000x64xf32, #tpu.memory_space<vmem>> -> memref<125x64xf32, #tpu.memory_space<vmem>>
        %dma_wait3A_72 = arith.constant 0 : i32
        %dma_wait3A_73 = tpu.memref_slice %arg7[%run_scoped3A_55, %dma_wait3A_72] : memref<8x125xi32, #tpu.memory_space<vmem>> -> memref<1x125xi32, #tpu.memory_space<vmem>>
        %dma_wait3A_74 = tpu.memref_squeeze %dma_wait3A_73 : memref<1x125xi32, #tpu.memory_space<vmem>> -> memref<125xi32, #tpu.memory_space<vmem>>
        %dma_wait3A_75 = arith.constant 0 : i32
        %dma_wait3A_76 = arith.constant 0 : i32
        %dma_wait3A_77 = tpu.memref_slice %arg9[%dma_wait3A_75, %dma_wait3A_76] : memref<10000x64xf32, #tpu.memory_space<vmem_shared>> -> memref<10000x64xf32, #tpu.memory_space<vmem_shared>>
        tpu.wait_indirect_dma semaphore(%run_scoped3A_59 : memref<!tpu.dma_semaphore, #tpu.memory_space<semaphore_mem>>) src(%dma_wait3A_71 : memref<125x64xf32, #tpu.memory_space<vmem>>) dst(%dma_wait3A_77 : memref<10000x64xf32, #tpu.memory_space<vmem_shared>>)
        tpu.yield
      }) : () -> ()
      %run_scoped3A_56 = arith.constant 6 : i32
      "tpu.region"() ({
        %run_scoped3A_59 = tpu.sem_alloc : memref<!tpu.dma_semaphore, #tpu.memory_space<semaphore_mem>>
        %dma_start3A_60 = arith.constant 750 : i32
        %dma_start3A_61 = arith.constant 0 : i32
        %dma_start3A_62 = tpu.memref_slice %arg8[%dma_start3A_60, %dma_start3A_61] : memref<1000x64xf32, #tpu.memory_space<vmem>> -> memref<125x64xf32, #tpu.memory_space<vmem>>
        %dma_start3A_63 = arith.constant 0 : i32
        %dma_start3A_64 = tpu.memref_slice %arg7[%run_scoped3A_56, %dma_start3A_63] : memref<8x125xi32, #tpu.memory_space<vmem>> -> memref<1x125xi32, #tpu.memory_space<vmem>>
        %dma_start3A_65 = tpu.memref_squeeze %dma_start3A_64 : memref<1x125xi32, #tpu.memory_space<vmem>> -> memref<125xi32, #tpu.memory_space<vmem>>
        %dma_start3A_66 = arith.constant 0 : i32
        %dma_start3A_67 = arith.constant 0 : i32
        %dma_start3A_68 = tpu.memref_slice %arg9[%dma_start3A_66, %dma_start3A_67] : memref<10000x64xf32, #tpu.memory_space<vmem_shared>> -> memref<10000x64xf32, #tpu.memory_space<vmem_shared>>
        tpu.enqueue_indirect_dma source(%dma_start3A_62 : memref<125x64xf32, #tpu.memory_space<vmem>>) target(%dma_start3A_68 : memref<10000x64xf32, #tpu.memory_space<vmem_shared>>) offsets(%dma_start3A_65 : memref<125xi32, #tpu.memory_space<vmem>>) semaphore(%run_scoped3A_59 : memref<!tpu.dma_semaphore, #tpu.memory_space<semaphore_mem>>) {add = true}
        %dma_wait3A_69 = arith.constant 750 : i32
        %dma_wait3A_70 = arith.constant 0 : i32
        %dma_wait3A_71 = tpu.memref_slice %arg8[%dma_wait3A_69, %dma_wait3A_70] : memref<1000x64xf32, #tpu.memory_space<vmem>> -> memref<125x64xf32, #tpu.memory_space<vmem>>
        %dma_wait3A_72 = arith.constant 0 : i32
        %dma_wait3A_73 = tpu.memref_slice %arg7[%run_scoped3A_56, %dma_wait3A_72] : memref<8x125xi32, #tpu.memory_space<vmem>> -> memref<1x125xi32, #tpu.memory_space<vmem>>
        %dma_wait3A_74 = tpu.memref_squeeze %dma_wait3A_73 : memref<1x125xi32, #tpu.memory_space<vmem>> -> memref<125xi32, #tpu.memory_space<vmem>>
        %dma_wait3A_75 = arith.constant 0 : i32
        %dma_wait3A_76 = arith.constant 0 : i32
        %dma_wait3A_77 = tpu.memref_slice %arg9[%dma_wait3A_75, %dma_wait3A_76] : memref<10000x64xf32, #tpu.memory_space<vmem_shared>> -> memref<10000x64xf32, #tpu.memory_space<vmem_shared>>
        tpu.wait_indirect_dma semaphore(%run_scoped3A_59 : memref<!tpu.dma_semaphore, #tpu.memory_space<semaphore_mem>>) src(%dma_wait3A_71 : memref<125x64xf32, #tpu.memory_space<vmem>>) dst(%dma_wait3A_77 : memref<10000x64xf32, #tpu.memory_space<vmem_shared>>)
        tpu.yield
      }) : () -> ()
      %run_scoped3A_57 = arith.constant 7 : i32
      "tpu.region"() ({
        %run_scoped3A_59 = tpu.sem_alloc : memref<!tpu.dma_semaphore, #tpu.memory_space<semaphore_mem>>
        %dma_start3A_60 = arith.constant 875 : i32
        %dma_start3A_61 = arith.constant 0 : i32
        %dma_start3A_62 = tpu.memref_slice %arg8[%dma_start3A_60, %dma_start3A_61] : memref<1000x64xf32, #tpu.memory_space<vmem>> -> memref<125x64xf32, #tpu.memory_space<vmem>>
        %dma_start3A_63 = arith.constant 0 : i32
        %dma_start3A_64 = tpu.memref_slice %arg7[%run_scoped3A_57, %dma_start3A_63] : memref<8x125xi32, #tpu.memory_space<vmem>> -> memref<1x125xi32, #tpu.memory_space<vmem>>
        %dma_start3A_65 = tpu.memref_squeeze %dma_start3A_64 : memref<1x125xi32, #tpu.memory_space<vmem>> -> memref<125xi32, #tpu.memory_space<vmem>>
        %dma_start3A_66 = arith.constant 0 : i32
        %dma_start3A_67 = arith.constant 0 : i32
        %dma_start3A_68 = tpu.memref_slice %arg9[%dma_start3A_66, %dma_start3A_67] : memref<10000x64xf32, #tpu.memory_space<vmem_shared>> -> memref<10000x64xf32, #tpu.memory_space<vmem_shared>>
        tpu.enqueue_indirect_dma source(%dma_start3A_62 : memref<125x64xf32, #tpu.memory_space<vmem>>) target(%dma_start3A_68 : memref<10000x64xf32, #tpu.memory_space<vmem_shared>>) offsets(%dma_start3A_65 : memref<125xi32, #tpu.memory_space<vmem>>) semaphore(%run_scoped3A_59 : memref<!tpu.dma_semaphore, #tpu.memory_space<semaphore_mem>>) {add = true}
        %dma_wait3A_69 = arith.constant 875 : i32
        %dma_wait3A_70 = arith.constant 0 : i32
        %dma_wait3A_71 = tpu.memref_slice %arg8[%dma_wait3A_69, %dma_wait3A_70] : memref<1000x64xf32, #tpu.memory_space<vmem>> -> memref<125x64xf32, #tpu.memory_space<vmem>>
        %dma_wait3A_72 = arith.constant 0 : i32
        %dma_wait3A_73 = tpu.memref_slice %arg7[%run_scoped3A_57, %dma_wait3A_72] : memref<8x125xi32, #tpu.memory_space<vmem>> -> memref<1x125xi32, #tpu.memory_space<vmem>>
        %dma_wait3A_74 = tpu.memref_squeeze %dma_wait3A_73 : memref<1x125xi32, #tpu.memory_space<vmem>> -> memref<125xi32, #tpu.memory_space<vmem>>
        %dma_wait3A_75 = arith.constant 0 : i32
        %dma_wait3A_76 = arith.constant 0 : i32
        %dma_wait3A_77 = tpu.memref_slice %arg9[%dma_wait3A_75, %dma_wait3A_76] : memref<10000x64xf32, #tpu.memory_space<vmem_shared>> -> memref<10000x64xf32, #tpu.memory_space<vmem_shared>>
        tpu.wait_indirect_dma semaphore(%run_scoped3A_59 : memref<!tpu.dma_semaphore, #tpu.memory_space<semaphore_mem>>) src(%dma_wait3A_71 : memref<125x64xf32, #tpu.memory_space<vmem>>) dst(%dma_wait3A_77 : memref<10000x64xf32, #tpu.memory_space<vmem_shared>>)
        tpu.yield
      }) : () -> ()
      %scan3A_58 = arith.constant 0 : i32
      scf.yield %scan3A_58 : i32
    }
    %scan3A_8 = arith.constant 10 : i32
    %barrier3A_9 = arith.constant 0 : index
    tpu.barrier barrier_id(%barrier3A_9)
    %eq3A_10 = arith.constant 0 : i32
    %eq3A_11 = arith.cmpi eq, %arg1, %eq3A_10 : i32
    %eq3A_12 = arith.constant 0 : i32
    %eq3A_13 = arith.cmpi eq, %arg0, %eq3A_12 : i32
    %and3A = arith.andi %eq3A_11, %eq3A_13 : i1
    %convert_element_type3A_14 = arith.extui %and3A : i1 to i32
    %cond3A_15 = arith.constant 0 : i32
    %cond3A_16 = arith.cmpi ne, %convert_element_type3A_14, %cond3A_15 : i32
    scf.if %cond3A_16 {
      "tpu.region"() ({
        %run_scoped3A = tpu.sem_alloc : memref<!tpu.dma_semaphore, #tpu.memory_space<semaphore_mem>>
        tpu.enqueue_dma source(%arg9 : memref<10000x64xf32, #tpu.memory_space<vmem_shared>>) target(%arg5 : memref<10000x64xf32, #tpu.memory_space<hbm>>) target_semaphore(%run_scoped3A : memref<!tpu.dma_semaphore, #tpu.memory_space<semaphore_mem>>)
        tpu.wait_dma2 semaphore(%run_scoped3A : memref<!tpu.dma_semaphore, #tpu.memory_space<semaphore_mem>>) src(%arg9 : memref<10000x64xf32, #tpu.memory_space<vmem_shared>>) dst(%arg5 : memref<10000x64xf32, #tpu.memory_space<hbm>>)
        tpu.yield
      }) : () -> ()
    } else {
    }
    %eq3A_17 = arith.constant 0 : i32
    %eq3A_18 = arith.cmpi eq, %arg1, %eq3A_17 : i32
    %eq3A_19 = arith.constant 1 : i32
    %eq3A_20 = arith.cmpi eq, %arg0, %eq3A_19 : i32
    %and3A_21 = arith.andi %eq3A_18, %eq3A_20 : i1
    %convert_element_type3A_22 = arith.extui %and3A_21 : i1 to i32
    %cond3A_23 = arith.constant 0 : i32
    %cond3A_24 = arith.cmpi ne, %convert_element_type3A_22, %cond3A_23 : i32
    scf.if %cond3A_24 {
      "tpu.region"() ({
        %run_scoped3A = tpu.sem_alloc : memref<!tpu.dma_semaphore, #tpu.memory_space<semaphore_mem>>
        tpu.enqueue_dma source(%arg9 : memref<10000x64xf32, #tpu.memory_space<vmem_shared>>) target(%arg6 : memref<10000x64xf32, #tpu.memory_space<hbm>>) target_semaphore(%run_scoped3A : memref<!tpu.dma_semaphore, #tpu.memory_space<semaphore_mem>>)
        tpu.wait_dma2 semaphore(%run_scoped3A : memref<!tpu.dma_semaphore, #tpu.memory_space<semaphore_mem>>) src(%arg9 : memref<10000x64xf32, #tpu.memory_space<vmem_shared>>) dst(%arg6 : memref<10000x64xf32, #tpu.memory_space<hbm>>)
        tpu.yield
      }) : () -> ()
    } else {
    }
    return
  }
}

module attributes {stable_mosaic.version = 14 : i64} {
  func.func @_edge_body(%arg0: i32, %arg1: memref<2560x64xf32, #tpu.memory_space<vmem>>, %arg2: memref<2560x64xf32, #tpu.memory_space<vmem>>, %arg3: memref<2560x1xf32, #tpu.memory_space<vmem>>, %arg4: memref<2560x64xf32, #tpu.memory_space<vmem>>, %arg5: memref<2560x64xf32, #tpu.memory_space<vmem>>, %arg6: memref<64x64xf32, #tpu.memory_space<vmem>>, %arg7: memref<64x64xf32, #tpu.memory_space<vmem>>, %arg8: memref<64x64xf32, #tpu.memory_space<vmem>>, %arg9: memref<64x64xf32, #tpu.memory_space<vmem>>, %arg10: memref<64x64xf32, #tpu.memory_space<vmem>>, %arg11: memref<64x64xf32, #tpu.memory_space<vmem>>, %arg12: memref<64x64xf32, #tpu.memory_space<vmem>>, %arg13: memref<64x64xf32, #tpu.memory_space<vmem>>, %arg14: memref<64x256xf32, #tpu.memory_space<vmem>>, %arg15: memref<64x256xf32, #tpu.memory_space<vmem>>, %arg16: memref<256x4xf32, #tpu.memory_space<vmem>>, %arg17: memref<256x4xf32, #tpu.memory_space<vmem>>, %arg18: memref<2560x16xf32, #tpu.memory_space<vmem>>, %arg19: memref<2560x64xf32, #tpu.memory_space<vmem>>, %arg20: memref<2560x256xbf16, #tpu.memory_space<vmem>>) attributes {dimension_semantics = [#tpu.dimension_semantics<arbitrary>], iteration_bounds = array<i64: 125>, scalar_prefetch = 0 : i64, scratch_operands = 0 : i64, tpu.core_type = #tpu.core_type<tc>, window_params = [{transform_indices = @transform_0, window_bounds = array<i64: 2560, 64>}, {transform_indices = @transform_1, window_bounds = array<i64: 2560, 64>}, {transform_indices = @transform_2, window_bounds = array<i64: 2560, 1>}, {transform_indices = @transform_3, window_bounds = array<i64: 2560, 64>}, {transform_indices = @transform_4, window_bounds = array<i64: 2560, 64>}, {pipeline_mode = #tpu.pipeline_mode<synchronous>, transform_indices = @transform_5, window_bounds = array<i64: 64, 64>}, {pipeline_mode = #tpu.pipeline_mode<synchronous>, transform_indices = @transform_6, window_bounds = array<i64: 64, 64>}, {pipeline_mode = #tpu.pipeline_mode<synchronous>, transform_indices = @transform_7, window_bounds = array<i64: 64, 64>}, {pipeline_mode = #tpu.pipeline_mode<synchronous>, transform_indices = @transform_8, window_bounds = array<i64: 64, 64>}, {pipeline_mode = #tpu.pipeline_mode<synchronous>, transform_indices = @transform_9, window_bounds = array<i64: 64, 64>}, {pipeline_mode = #tpu.pipeline_mode<synchronous>, transform_indices = @transform_10, window_bounds = array<i64: 64, 64>}, {pipeline_mode = #tpu.pipeline_mode<synchronous>, transform_indices = @transform_11, window_bounds = array<i64: 64, 64>}, {pipeline_mode = #tpu.pipeline_mode<synchronous>, transform_indices = @transform_12, window_bounds = array<i64: 64, 64>}, {pipeline_mode = #tpu.pipeline_mode<synchronous>, transform_indices = @transform_13, window_bounds = array<i64: 64, 256>}, {pipeline_mode = #tpu.pipeline_mode<synchronous>, transform_indices = @transform_14, window_bounds = array<i64: 64, 256>}, {pipeline_mode = #tpu.pipeline_mode<synchronous>, transform_indices = @transform_15, window_bounds = array<i64: 256, 4>}, {pipeline_mode = #tpu.pipeline_mode<synchronous>, transform_indices = @transform_16, window_bounds = array<i64: 256, 4>}, {transform_indices = @transform_17, window_bounds = array<i64: 2560, 16>}, {transform_indices = @transform_18, window_bounds = array<i64: 2560, 64>}, {transform_indices = @transform_19, window_bounds = array<i64: 2560, 256>}]} {
    %get3A = arith.constant 0 : index
    %get3A_0 = arith.constant 0 : index
    %get3A_1 = vector.load %arg1[%get3A, %get3A_0] : memref<2560x64xf32, #tpu.memory_space<vmem>>, vector<2560x64xf32>
    %get3A_2 = arith.constant 0 : index
    %get3A_3 = arith.constant 0 : index
    %get3A_4 = vector.load %arg2[%get3A_2, %get3A_3] : memref<2560x64xf32, #tpu.memory_space<vmem>>, vector<2560x64xf32>
    %get3A_5 = arith.constant 0 : index
    %get3A_6 = arith.constant 0 : index
    %get3A_7 = vector.load %arg3[%get3A_5, %get3A_6] : memref<2560x1xf32, #tpu.memory_space<vmem>>, vector<2560x1xf32>
    %eq3A = arith.constant 0.000000e+00 : f32
    %eq3A_8 = vector.broadcast %eq3A : f32 to vector<2560x1xf32>
    %eq3A_9 = arith.cmpf oeq, %get3A_7, %eq3A_8 : vector<2560x1xf32>
    %convert_element_type3A = arith.extui %eq3A_9 : vector<2560x1xi1> to vector<2560x1xi32>
    %convert_element_type3A_10 = arith.sitofp %convert_element_type3A : vector<2560x1xi32> to vector<2560x1xf32>
    %mul3A = arith.constant 9.99999993E-9 : f32
    %mul3A_11 = vector.broadcast %mul3A : f32 to vector<2560x1xf32>
    %mul3A_12 = arith.mulf %convert_element_type3A_10, %mul3A_11 : vector<2560x1xf32>
    %add3A = arith.addf %get3A_7, %mul3A_12 : vector<2560x1xf32>
    %sub3A = arith.subf %get3A_1, %get3A_4 : vector<2560x64xf32>
    %div3A = vector.broadcast %add3A : vector<2560x1xf32> to vector<2560x64xf32>
    %div3A_13 = arith.divf %sub3A, %div3A : vector<2560x64xf32>
    %get3A_14 = arith.constant 0 : index
    %get3A_15 = arith.constant 0 : index
    %get3A_16 = vector.load %arg6[%get3A_14, %get3A_15] : memref<64x64xf32, #tpu.memory_space<vmem>>, vector<64x64xf32>
    %dot_general3A = arith.constant dense<0.000000e+00> : vector<2560x64xf32>
    %dot_general3A_17 = tpu.matmul %get3A_1, %get3A_16, %dot_general3A {dimension_numbers = #tpu.dot_dimension_numbers<[1], [0], [0], [1], [0, 0, 1, 1], [], []>, transpose_lhs_hint = false} : vector<2560x64xf32>, vector<64x64xf32>, vector<2560x64xf32> -> vector<2560x64xf32>
    %get3A_18 = arith.constant 0 : index
    %get3A_19 = arith.constant 0 : index
    %get3A_20 = vector.load %arg7[%get3A_18, %get3A_19] : memref<64x64xf32, #tpu.memory_space<vmem>>, vector<64x64xf32>
    %dot_general3A_21 = arith.constant dense<0.000000e+00> : vector<2560x64xf32>
    %dot_general3A_22 = tpu.matmul %get3A_4, %get3A_20, %dot_general3A_21 {dimension_numbers = #tpu.dot_dimension_numbers<[1], [0], [0], [1], [0, 0, 1, 1], [], []>, transpose_lhs_hint = false} : vector<2560x64xf32>, vector<64x64xf32>, vector<2560x64xf32> -> vector<2560x64xf32>
    %add3A_23 = arith.addf %dot_general3A_17, %dot_general3A_22 : vector<2560x64xf32>
    %get3A_24 = arith.constant 0 : index
    %get3A_25 = arith.constant 0 : index
    %get3A_26 = vector.load %arg8[%get3A_24, %get3A_25] : memref<64x64xf32, #tpu.memory_space<vmem>>, vector<64x64xf32>
    %dot_general3A_27 = arith.constant dense<0.000000e+00> : vector<2560x64xf32>
    %dot_general3A_28 = tpu.matmul %div3A_13, %get3A_26, %dot_general3A_27 {dimension_numbers = #tpu.dot_dimension_numbers<[1], [0], [0], [1], [0, 0, 1, 1], [], []>, transpose_lhs_hint = false} : vector<2560x64xf32>, vector<64x64xf32>, vector<2560x64xf32> -> vector<2560x64xf32>
    %add3A_29 = arith.addf %add3A_23, %dot_general3A_28 : vector<2560x64xf32>
    %get3A_30 = arith.constant 0 : index
    %get3A_31 = arith.constant 0 : index
    %get3A_32 = vector.load %arg9[%get3A_30, %get3A_31] : memref<64x64xf32, #tpu.memory_space<vmem>>, vector<64x64xf32>
    %dot_general3A_33 = arith.constant dense<0.000000e+00> : vector<2560x64xf32>
    %dot_general3A_34 = tpu.matmul %get3A_1, %get3A_32, %dot_general3A_33 {dimension_numbers = #tpu.dot_dimension_numbers<[1], [0], [0], [1], [0, 0, 1, 1], [], []>, transpose_lhs_hint = false} : vector<2560x64xf32>, vector<64x64xf32>, vector<2560x64xf32> -> vector<2560x64xf32>
    %get3A_35 = arith.constant 0 : index
    %get3A_36 = arith.constant 0 : index
    %get3A_37 = vector.load %arg10[%get3A_35, %get3A_36] : memref<64x64xf32, #tpu.memory_space<vmem>>, vector<64x64xf32>
    %dot_general3A_38 = arith.constant dense<0.000000e+00> : vector<2560x64xf32>
    %dot_general3A_39 = tpu.matmul %get3A_4, %get3A_37, %dot_general3A_38 {dimension_numbers = #tpu.dot_dimension_numbers<[1], [0], [0], [1], [0, 0, 1, 1], [], []>, transpose_lhs_hint = false} : vector<2560x64xf32>, vector<64x64xf32>, vector<2560x64xf32> -> vector<2560x64xf32>
    %add3A_40 = arith.addf %dot_general3A_34, %dot_general3A_39 : vector<2560x64xf32>
    %get3A_41 = arith.constant 0 : index
    %get3A_42 = arith.constant 0 : index
    %get3A_43 = vector.load %arg11[%get3A_41, %get3A_42] : memref<64x64xf32, #tpu.memory_space<vmem>>, vector<64x64xf32>
    %dot_general3A_44 = arith.constant dense<0.000000e+00> : vector<2560x64xf32>
    %dot_general3A_45 = tpu.matmul %div3A_13, %get3A_43, %dot_general3A_44 {dimension_numbers = #tpu.dot_dimension_numbers<[1], [0], [0], [1], [0, 0, 1, 1], [], []>, transpose_lhs_hint = false} : vector<2560x64xf32>, vector<64x64xf32>, vector<2560x64xf32> -> vector<2560x64xf32>
    %add3A_46 = arith.addf %add3A_40, %dot_general3A_45 : vector<2560x64xf32>
    %neg3A = arith.constant 0.000000e+00 : f32
    %neg3A_47 = vector.broadcast %neg3A : f32 to vector<2560x64xf32>
    %neg3A_48 = arith.subf %neg3A_47, %add3A_29 : vector<2560x64xf32>
    %exp3A = math.exp %neg3A_48 : vector<2560x64xf32>
    %add3A_49 = arith.constant 1.000000e+00 : f32
    %add3A_50 = vector.broadcast %add3A_49 : f32 to vector<2560x64xf32>
    %add3A_51 = arith.addf %add3A_50, %exp3A : vector<2560x64xf32>
    %div3A_52 = arith.constant 1.000000e+00 : f32
    %div3A_53 = vector.broadcast %div3A_52 : f32 to vector<2560x64xf32>
    %div3A_54 = arith.divf %div3A_53, %add3A_51 : vector<2560x64xf32>
    %gt3A = arith.constant 0.000000e+00 : f32
    %gt3A_55 = vector.broadcast %gt3A : f32 to vector<2560x64xf32>
    %gt3A_56 = arith.cmpf ogt, %add3A_46, %gt3A_55 : vector<2560x64xf32>
    %min3A = arith.constant 0.000000e+00 : f32
    %min3A_57 = vector.broadcast %min3A : f32 to vector<2560x64xf32>
    %min3A_58 = arith.minimumf %add3A_46, %min3A_57 : vector<2560x64xf32>
    %exp3A_59 = math.exp %min3A_58 : vector<2560x64xf32>
    %sub3A_60 = arith.constant 1.000000e+00 : f32
    %sub3A_61 = vector.broadcast %sub3A_60 : f32 to vector<2560x64xf32>
    %sub3A_62 = arith.subf %exp3A_59, %sub3A_61 : vector<2560x64xf32>
    %select_n3A = arith.select %gt3A_56, %add3A_46, %sub3A_62 : vector<2560x64xi1>, vector<2560x64xf32>
    %mul3A_63 = arith.mulf %div3A_54, %select_n3A : vector<2560x64xf32>
    %get3A_64 = arith.constant 0 : index
    %get3A_65 = arith.constant 0 : index
    %get3A_66 = vector.load %arg4[%get3A_64, %get3A_65] : memref<2560x64xf32, #tpu.memory_space<vmem>>, vector<2560x64xf32>
    %get3A_67 = arith.constant 0 : index
    %get3A_68 = arith.constant 0 : index
    %get3A_69 = vector.load %arg12[%get3A_67, %get3A_68] : memref<64x64xf32, #tpu.memory_space<vmem>>, vector<64x64xf32>
    %dot_general3A_70 = arith.constant dense<0.000000e+00> : vector<2560x64xf32>
    %dot_general3A_71 = tpu.matmul %get3A_66, %get3A_69, %dot_general3A_70 {dimension_numbers = #tpu.dot_dimension_numbers<[1], [0], [0], [1], [0, 0, 1, 1], [], []>, transpose_lhs_hint = false} : vector<2560x64xf32>, vector<64x64xf32>, vector<2560x64xf32> -> vector<2560x64xf32>
    %neg3A_72 = arith.constant 0.000000e+00 : f32
    %neg3A_73 = vector.broadcast %neg3A_72 : f32 to vector<2560x64xf32>
    %neg3A_74 = arith.subf %neg3A_73, %dot_general3A_71 : vector<2560x64xf32>
    %exp3A_75 = math.exp %neg3A_74 : vector<2560x64xf32>
    %add3A_76 = arith.constant 1.000000e+00 : f32
    %add3A_77 = vector.broadcast %add3A_76 : f32 to vector<2560x64xf32>
    %add3A_78 = arith.addf %add3A_77, %exp3A_75 : vector<2560x64xf32>
    %div3A_79 = arith.constant 1.000000e+00 : f32
    %div3A_80 = vector.broadcast %div3A_79 : f32 to vector<2560x64xf32>
    %div3A_81 = arith.divf %div3A_80, %add3A_78 : vector<2560x64xf32>
    %mul3A_82 = arith.mulf %get3A_66, %div3A_81 : vector<2560x64xf32>
    %get3A_83 = arith.constant 0 : index
    %get3A_84 = arith.constant 0 : index
    %get3A_85 = vector.load %arg13[%get3A_83, %get3A_84] : memref<64x64xf32, #tpu.memory_space<vmem>>, vector<64x64xf32>
    %dot_general3A_86 = arith.constant dense<0.000000e+00> : vector<2560x64xf32>
    %dot_general3A_87 = tpu.matmul %mul3A_82, %get3A_85, %dot_general3A_86 {dimension_numbers = #tpu.dot_dimension_numbers<[1], [0], [0], [1], [0, 0, 1, 1], [], []>, transpose_lhs_hint = false} : vector<2560x64xf32>, vector<64x64xf32>, vector<2560x64xf32> -> vector<2560x64xf32>
    %get3A_88 = arith.constant 0 : index
    %get3A_89 = arith.constant 0 : index
    %get3A_90 = vector.load %arg5[%get3A_88, %get3A_89] : memref<2560x64xf32, #tpu.memory_space<vmem>>, vector<2560x64xf32>
    %get3A_91 = arith.constant 0 : index
    %get3A_92 = arith.constant 0 : index
    %get3A_93 = vector.load %arg15[%get3A_91, %get3A_92] : memref<64x256xf32, #tpu.memory_space<vmem>>, vector<64x256xf32>
    %dot_general3A_94 = arith.constant dense<0.000000e+00> : vector<2560x256xf32>
    %dot_general3A_95 = tpu.matmul %get3A_90, %get3A_93, %dot_general3A_94 {dimension_numbers = #tpu.dot_dimension_numbers<[1], [0], [0], [1], [0, 0, 1, 1], [], []>, transpose_lhs_hint = false} : vector<2560x64xf32>, vector<64x256xf32>, vector<2560x256xf32> -> vector<2560x256xf32>
    %get3A_96 = arith.constant 0 : index
    %get3A_97 = arith.constant 0 : index
    %get3A_98 = vector.load %arg14[%get3A_96, %get3A_97] : memref<64x256xf32, #tpu.memory_space<vmem>>, vector<64x256xf32>
    %dot_general3A_99 = arith.constant dense<0.000000e+00> : vector<2560x256xf32>
    %dot_general3A_100 = tpu.matmul %get3A_1, %get3A_98, %dot_general3A_99 {dimension_numbers = #tpu.dot_dimension_numbers<[1], [0], [0], [1], [0, 0, 1, 1], [], []>, transpose_lhs_hint = false} : vector<2560x64xf32>, vector<64x256xf32>, vector<2560x256xf32> -> vector<2560x256xf32>
    %add3A_101 = arith.addf %dot_general3A_100, %dot_general3A_95 : vector<2560x256xf32>
    %max3A = arith.constant 0.000000e+00 : f32
    %max3A_102 = vector.broadcast %max3A : f32 to vector<2560x256xf32>
    %max3A_103 = arith.maximumf %add3A_101, %max3A_102 : vector<2560x256xf32>
    %abs3A = math.absf %add3A_101 : vector<2560x256xf32>
    %neg3A_104 = arith.constant 0.000000e+00 : f32
    %neg3A_105 = vector.broadcast %neg3A_104 : f32 to vector<2560x256xf32>
    %neg3A_106 = arith.subf %neg3A_105, %abs3A : vector<2560x256xf32>
    %exp3A_107 = math.exp %neg3A_106 : vector<2560x256xf32>
    %add3A_108 = arith.constant 1.000000e+00 : f32
    %add3A_109 = vector.broadcast %add3A_108 : f32 to vector<2560x256xf32>
    %add3A_110 = arith.addf %add3A_109, %exp3A_107 : vector<2560x256xf32>
    %log3A = math.log %add3A_110 : vector<2560x256xf32>
    %add3A_111 = arith.addf %max3A_103, %log3A : vector<2560x256xf32>
    %get3A_112 = arith.constant 0 : index
    %get3A_113 = arith.constant 0 : index
    %get3A_114 = vector.load %arg14[%get3A_112, %get3A_113] : memref<64x256xf32, #tpu.memory_space<vmem>>, vector<64x256xf32>
    %dot_general3A_115 = arith.constant dense<0.000000e+00> : vector<2560x256xf32>
    %dot_general3A_116 = tpu.matmul %get3A_4, %get3A_114, %dot_general3A_115 {dimension_numbers = #tpu.dot_dimension_numbers<[1], [0], [0], [1], [0, 0, 1, 1], [], []>, transpose_lhs_hint = false} : vector<2560x64xf32>, vector<64x256xf32>, vector<2560x256xf32> -> vector<2560x256xf32>
    %add3A_117 = arith.addf %dot_general3A_116, %dot_general3A_95 : vector<2560x256xf32>
    %max3A_118 = arith.constant 0.000000e+00 : f32
    %max3A_119 = vector.broadcast %max3A_118 : f32 to vector<2560x256xf32>
    %max3A_120 = arith.maximumf %add3A_117, %max3A_119 : vector<2560x256xf32>
    %abs3A_121 = math.absf %add3A_117 : vector<2560x256xf32>
    %neg3A_122 = arith.constant 0.000000e+00 : f32
    %neg3A_123 = vector.broadcast %neg3A_122 : f32 to vector<2560x256xf32>
    %neg3A_124 = arith.subf %neg3A_123, %abs3A_121 : vector<2560x256xf32>
    %exp3A_125 = math.exp %neg3A_124 : vector<2560x256xf32>
    %add3A_126 = arith.constant 1.000000e+00 : f32
    %add3A_127 = vector.broadcast %add3A_126 : f32 to vector<2560x256xf32>
    %add3A_128 = arith.addf %add3A_127, %exp3A_125 : vector<2560x256xf32>
    %log3A_129 = math.log %add3A_128 : vector<2560x256xf32>
    %add3A_130 = arith.addf %max3A_120, %log3A_129 : vector<2560x256xf32>
    %get3A_131 = arith.constant 0 : index
    %get3A_132 = arith.constant 0 : index
    %get3A_133 = vector.load %arg16[%get3A_131, %get3A_132] : memref<256x4xf32, #tpu.memory_space<vmem>>, vector<256x4xf32>
    %dot_general3A_134 = arith.constant dense<0.000000e+00> : vector<2560x4xf32>
    %dot_general3A_135 = tpu.matmul %add3A_111, %get3A_133, %dot_general3A_134 {dimension_numbers = #tpu.dot_dimension_numbers<[1], [0], [0], [1], [0, 0, 1, 1], [], []>, transpose_lhs_hint = false} : vector<2560x256xf32>, vector<256x4xf32>, vector<2560x4xf32> -> vector<2560x4xf32>
    %get3A_136 = arith.constant 0 : index
    %get3A_137 = arith.constant 0 : index
    %get3A_138 = vector.load %arg17[%get3A_136, %get3A_137] : memref<256x4xf32, #tpu.memory_space<vmem>>, vector<256x4xf32>
    %dot_general3A_139 = arith.constant dense<0.000000e+00> : vector<2560x4xf32>
    %dot_general3A_140 = tpu.matmul %add3A_130, %get3A_138, %dot_general3A_139 {dimension_numbers = #tpu.dot_dimension_numbers<[1], [0], [0], [1], [0, 0, 1, 1], [], []>, transpose_lhs_hint = false} : vector<2560x256xf32>, vector<256x4xf32>, vector<2560x4xf32> -> vector<2560x4xf32>
    %add3A_141 = arith.addf %dot_general3A_135, %dot_general3A_140 : vector<2560x4xf32>
    %max3A_142 = arith.constant 0.000000e+00 : f32
    %max3A_143 = vector.broadcast %max3A_142 : f32 to vector<2560x4xf32>
    %max3A_144 = arith.maximumf %add3A_141, %max3A_143 : vector<2560x4xf32>
    %abs3A_145 = math.absf %add3A_141 : vector<2560x4xf32>
    %neg3A_146 = arith.constant 0.000000e+00 : f32
    %neg3A_147 = vector.broadcast %neg3A_146 : f32 to vector<2560x4xf32>
    %neg3A_148 = arith.subf %neg3A_147, %abs3A_145 : vector<2560x4xf32>
    %exp3A_149 = math.exp %neg3A_148 : vector<2560x4xf32>
    %add3A_150 = arith.constant 1.000000e+00 : f32
    %add3A_151 = vector.broadcast %add3A_150 : f32 to vector<2560x4xf32>
    %add3A_152 = arith.addf %add3A_151, %exp3A_149 : vector<2560x4xf32>
    %log3A_153 = math.log %add3A_152 : vector<2560x4xf32>
    %add3A_154 = arith.addf %max3A_144, %log3A_153 : vector<2560x4xf32>
    %mul3A_155 = arith.constant 0.999994993 : f32
    %mul3A_156 = vector.broadcast %mul3A_155 : f32 to vector<2560x4xf32>
    %mul3A_157 = arith.mulf %add3A_154, %mul3A_156 : vector<2560x4xf32>
    %max3A_158 = arith.constant 0.000000e+00 : f32
    %max3A_159 = vector.broadcast %max3A_158 : f32 to vector<2560x4xf32>
    %max3A_160 = arith.maximumf %mul3A_157, %max3A_159 : vector<2560x4xf32>
    %abs3A_161 = math.absf %mul3A_157 : vector<2560x4xf32>
    %neg3A_162 = arith.constant 0.000000e+00 : f32
    %neg3A_163 = vector.broadcast %neg3A_162 : f32 to vector<2560x4xf32>
    %neg3A_164 = arith.subf %neg3A_163, %abs3A_161 : vector<2560x4xf32>
    %exp3A_165 = math.exp %neg3A_164 : vector<2560x4xf32>
    %add3A_166 = arith.constant 1.000000e+00 : f32
    %add3A_167 = vector.broadcast %add3A_166 : f32 to vector<2560x4xf32>
    %add3A_168 = arith.addf %add3A_167, %exp3A_165 : vector<2560x4xf32>
    %log3A_169 = math.log %add3A_168 : vector<2560x4xf32>
    %add3A_170 = arith.addf %max3A_160, %log3A_169 : vector<2560x4xf32>
    %exp3A_171 = math.exp %add3A_170 : vector<2560x4xf32>
    %swap3A = arith.constant 0 : index
    %swap3A_172 = arith.constant 0 : index
    %swap3A_173 = vector.load %arg18[%swap3A, %swap3A_172] : memref<2560x16xf32, #tpu.memory_space<vmem>>, vector<2560x4xf32>
    tpu.vector_store %arg18[%swap3A, %swap3A_172], %exp3A_171 {strides = array<i32>} : memref<2560x16xf32, #tpu.memory_space<vmem>>, vector<2560x4xf32>,
    %broadcast_in_dim3A = arith.constant 0.000000e+00 : f32
    %broadcast_in_dim3A_174 = vector.broadcast %broadcast_in_dim3A : f32 to vector<2560x12xf32>
    %swap3A_175 = arith.constant 0 : index
    %swap3A_176 = arith.constant 4 : index
    %swap3A_177 = vector.load %arg18[%swap3A_175, %swap3A_176] : memref<2560x16xf32, #tpu.memory_space<vmem>>, vector<2560x12xf32>
    tpu.vector_store %arg18[%swap3A_175, %swap3A_176], %broadcast_in_dim3A_174 {strides = array<i32>} : memref<2560x16xf32, #tpu.memory_space<vmem>>, vector<2560x12xf32>,
    %mul3A_178 = arith.mulf %mul3A_63, %dot_general3A_87 : vector<2560x64xf32>
    %swap3A_179 = arith.constant 0 : index
    %swap3A_180 = arith.constant 0 : index
    %swap3A_181 = vector.load %arg19[%swap3A_179, %swap3A_180] : memref<2560x64xf32, #tpu.memory_space<vmem>>, vector<2560x64xf32>
    tpu.vector_store %arg19[%swap3A_179, %swap3A_180], %mul3A_178 {strides = array<i32>} : memref<2560x64xf32, #tpu.memory_space<vmem>>, vector<2560x64xf32>,
    %slice3A = vector.extract_strided_slice %add3A_130 {offsets = [0, 0], sizes = [2560, 64], strides = [1, 1]} : vector<2560x256xf32> to vector<2560x64xf32>
    %mul3A_182 = arith.mulf %slice3A, %mul3A_63 : vector<2560x64xf32>
    %slice3A_183 = vector.extract_strided_slice %exp3A_171 {offsets = [0, 0], sizes = [2560, 1], strides = [1, 1]} : vector<2560x4xf32> to vector<2560x1xf32>
    %mul3A_184 = arith.constant 2.500000e-01 : f32
    %mul3A_185 = vector.broadcast %mul3A_184 : f32 to vector<2560x1xf32>
    %mul3A_186 = arith.mulf %mul3A_185, %slice3A_183 : vector<2560x1xf32>
    %mul3A_187 = vector.broadcast %mul3A_186 : vector<2560x1xf32> to vector<2560x64xf32>
    %mul3A_188 = arith.mulf %mul3A_182, %mul3A_187 : vector<2560x64xf32>
    %convert_element_type3A_189 = arith.truncf %mul3A_188 : vector<2560x64xf32> to vector<2560x64xbf16>
    %swap3A_190 = arith.constant 0 : index
    %swap3A_191 = arith.constant 0 : index
    %swap3A_192 = vector.load %arg20[%swap3A_190, %swap3A_191] : memref<2560x256xbf16, #tpu.memory_space<vmem>>, vector<2560x64xbf16>
    tpu.vector_store %arg20[%swap3A_190, %swap3A_191], %convert_element_type3A_189 {strides = array<i32>} : memref<2560x256xbf16, #tpu.memory_space<vmem>>, vector<2560x64xbf16>,
    %slice3A_193 = vector.extract_strided_slice %add3A_130 {offsets = [0, 64], sizes = [2560, 64], strides = [1, 1]} : vector<2560x256xf32> to vector<2560x64xf32>
    %mul3A_194 = arith.mulf %slice3A_193, %mul3A_63 : vector<2560x64xf32>
    %slice3A_195 = vector.extract_strided_slice %exp3A_171 {offsets = [0, 1], sizes = [2560, 1], strides = [1, 1]} : vector<2560x4xf32> to vector<2560x1xf32>
    %mul3A_196 = arith.constant 2.500000e-01 : f32
    %mul3A_197 = vector.broadcast %mul3A_196 : f32 to vector<2560x1xf32>
    %mul3A_198 = arith.mulf %mul3A_197, %slice3A_195 : vector<2560x1xf32>
    %mul3A_199 = vector.broadcast %mul3A_198 : vector<2560x1xf32> to vector<2560x64xf32>
    %mul3A_200 = arith.mulf %mul3A_194, %mul3A_199 : vector<2560x64xf32>
    %convert_element_type3A_201 = arith.truncf %mul3A_200 : vector<2560x64xf32> to vector<2560x64xbf16>
    %swap3A_202 = arith.constant 0 : index
    %swap3A_203 = arith.constant 64 : index
    %swap3A_204 = vector.load %arg20[%swap3A_202, %swap3A_203] : memref<2560x256xbf16, #tpu.memory_space<vmem>>, vector<2560x64xbf16>
    tpu.vector_store %arg20[%swap3A_202, %swap3A_203], %convert_element_type3A_201 {strides = array<i32>} : memref<2560x256xbf16, #tpu.memory_space<vmem>>, vector<2560x64xbf16>,
    %slice3A_205 = vector.extract_strided_slice %add3A_130 {offsets = [0, 128], sizes = [2560, 64], strides = [1, 1]} : vector<2560x256xf32> to vector<2560x64xf32>
    %mul3A_206 = arith.mulf %slice3A_205, %mul3A_63 : vector<2560x64xf32>
    %slice3A_207 = vector.extract_strided_slice %exp3A_171 {offsets = [0, 2], sizes = [2560, 1], strides = [1, 1]} : vector<2560x4xf32> to vector<2560x1xf32>
    %mul3A_208 = arith.constant 2.500000e-01 : f32
    %mul3A_209 = vector.broadcast %mul3A_208 : f32 to vector<2560x1xf32>
    %mul3A_210 = arith.mulf %mul3A_209, %slice3A_207 : vector<2560x1xf32>
    %mul3A_211 = vector.broadcast %mul3A_210 : vector<2560x1xf32> to vector<2560x64xf32>
    %mul3A_212 = arith.mulf %mul3A_206, %mul3A_211 : vector<2560x64xf32>
    %convert_element_type3A_213 = arith.truncf %mul3A_212 : vector<2560x64xf32> to vector<2560x64xbf16>
    %swap3A_214 = arith.constant 0 : index
    %swap3A_215 = arith.constant 128 : index
    %swap3A_216 = vector.load %arg20[%swap3A_214, %swap3A_215] : memref<2560x256xbf16, #tpu.memory_space<vmem>>, vector<2560x64xbf16>
    tpu.vector_store %arg20[%swap3A_214, %swap3A_215], %convert_element_type3A_213 {strides = array<i32>} : memref<2560x256xbf16, #tpu.memory_space<vmem>>, vector<2560x64xbf16>,
    %slice3A_217 = vector.extract_strided_slice %add3A_130 {offsets = [0, 192], sizes = [2560, 64], strides = [1, 1]} : vector<2560x256xf32> to vector<2560x64xf32>
    %mul3A_218 = arith.mulf %slice3A_217, %mul3A_63 : vector<2560x64xf32>
    %slice3A_219 = vector.extract_strided_slice %exp3A_171 {offsets = [0, 3], sizes = [2560, 1], strides = [1, 1]} : vector<2560x4xf32> to vector<2560x1xf32>
    %mul3A_220 = arith.constant 2.500000e-01 : f32
    %mul3A_221 = vector.broadcast %mul3A_220 : f32 to vector<2560x1xf32>
    %mul3A_222 = arith.mulf %mul3A_221, %slice3A_219 : vector<2560x1xf32>
    %mul3A_223 = vector.broadcast %mul3A_222 : vector<2560x1xf32> to vector<2560x64xf32>
    %mul3A_224 = arith.mulf %mul3A_218, %mul3A_223 : vector<2560x64xf32>
    %convert_element_type3A_225 = arith.truncf %mul3A_224 : vector<2560x64xf32> to vector<2560x64xbf16>
    %swap3A_226 = arith.constant 0 : index
    %swap3A_227 = arith.constant 192 : index
    %swap3A_228 = vector.load %arg20[%swap3A_226, %swap3A_227] : memref<2560x256xbf16, #tpu.memory_space<vmem>>, vector<2560x64xbf16>
    tpu.vector_store %arg20[%swap3A_226, %swap3A_227], %convert_element_type3A_225 {strides = array<i32>} : memref<2560x256xbf16, #tpu.memory_space<vmem>>, vector<2560x64xbf16>,
    return
  }
  func.func @transform_0(%arg0: i32) -> (i32, i32) {
    %c0_i32 = arith.constant 0 : i32
    %c0_i32_0 = arith.constant 0 : i32
    return %arg0, %c0_i32 : i32, i32
  }
  func.func @transform_1(%arg0: i32) -> (i32, i32) {
    %c0_i32 = arith.constant 0 : i32
    %c0_i32_0 = arith.constant 0 : i32
    return %arg0, %c0_i32 : i32, i32
  }
  func.func @transform_2(%arg0: i32) -> (i32, i32) {
    %c0_i32 = arith.constant 0 : i32
    %c0_i32_0 = arith.constant 0 : i32
    return %arg0, %c0_i32 : i32, i32
  }
  func.func @transform_3(%arg0: i32) -> (i32, i32) {
    %c0_i32 = arith.constant 0 : i32
    %c0_i32_0 = arith.constant 0 : i32
    return %arg0, %c0_i32 : i32, i32
  }
  func.func @transform_4(%arg0: i32) -> (i32, i32) {
    %c0_i32 = arith.constant 0 : i32
    %c0_i32_0 = arith.constant 0 : i32
    return %arg0, %c0_i32 : i32, i32
  }
  func.func @transform_5(%arg0: i32) -> (i32, i32) {
    %c0_i32 = arith.constant 0 : i32
    %c0_i32_0 = arith.constant 0 : i32
    %c0_i32_1 = arith.constant 0 : i32
    return %c0_i32, %c0_i32_0 : i32, i32
  }
  func.func @transform_6(%arg0: i32) -> (i32, i32) {
    %c0_i32 = arith.constant 0 : i32
    %c0_i32_0 = arith.constant 0 : i32
    %c0_i32_1 = arith.constant 0 : i32
    return %c0_i32, %c0_i32_0 : i32, i32
  }
  func.func @transform_7(%arg0: i32) -> (i32, i32) {
    %c0_i32 = arith.constant 0 : i32
    %c0_i32_0 = arith.constant 0 : i32
    %c0_i32_1 = arith.constant 0 : i32
    return %c0_i32, %c0_i32_0 : i32, i32
  }
  func.func @transform_8(%arg0: i32) -> (i32, i32) {
    %c0_i32 = arith.constant 0 : i32
    %c0_i32_0 = arith.constant 0 : i32
    %c0_i32_1 = arith.constant 0 : i32
    return %c0_i32, %c0_i32_0 : i32, i32
  }
  func.func @transform_9(%arg0: i32) -> (i32, i32) {
    %c0_i32 = arith.constant 0 : i32
    %c0_i32_0 = arith.constant 0 : i32
    %c0_i32_1 = arith.constant 0 : i32
    return %c0_i32, %c0_i32_0 : i32, i32
  }
  func.func @transform_10(%arg0: i32) -> (i32, i32) {
    %c0_i32 = arith.constant 0 : i32
    %c0_i32_0 = arith.constant 0 : i32
    %c0_i32_1 = arith.constant 0 : i32
    return %c0_i32, %c0_i32_0 : i32, i32
  }
  func.func @transform_11(%arg0: i32) -> (i32, i32) {
    %c0_i32 = arith.constant 0 : i32
    %c0_i32_0 = arith.constant 0 : i32
    %c0_i32_1 = arith.constant 0 : i32
    return %c0_i32, %c0_i32_0 : i32, i32
  }
  func.func @transform_12(%arg0: i32) -> (i32, i32) {
    %c0_i32 = arith.constant 0 : i32
    %c0_i32_0 = arith.constant 0 : i32
    %c0_i32_1 = arith.constant 0 : i32
    return %c0_i32, %c0_i32_0 : i32, i32
  }
  func.func @transform_13(%arg0: i32) -> (i32, i32) {
    %c0_i32 = arith.constant 0 : i32
    %c0_i32_0 = arith.constant 0 : i32
    %c0_i32_1 = arith.constant 0 : i32
    return %c0_i32, %c0_i32_0 : i32, i32
  }
  func.func @transform_14(%arg0: i32) -> (i32, i32) {
    %c0_i32 = arith.constant 0 : i32
    %c0_i32_0 = arith.constant 0 : i32
    %c0_i32_1 = arith.constant 0 : i32
    return %c0_i32, %c0_i32_0 : i32, i32
  }
  func.func @transform_15(%arg0: i32) -> (i32, i32) {
    %c0_i32 = arith.constant 0 : i32
    %c0_i32_0 = arith.constant 0 : i32
    %c0_i32_1 = arith.constant 0 : i32
    return %c0_i32, %c0_i32_0 : i32, i32
  }
  func.func @transform_16(%arg0: i32) -> (i32, i32) {
    %c0_i32 = arith.constant 0 : i32
    %c0_i32_0 = arith.constant 0 : i32
    %c0_i32_1 = arith.constant 0 : i32
    return %c0_i32, %c0_i32_0 : i32, i32
  }
  func.func @transform_17(%arg0: i32) -> (i32, i32) {
    %c0_i32 = arith.constant 0 : i32
    %c0_i32_0 = arith.constant 0 : i32
    return %arg0, %c0_i32 : i32, i32
  }
  func.func @transform_18(%arg0: i32) -> (i32, i32) {
    %c0_i32 = arith.constant 0 : i32
    %c0_i32_0 = arith.constant 0 : i32
    return %arg0, %c0_i32 : i32, i32
  }
  func.func @transform_19(%arg0: i32) -> (i32, i32) {
    %c0_i32 = arith.constant 0 : i32
    %c0_i32_0 = arith.constant 0 : i32
    return %arg0, %c0_i32 : i32, i32
  }
}

module attributes {stable_mosaic.version = 14 : i64} {
  func.func @_combine_body(%arg0: i32, %arg1: memref<3200x256xbf16, #tpu.memory_space<vmem>>, %arg2: memref<3200x64xf32, #tpu.memory_space<vmem>>, %arg3: memref<3200x16xf32, #tpu.memory_space<vmem>>, %arg4: memref<3200x16xf32, #tpu.memory_space<vmem>>, %arg5: memref<3200x64xf32, #tpu.memory_space<vmem>>) attributes {dimension_semantics = [#tpu.dimension_semantics<arbitrary>], iteration_bounds = array<i64: 100>, scalar_prefetch = 0 : i64, scratch_operands = 0 : i64, tpu.core_type = #tpu.core_type<tc>, window_params = [{transform_indices = @transform_0, window_bounds = array<i64: 3200, 256>}, {transform_indices = @transform_1, window_bounds = array<i64: 3200, 64>}, {transform_indices = @transform_2, window_bounds = array<i64: 3200, 16>}, {transform_indices = @transform_3, window_bounds = array<i64: 3200, 16>}, {transform_indices = @transform_4, window_bounds = array<i64: 3200, 64>}]} {
    %get3A = arith.constant 0 : index
    %get3A_0 = arith.constant 0 : index
    %get3A_1 = vector.load %arg3[%get3A, %get3A_0] : memref<3200x16xf32, #tpu.memory_space<vmem>>, vector<3200x4xf32>
    %get3A_2 = arith.constant 0 : index
    %get3A_3 = arith.constant 0 : index
    %get3A_4 = vector.load %arg4[%get3A_2, %get3A_3] : memref<3200x16xf32, #tpu.memory_space<vmem>>, vector<3200x4xf32>
    %add3A = arith.addf %get3A_1, %get3A_4 : vector<3200x4xf32>
    %add3A_5 = arith.constant 1.000000e-16 : f32
    %add3A_6 = vector.broadcast %add3A_5 : f32 to vector<3200x4xf32>
    %add3A_7 = arith.addf %add3A, %add3A_6 : vector<3200x4xf32>
    %div3A = arith.constant 1.000000e+00 : f32
    %div3A_8 = vector.broadcast %div3A : f32 to vector<3200x4xf32>
    %div3A_9 = arith.divf %div3A_8, %add3A_7 : vector<3200x4xf32>
    %get3A_10 = arith.constant 0 : index
    %get3A_11 = arith.constant 0 : index
    %get3A_12 = vector.load %arg2[%get3A_10, %get3A_11] : memref<3200x64xf32, #tpu.memory_space<vmem>>, vector<3200x64xf32>
    %get3A_13 = arith.constant 0 : index
    %get3A_14 = arith.constant 0 : index
    %get3A_15 = vector.load %arg1[%get3A_13, %get3A_14] : memref<3200x256xbf16, #tpu.memory_space<vmem>>, vector<3200x256xbf16>
    %convert_element_type3A = arith.extf %get3A_15 : vector<3200x256xbf16> to vector<3200x256xf32>
    %slice3A = vector.extract_strided_slice %convert_element_type3A {offsets = [0, 0], sizes = [3200, 64], strides = [1, 1]} : vector<3200x256xf32> to vector<3200x64xf32>
    %slice3A_16 = vector.extract_strided_slice %div3A_9 {offsets = [0, 0], sizes = [3200, 1], strides = [1, 1]} : vector<3200x4xf32> to vector<3200x1xf32>
    %mul3A = vector.broadcast %slice3A_16 : vector<3200x1xf32> to vector<3200x64xf32>
    %mul3A_17 = arith.mulf %slice3A, %mul3A : vector<3200x64xf32>
    %add3A_18 = arith.addf %get3A_12, %mul3A_17 : vector<3200x64xf32>
    %slice3A_19 = vector.extract_strided_slice %convert_element_type3A {offsets = [0, 64], sizes = [3200, 64], strides = [1, 1]} : vector<3200x256xf32> to vector<3200x64xf32>
    %slice3A_20 = vector.extract_strided_slice %div3A_9 {offsets = [0, 1], sizes = [3200, 1], strides = [1, 1]} : vector<3200x4xf32> to vector<3200x1xf32>
    %mul3A_21 = vector.broadcast %slice3A_20 : vector<3200x1xf32> to vector<3200x64xf32>
    %mul3A_22 = arith.mulf %slice3A_19, %mul3A_21 : vector<3200x64xf32>
    %add3A_23 = arith.addf %add3A_18, %mul3A_22 : vector<3200x64xf32>
    %slice3A_24 = vector.extract_strided_slice %convert_element_type3A {offsets = [0, 128], sizes = [3200, 64], strides = [1, 1]} : vector<3200x256xf32> to vector<3200x64xf32>
    %slice3A_25 = vector.extract_strided_slice %div3A_9 {offsets = [0, 2], sizes = [3200, 1], strides = [1, 1]} : vector<3200x4xf32> to vector<3200x1xf32>
    %mul3A_26 = vector.broadcast %slice3A_25 : vector<3200x1xf32> to vector<3200x64xf32>
    %mul3A_27 = arith.mulf %slice3A_24, %mul3A_26 : vector<3200x64xf32>
    %add3A_28 = arith.addf %add3A_23, %mul3A_27 : vector<3200x64xf32>
    %slice3A_29 = vector.extract_strided_slice %convert_element_type3A {offsets = [0, 192], sizes = [3200, 64], strides = [1, 1]} : vector<3200x256xf32> to vector<3200x64xf32>
    %slice3A_30 = vector.extract_strided_slice %div3A_9 {offsets = [0, 3], sizes = [3200, 1], strides = [1, 1]} : vector<3200x4xf32> to vector<3200x1xf32>
    %mul3A_31 = vector.broadcast %slice3A_30 : vector<3200x1xf32> to vector<3200x64xf32>
    %mul3A_32 = arith.mulf %slice3A_29, %mul3A_31 : vector<3200x64xf32>
    %add3A_33 = arith.addf %add3A_28, %mul3A_32 : vector<3200x64xf32>
    %swap3A = arith.constant 0 : index
    %swap3A_34 = arith.constant 0 : index
    %swap3A_35 = vector.load %arg5[%swap3A, %swap3A_34] : memref<3200x64xf32, #tpu.memory_space<vmem>>, vector<3200x64xf32>
    tpu.vector_store %arg5[%swap3A, %swap3A_34], %add3A_33 {strides = array<i32>} : memref<3200x64xf32, #tpu.memory_space<vmem>>, vector<3200x64xf32>,
    return
  }
  func.func @transform_0(%arg0: i32) -> (i32, i32) {
    %c0_i32 = arith.constant 0 : i32
    %c0_i32_0 = arith.constant 0 : i32
    return %arg0, %c0_i32 : i32, i32
  }
  func.func @transform_1(%arg0: i32) -> (i32, i32) {
    %c0_i32 = arith.constant 0 : i32
    %c0_i32_0 = arith.constant 0 : i32
    return %arg0, %c0_i32 : i32, i32
  }
  func.func @transform_2(%arg0: i32) -> (i32, i32) {
    %c0_i32 = arith.constant 0 : i32
    %c0_i32_0 = arith.constant 0 : i32
    return %arg0, %c0_i32 : i32, i32
  }
  func.func @transform_3(%arg0: i32) -> (i32, i32) {
    %c0_i32 = arith.constant 0 : i32
    %c0_i32_0 = arith.constant 0 : i32
    return %arg0, %c0_i32 : i32, i32
  }
  func.func @transform_4(%arg0: i32) -> (i32, i32) {
    %c0_i32 = arith.constant 0 : i32
    %c0_i32_0 = arith.constant 0 : i32
    return %arg0, %c0_i32 : i32, i32
  }
}

module attributes {stable_mosaic.version = 14 : i64} {
  func.func @_final_body(%arg0: i32, %arg1: memref<2000x64xf32, #tpu.memory_space<vmem>>, %arg2: memref<2000x64xf32, #tpu.memory_space<vmem>>, %arg3: memref<2000x64xf32, #tpu.memory_space<vmem>>, %arg4: memref<2000x64xf32, #tpu.memory_space<vmem>>) attributes {dimension_semantics = [#tpu.dimension_semantics<arbitrary>], iteration_bounds = array<i64: 5>, scalar_prefetch = 0 : i64, scratch_operands = 0 : i64, tpu.core_type = #tpu.core_type<tc>, window_params = [{transform_indices = @transform_0, window_bounds = array<i64: 2000, 64>}, {transform_indices = @transform_1, window_bounds = array<i64: 2000, 64>}, {transform_indices = @transform_2, window_bounds = array<i64: 2000, 64>}, {transform_indices = @transform_3, window_bounds = array<i64: 2000, 64>}]} {
    %get3A = arith.constant 0 : index
    %get3A_0 = arith.constant 0 : index
    %get3A_1 = vector.load %arg1[%get3A, %get3A_0] : memref<2000x64xf32, #tpu.memory_space<vmem>>, vector<2000x64xf32>
    %get3A_2 = arith.constant 0 : index
    %get3A_3 = arith.constant 0 : index
    %get3A_4 = vector.load %arg2[%get3A_2, %get3A_3] : memref<2000x64xf32, #tpu.memory_space<vmem>>, vector<2000x64xf32>
    %add3A = arith.addf %get3A_1, %get3A_4 : vector<2000x64xf32>
    %get3A_5 = arith.constant 0 : index
    %get3A_6 = arith.constant 0 : index
    %get3A_7 = vector.load %arg3[%get3A_5, %get3A_6] : memref<2000x64xf32, #tpu.memory_space<vmem>>, vector<2000x64xf32>
    %add3A_8 = arith.addf %add3A, %get3A_7 : vector<2000x64xf32>
    %swap3A = arith.constant 0 : index
    %swap3A_9 = arith.constant 0 : index
    %swap3A_10 = vector.load %arg4[%swap3A, %swap3A_9] : memref<2000x64xf32, #tpu.memory_space<vmem>>, vector<2000x64xf32>
    tpu.vector_store %arg4[%swap3A, %swap3A_9], %add3A_8 {strides = array<i32>} : memref<2000x64xf32, #tpu.memory_space<vmem>>, vector<2000x64xf32>,
    return
  }
  func.func @transform_0(%arg0: i32) -> (i32, i32) {
    %c0_i32 = arith.constant 0 : i32
    %c0_i32_0 = arith.constant 0 : i32
    return %arg0, %c0_i32 : i32, i32
  }
  func.func @transform_1(%arg0: i32) -> (i32, i32) {
    %c0_i32 = arith.constant 0 : i32
    %c0_i32_0 = arith.constant 0 : i32
    return %arg0, %c0_i32 : i32, i32
  }
  func.func @transform_2(%arg0: i32) -> (i32, i32) {
    %c0_i32 = arith.constant 0 : i32
    %c0_i32_0 = arith.constant 0 : i32
    return %arg0, %c0_i32 : i32, i32
  }
  func.func @transform_3(%arg0: i32) -> (i32, i32) {
    %c0_i32 = arith.constant 0 : i32
    %c0_i32_0 = arith.constant 0 : i32
    return %arg0, %c0_i32 : i32, i32
  }
}

</mosaic_0001>

<sc_bundles>
// kernel: kernel.12.cloned.1.call-start
scs
__scs_entry_jumppad:
0x0: {  	(pc) =	sbr.rel $0x88, $3  }
0x1: {  	(tag) =	ssettag $0x0;
	lr =	simm.s32 $0x1  }
0x2: {  	[smem:$0x3F95] =	sst lr;
	_ =	strace $0xD0000000  }
0x3: {  	_ = 	snop  }
0x4: {  	_ = 	snop  }
0x5: {  	_ = 	snop  }
0x6: {  	_ = 	snop  }
0x7: {  	_ = 	snop  }
__scs_overlays_trampoline_lowered:
0x8: {  	[smem:$0x3FA4] =	sst s0  }
0x9: {  	[smem:$0x3FA5] =	sst s1  }
0xa: {  	[smem:$0x3FA6] =	sst s2  }
0xb: {  	[smem:$0x3FA7] =	sst s3  }
0xc: {  	[smem:$0x3FA8] =	sst s4  }
0xd: {  	[smem:$0x3FA9] =	sst s5  }
0xe: {  	[smem:$0x3FAA] =	sst s6  }
0xf: {  	[smem:$0x3FAB] =	sst s7  }
0x10: {  	[smem:$0x3FAC] =	sst s8  }
0x11: {  	[smem:$0x3FAD] =	sst s9;
	s0 =	simm.s32 @!p0 $0x0  }
0x12: {  	s1 =	sld [smem:$0x3F93];
	s0 =	simm.s32 @p0 $0x1  }
0x13: {  	[smem:$0x3FAE] =	sst s0;
	s0 =	simm.s32 @!p1 $0x0  }
0x14: {  	s2 =	sld [smem:$0x3F92];
	s0 =	simm.s32 @p1 $0x1  }
0x15: {  	[smem:$0x3FAF] =	sst s0;
	s0 =	simm.s32 @!p2 $0x0  }
0x16: {  	s3 =	sld [smem:$0x3FDB];
	s0 =	simm.s32 @p2 $0x1  }
0x17: {  	s4 =	simm.s32 $0x1BF5;
	[smem:$0x3FB1] =	sst s0  }
0x18: {  	s0 =	sld [smem:$0x3F94];
	_ =	swait.ge [sflag:s4], $0x0  }
0x19: {  	s7 =	sld [smem:$0x3F95]  }
0x1a: {  	s8 =	sadd.s32 $0xFFFFE003, lr  }
0x1b: {  	s9 =	sadd.s32 $0xFFFFFEF7, lr;
	s5 =	simm.s32 $0xFFFFFFFF;
	p2 =	slt.u32 s8, $0xFFFFF086  }
0x1c: {  	p1 =	slt.u32 s9, $0xF7A;
	s5 =	simm.s32 @!p2 $0x0  }
0x1d: {  	s5 =	simm.s32 @p1 $0x1;
	p0 =	seq.s32 s7, s2  }
0x1e: {  	s7 =	smul.u32 @!p0 $0xF7A, s2;
	p2 =	seq.s32 @!p0 s5, $0x0  }
0x1f: {  	s9 =	smul.u32 $0xF7A, s1;
	s8 =	simm.s32 @!p0 $0x1BF5;
	p2 =	por !p2, p0  }
0x20: {  	[sflag:s8] =	ssyncset.s32 @!p0 $0xFFFFF086;
	s6 =	sadd.s32 @!p0 s3, s7;
	s7 =	simm.s32 @!p0 $0x108  }
0x21: {  	s3 =	sadd.s32 s3, s9;
	s6 =	sadd.s32 @!p0 $0x88, s6;
	s7 =	simm.s32 @p2 $0x1082  }
0x22: {  	[simem:s7], [sflag:s8] =	dma.local @!p0 [hbm:s6], $0xF7A  }
0x23: {  	s9 =	sor.u32 $0xD0000000, s2;
	s6 =	simm.s32 $0x108;
	_ =	swait.ge @!p0 [sflag:s8], $0x0  }
0x24: {  	s3 =	sadd.s32 $0x88, s3;
	s6 =	simm.s32 @!p1 $0x1082;
	[sflag:s4] =	ssyncset.s32 $0xFFFFF086  }
0x25: {  	[simem:s6], [sflag:s4] =	dma.local [hbm:s3], $0xF7A  }
0x26: {  	[smem:$0x3F95] =	sst s1;
	(tag) =	ssettag s2;
	_ =	strace s9  }
0x27: {  	s1 =	sld [smem:$0x3FA5]  }
0x28: {  	s2 =	sld [smem:$0x3FA6]  }
0x29: {  	s4 =	sld [smem:$0x3FA8]  }
0x2a: {  	p0 =	seq.s32 s5, $0x0;
	s5 =	sld [smem:$0x3FA9]  }
0x2b: {  	s6 =	sld [smem:$0x3FAA]  }
0x2c: {  	s7 =	sld [smem:$0x3FAB]  }
0x2d: {  	s3 =	simm.s32 $0x108;
	s8 =	sld [smem:$0x3FAC]  }
0x2e: {  	s3 =	simm.s32 @!p0 $0x1082;
	s9 =	sld [smem:$0x3FAD]  }
0x2f: {  	lr =	sadd.s32 s0, s3;
	s0 =	sld [smem:$0x3FA4]  }
0x30: {  	s3 =	sld [smem:$0x3FA7]  }
0x31: {  	[smem:$0x3FB0] =	sst s10  }
0x32: {  	s10 =	sld [smem:$0x3FAE];
	_ =	sdelay $0x3  }
0x33: {  	p0 =	seq.s32 s10, $0x1;
	s10 =	sld [smem:$0x3FB0];
	_ =	sdelay $0x3  }
0x34: {  	[smem:$0x3FB0] =	sst s10  }
0x35: {  	s10 =	sld [smem:$0x3FAF];
	_ =	sdelay $0x3  }
0x36: {  	p1 =	seq.s32 s10, $0x1;
	s10 =	sld [smem:$0x3FB0];
	_ =	sdelay $0x3  }
0x37: {  	[smem:$0x3FB0] =	sst s10  }
0x38: {  	s10 =	sld [smem:$0x3FB1]  }
0x39: {  	_ = 	snop;
	(pc) =	sbr.ind lr, $3  }
0x3a: {  	_ = 	snop  }
0x3b: {  	_ = 	snop  }
0x3c: {  	p2 =	seq.s32 s10, $0x1;
	s10 =	sld [smem:$0x3FB0]  }
0x3d: {  	_ =	shalt  }
0x3e: {  	_ =	shalt  }
0x3f: {  	_ =	shalt  }
0x40: {  	_ =	shalt  }
0x41: {  	_ =	shalt  }
0x42: {  	_ =	shalt  }
0x43: {  	_ =	shalt  }
0x44: {  	_ =	shalt  }
0x45: {  	_ =	shalt  }
0x46: {  	_ =	shalt  }
0x47: {  	_ =	shalt  }
0x48: {  	_ =	shalt  }
0x49: {  	_ =	shalt  }
0x4a: {  	_ =	shalt  }
0x4b: {  	_ =	shalt  }
0x4c: {  	_ =	shalt  }
0x4d: {  	_ =	shalt  }
0x4e: {  	_ =	shalt  }
0x4f: {  	_ =	shalt  }
0x50: {  	_ =	shalt  }
0x51: {  	_ =	shalt  }
0x52: {  	_ =	shalt  }
0x53: {  	_ =	shalt  }
0x54: {  	_ =	shalt  }
0x55: {  	_ =	shalt  }
0x56: {  	_ =	shalt  }
0x57: {  	_ =	shalt  }
0x58: {  	_ =	shalt  }
0x59: {  	_ =	shalt  }
0x5a: {  	_ =	shalt  }
0x5b: {  	_ =	shalt  }
0x5c: {  	_ =	shalt  }
0x5d: {  	_ =	shalt  }
0x5e: {  	_ =	shalt  }
0x5f: {  	_ =	shalt  }
0x60: {  	_ =	shalt  }
0x61: {  	_ =	shalt  }
0x62: {  	_ =	shalt  }
0x63: {  	_ =	shalt  }
0x64: {  	_ =	shalt  }
0x65: {  	_ =	shalt  }
0x66: {  	_ =	shalt  }
0x67: {  	_ =	shalt  }
0x68: {  	_ =	shalt  }
0x69: {  	_ =	shalt  }
0x6a: {  	_ =	shalt  }
0x6b: {  	_ =	shalt  }
0x6c: {  	_ =	shalt  }
0x6d: {  	_ =	shalt  }
0x6e: {  	_ =	shalt  }
0x6f: {  	_ =	shalt  }
0x70: {  	_ =	shalt  }
0x71: {  	_ =	shalt  }
0x72: {  	_ =	shalt  }
0x73: {  	_ =	shalt  }
0x74: {  	_ =	shalt  }
0x75: {  	_ =	shalt  }
0x76: {  	_ =	shalt  }
0x77: {  	_ =	shalt  }
0x78: {  	_ =	shalt  }
0x79: {  	_ =	shalt  }
0x7a: {  	_ =	shalt  }
0x7b: {  	_ =	shalt  }
0x7c: {  	_ =	shalt  }
0x7d: {  	_ =	shalt  }
0x7e: {  	_ =	shalt  }
0x7f: {  	_ =	shalt  }
0x80: {  	_ =	shalt  }
0x81: {  	_ =	shalt  }
0x82: {  	_ =	shalt  }
0x83: {  	_ =	shalt  }
0x84: {  	_ =	shalt  }
0x85: {  	_ =	shalt  }
0x86: {  	_ =	shalt  }
0x87: {  	_ =	shalt  }
.Lfunc_end0:
.L_simem_size_0:
called_computation.1_lowered:
.L_overlay_start_0:
0x88: {  	s2 =	sld [smem:$0x3FD9]  }
0x89: {  	s3 =	sld [smem:$0x3FFE];
	_ =	sdelay $0x1  }
0x8a: {  	s1 =	srdreg.scid  }
0x8b: {  	s0 =	sand.u32 $0x1, s1  }
0x8c: {  	s17 =	sshll.u32 s0, $0xA;
	s2 =	sadd.s32 s3, s2  }
0x8d: {  	s2 =	sadd.s32 s2, s17  }
0x8e: {  	[smem:$0x3FBC] =	sst s2  }
0x8f: {  	_ = 	snop  }
0x90: {  	s2 =	sld [smem:$0x3FD0];
	(tm) =	ssettm $0x1  }
0x91: {  	s18 =	sld [smem:$0x3FFB];
	_ =	sdelay $0x3  }
0x92: {  	_ =	strace s18  }
0x93: {  	s3 =	sld [smem:$0x3FFC];
	_ =	sdelay $0x3  }
0x94: {  	_ =	strace s3  }
0x95: {  	s3 =	sld [smem:$0x3FFD];
	_ =	sdelay $0x3  }
0x96: {  	_ =	strace s3  }
0x97: {  	_ =	strace $0x8FFFFFFF  }
0x98: {  	s19 =	sld [smem:$0x3FDB];
	_ =	sdelay $0x1  }
0x99: {  	s4 =	simm.s32 $_scs_section_size  }
0x9a: {  	s5 =	simm.s32 $_size__tile_overlayer_lowered;
	s6 =	simm.s32 $_tile_overlayer_lowered  }
0x9b: {  	s22 =	simm.s32 $0x1BFF;
	s21 =	sshll.u32 s6, $0x1;
	s3 =	sadd.s32 s4, s19  }
0x9c: {  	s7 =	simm.s32 $0x0;
	s20 =	sshll.u32 s5, $0x1;
	s5 =	sadd.s32 s21, s3  }
0x9d: {  	[timem:s7], [sflag:s22] =	dma.local [hbm:s5], s20  }
0x9e: {  	_ =	swait.ge [sflag:s22], s20  }
0x9f: {  	s4 =	ssub.s32 $0x0, s20;
	[sflag:s22] =	ssyncset.done $0x0  }
0xa0: {  	[sflag:s22] =	ssyncadd.s32 s4;
	_ =	sdelay $0x1  }
0xa1: {  	s23 =	simm.s32 $0x1B8B  }
0xa2: {  	_ =	swait.ge [sflag:s23], $0x1  }
0xa3: {  	[sflag:s23] =	ssyncset.done $0x0  }
0xa4: {  	s25 =	simm.s32 $0x1B8E;
	s24 =	sld [smem:$0x3FFE];
	[sflag:s23] =	ssyncadd.s32 $0xFFFFFFFF  }
0xa5: {  	s26 =	simm.s32 $execute0_lowered;
	[smem:$0x3FD2] =	sst s25  }
0xa6: {  	s5 =	sshll.u32 s26, $0x1;
	_ =	strace $0x80000049;
	[dreg:$0x1] =	wrdreg $0xFFFFFFFF  }
0xa7: {  	s28 =	simm.s32 $_size_execute0_lowered;
	s3 =	sadd.s32 s3, s5;
	[dreg:$0x0] =	wrdreg $0x0  }
0xa8: {  	s5 =	sshll.u32 s28, $0x1;
	[dreg:$0x2] =	wrdreg s3  }
0xa9: {  	[dreg:$0x3] =	wrdreg s5  }
0xaa: {  	[dreg:$0x4] =	wrdreg $0xC0  }
0xab: {  	_ =	task [dreg:s7], $0x5FFFF  }
0xac: {  	[dreg:$0x1] =	wrdreg $0xFFFFFFFF  }
0xad: {  	[dreg:$0x0] =	wrdreg $0x60  }
0xae: {  	[dreg:$0x2] =	wrdreg s24  }
0xaf: {  	[dreg:$0x3] =	wrdreg s2  }
0xb0: {  	[dreg:$0x4] =	wrdreg $0x42800  }
0xb1: {  	[dreg:$0x5] =	wrdreg $0x9  }
0xb2: {  	_ =	task.clear_ibuf [dreg:s7], $0x6FFFF;
	_ =	strace $0x90000049  }
0xb3: {  	s29 =	simm.s32 $0x9;
	_ =	strace $0x8000004B  }
0xb4: {  	_ =	swait.ge [sflag:s29], $0x1  }
0xb5: {  	[sflag:s29] =	ssyncadd.s32 $0xFFFFFFFF  }
0xb6: {  	_ =	strace $0x9000004B  }
0xb7: {  	_ =	sfence  }
0xb8: {  	s30 =	sld [smem:$0x0];
	_ =	sdelay $0x2  }
0xb9: {  	s31 =	sshll.u32 s1, $0xD;
	s1 =	sshrl.u32 s1, $0x2  }
0xba: {  	s3 =	sand.u32 $0x4000, s31;
	s1 =	sadd.s32 s1, s30  }
0xbb: {  	s0 =	sor.u32 s3, s0;
	s1 =	sshll.u32 s1, $0x11  }
0xbc: {  	s0 =	sor.u32 s1, s0  }
0xbd: {  	s0 =	sadd.s32 $0x8F2B, s0  }
0xbe: {  	[sflag:s0] =	ssyncadd.remote.s32 $0x1  }
0xbf: {  	_ =	sfence.sel $0xFFFF  }
0xc0: {  	[dreg:$0x0] =	wrdreg $0xFFFFFFFF;
	(pc) =	sbr.abs _section_cstart, $3  }
0xc1: {  	[dreg:$0x1] =	wrdreg $0xFFFFFFFF  }
0xc2: {  	_ =	task.clear_ibuf [dreg:s7], $0x2FFFF;
	_ =	strace $0x9FFFFFFF  }
0xc3: {  	(tm) =	ssettm $0x7FFFFFFF  }
tec
execute0_lowered:
.L_overlay_start_1:
0x0: {  	(tag) =	ssettag $0x1  }
0x1: {  	s0 =	rddreg [dreg:$0x0];
	s9 =	stileid.u32  }
0x2: {  	s1 =	srdreg.scid;
	s3 =	rddreg [dreg:$0x2]  }
0x3: {  	s4 =	simm.s32 $0x0;
	s11 =	simm.s32 $0x400;
	s12 =	simm.s32 $0x1  }
0x4: {  	s13 =	simm.s32 $0x2;
	s14 =	simm.s32 $0x7D;
	s15 =	simm.s32 $0x3  }
0x5: {  	s16 =	simm.s32 $0x80;
	s17 =	simm.s32 $0xBD0;
	s18 =	simm.s32 $0x100  }
0x6: {  	s19 =	simm.s32 $0x13A0;
	s20 =	simm.s32 $0x180;
	s21 =	simm.s32 $0x1B70  }
0x7: {  	s22 =	simm.s32 $0x200;
	s28 =	simm.s32 $0x32E0;
	s29 =	simm.s32 $0x380  }
0x8: {  	s30 =	simm.s32 $0x3AB0;
	s31 =	simm.s32 $0x0;
	s2 =	smul.u32 $0x5000, s9  }
0x9: {  	s1 =	sand.u32 $0x1, s1;
	s6 =	smul.u32 $0x9C40, s9;
	[smem:$0x7FF] =	sst s4  }
0xa: {  	s24 =	sadd.s32 $0x36400, s0;
	p0 =	seq.s32 s9, $0x0;
	s5 =	smul.u32 $0x2800, s1  }
0xb: {  	_ =	strace $0x8000004A;
	[dreg:$0x4] =	wrdreg s24;
	s25 =	ssub.s32 $0x2, s1  }
0xc: {  	p1 =	seq.s32 s1, $0x1;
	s8 =	smul.u32 $0x4E20, s1;
	s1 =	sor.u32 s1, s9  }
0xd: {  	s24 =	simm.s32 $0x280;
	s23 =	sadd.s32 s6, s0;
	s7 =	sshrl.u32 s25, $0x1  }
0xe: {  	p0 =	por !p0, !p1;
	p2 =	sne.s32 s1, $0x0;
	s2 =	sadd.s32 s5, s2  }
0xf: {  	p1 =	por !p0, !p0;
	s26 =	sadd.s32 s8, s23;
	p0 =	sne.s32 s9, $0x0  }
0x10: {  	s23 =	simm.s32 $0x2340;
	s2 =	sshrl.u32 s2, $0x3;
	s9 =	sadd.s32 $0x518400, s26  }
0x11: {  	s10 =	sshrl.u32 @!p0 s3, $0x3;
	s2 =	sadd.s32 s2, s0;
	s0 =	sadd.s32 $0x3B400, s0  }
0x12: {  	s26 =	simm.s32 $0x300;
	[dreg:$0x5] =	wrdreg s0;
	s0 =	ssub.s32 s25, s7  }
0x13: {  	s8 =	sadd.s32 $0x2C400, s2;
	s25 =	simm.s32 $0x2B10;
	s7 =	smax.u32 s0, $0x1  }
.LBB2_1:
0x14: {  	s0 =	simm.s32 @!p0 $0x1C03;
	s1 =	rddreg [dreg:$0x1]  }
0x15: {  	[spmem:s10], [sflag:s0] =	dma.local @!p0 [hbm:s1], $0x4E20  }
0x16: {  	s0 =	simm.s32 @!p0 $0x3  }
0x17: {  	_ =	swait.ge @!p0 [sflag:s0], $0x4E20  }
0x18: {  	[sflag:s0] =	ssyncset.done @!p0 $0x0  }
0x19: {  	[sflag:s0] =	ssyncadd.s32 @!p0 $0xFFFFB1E0  }
0x1a: {  	s6 =	sadd.s32 $0x0, s8;
	[bflag:$0x0] =	sbarrier.arrive $0xFFFF  }
0x1b: {  	[tilespmem:s4], [sflag:$0x1] =	stream.linear.gather [hbm4b:s6+s4], $0x400, $0x38;
	[tilespmem:$0x6990] =	vst v63  }
0x1c: {  	_ = 	snop  }
0x1d: {  	[tilespmem:s11], [sflag:$0x2] =	stream.linear.gather [hbm4b:s9+s4], $0x3E80, $0x38;
	[tilespmem:$0x6990] =	vst v63  }
0x1e: {  	_ =	swait.ge [sflag:s12], $0x400  }
0x1f: {  	[sflag:s12] =	ssyncset.done $0x0  }
0x20: {  	[sflag:s12] =	ssyncadd.s32 $0xFFFFFC00  }
0x21: {  	_ =	swait.ge [sflag:s13], $0x3E80  }
0x22: {  	[sflag:s13] =	ssyncset.done $0x0  }
0x23: {  	[sflag:s13] =	ssyncadd.s32 $0xFFFFC180  }
0x24: {  	[spmem:s3] =	stream.indirect.scatter.add.f32 [tilespmem:s11], [sflag:$0x3], $0x10, s4, s14, $0xb8;
	[tilespmem:$0x6990] =	vst v63  }
0x25: {  	_ =	swait.ge [sflag:s15], $0x7D0  }
0x26: {  	[sflag:s15] =	ssyncset.done $0x0  }
0x27: {  	[sflag:s15] =	ssyncadd.s32 $0xFFFFF830  }
0x28: {  	[spmem:s3] =	stream.indirect.scatter.add.f32 [tilespmem:s17], [sflag:$0x3], $0x10, s16, s14, $0xb8;
	[tilespmem:$0x6990] =	vst v63  }
0x29: {  	_ =	swait.ge [sflag:s15], $0x7D0  }
0x2a: {  	[sflag:s15] =	ssyncset.done $0x0  }
0x2b: {  	[sflag:s15] =	ssyncadd.s32 $0xFFFFF830  }
0x2c: {  	[spmem:s3] =	stream.indirect.scatter.add.f32 [tilespmem:s19], [sflag:$0x3], $0x10, s18, s14, $0xb8;
	[tilespmem:$0x6990] =	vst v63  }
0x2d: {  	_ =	swait.ge [sflag:s15], $0x7D0  }
0x2e: {  	[sflag:s15] =	ssyncset.done $0x0  }
0x2f: {  	[sflag:s15] =	ssyncadd.s32 $0xFFFFF830  }
0x30: {  	[spmem:s3] =	stream.indirect.scatter.add.f32 [tilespmem:s21], [sflag:$0x3], $0x10, s20, s14, $0xb8;
	[tilespmem:$0x6990] =	vst v63  }
0x31: {  	_ =	swait.ge [sflag:s15], $0x7D0  }
0x32: {  	[sflag:s15] =	ssyncset.done $0x0  }
0x33: {  	[sflag:s15] =	ssyncadd.s32 $0xFFFFF830  }
0x34: {  	[spmem:s3] =	stream.indirect.scatter.add.f32 [tilespmem:s23], [sflag:$0x3], $0x10, s22, s14, $0xb8;
	[tilespmem:$0x6990] =	vst v63  }
0x35: {  	_ =	swait.ge [sflag:s15], $0x7D0  }
0x36: {  	[sflag:s15] =	ssyncset.done $0x0  }
0x37: {  	[sflag:s15] =	ssyncadd.s32 $0xFFFFF830  }
0x38: {  	[spmem:s3] =	stream.indirect.scatter.add.f32 [tilespmem:s25], [sflag:$0x3], $0x10, s24, s14, $0xb8;
	[tilespmem:$0x6990] =	vst v63  }
0x39: {  	_ =	swait.ge [sflag:s15], $0x7D0  }
0x3a: {  	[sflag:s15] =	ssyncset.done $0x0  }
0x3b: {  	[sflag:s15] =	ssyncadd.s32 $0xFFFFF830  }
0x3c: {  	[spmem:s3] =	stream.indirect.scatter.add.f32 [tilespmem:s28], [sflag:$0x3], $0x10, s26, s14, $0xb8;
	[tilespmem:$0x6990] =	vst v63  }
0x3d: {  	_ =	swait.ge [sflag:s15], $0x7D0  }
0x3e: {  	[sflag:s15] =	ssyncset.done $0x0  }
0x3f: {  	[sflag:s15] =	ssyncadd.s32 $0xFFFFF830  }
0x40: {  	[spmem:s3] =	stream.indirect.scatter.add.f32 [tilespmem:s30], [sflag:$0x3], $0x10, s29, s14, $0xb8;
	[tilespmem:$0x6990] =	vst v63  }
0x41: {  	s2 =	simm.s32 $0x80;
	_ =	swait.ge [sflag:s15], $0x7D0  }
0x42: {  	s1 =	sadd.s32 $0x7D0, s9;
	s0 =	simm.s32 $0x100;
	[sflag:s15] =	ssyncset.done $0x0  }
.LBB2_2:
0x43: {  	s6 =	sadd.s32 s2, s8  }
0x44: {  	[sflag:s15] =	ssyncadd.s32 $0xFFFFF830;
	s2 =	smov.u32 s0;
	s5 =	sadd.s32 $0x80, s0  }
0x45: {  	[tilespmem:s4], [sflag:$0x1] =	stream.linear.gather [hbm4b:s6+s4], $0x400, $0x38;
	[tilespmem:$0x6990] =	vst v63  }
0x46: {  	p3 =	sne.s32 s0, $0x480  }
0x47: {  	[tilespmem:s11], [sflag:$0x2] =	stream.linear.gather [hbm4b:s1+s4], $0x3E80, $0x38;
	[tilespmem:$0x6990] =	vst v63  }
0x48: {  	_ =	swait.ge [sflag:s12], $0x400  }
0x49: {  	[sflag:s12] =	ssyncset.done $0x0  }
0x4a: {  	[sflag:s12] =	ssyncadd.s32 $0xFFFFFC00  }
0x4b: {  	_ =	swait.ge [sflag:s13], $0x3E80  }
0x4c: {  	[sflag:s13] =	ssyncset.done $0x0  }
0x4d: {  	[sflag:s13] =	ssyncadd.s32 $0xFFFFC180  }
0x4e: {  	[spmem:s3] =	stream.indirect.scatter.add.f32 [tilespmem:s11], [sflag:$0x3], $0x10, s4, s14, $0xb8;
	[tilespmem:$0x6990] =	vst v63  }
0x4f: {  	_ =	swait.ge [sflag:s15], $0x7D0  }
0x50: {  	[sflag:s15] =	ssyncset.done $0x0  }
0x51: {  	[sflag:s15] =	ssyncadd.s32 $0xFFFFF830  }
0x52: {  	[spmem:s3] =	stream.indirect.scatter.add.f32 [tilespmem:s17], [sflag:$0x3], $0x10, s16, s14, $0xb8;
	[tilespmem:$0x6990] =	vst v63  }
0x53: {  	_ =	swait.ge [sflag:s15], $0x7D0  }
0x54: {  	[sflag:s15] =	ssyncset.done $0x0  }
0x55: {  	[sflag:s15] =	ssyncadd.s32 $0xFFFFF830  }
0x56: {  	[spmem:s3] =	stream.indirect.scatter.add.f32 [tilespmem:s19], [sflag:$0x3], $0x10, s18, s14, $0xb8;
	[tilespmem:$0x6990] =	vst v63  }
0x57: {  	_ =	swait.ge [sflag:s15], $0x7D0  }
0x58: {  	[sflag:s15] =	ssyncset.done $0x0  }
0x59: {  	[sflag:s15] =	ssyncadd.s32 $0xFFFFF830  }
0x5a: {  	[spmem:s3] =	stream.indirect.scatter.add.f32 [tilespmem:s21], [sflag:$0x3], $0x10, s20, s14, $0xb8;
	[tilespmem:$0x6990] =	vst v63  }
0x5b: {  	_ =	swait.ge [sflag:s15], $0x7D0  }
0x5c: {  	[sflag:s15] =	ssyncset.done $0x0  }
0x5d: {  	[sflag:s15] =	ssyncadd.s32 $0xFFFFF830  }
0x5e: {  	[spmem:s3] =	stream.indirect.scatter.add.f32 [tilespmem:s23], [sflag:$0x3], $0x10, s22, s14, $0xb8;
	[tilespmem:$0x6990] =	vst v63  }
0x5f: {  	_ =	swait.ge [sflag:s15], $0x7D0  }
0x60: {  	[sflag:s15] =	ssyncset.done $0x0  }
0x61: {  	[sflag:s15] =	ssyncadd.s32 $0xFFFFF830  }
0x62: {  	[spmem:s3] =	stream.indirect.scatter.add.f32 [tilespmem:s25], [sflag:$0x3], $0x10, s24, s14, $0xb8;
	[tilespmem:$0x6990] =	vst v63  }
0x63: {  	_ =	swait.ge [sflag:s15], $0x7D0  }
0x64: {  	[sflag:s15] =	ssyncset.done $0x0  }
0x65: {  	[sflag:s15] =	ssyncadd.s32 $0xFFFFF830  }
0x66: {  	[spmem:s3] =	stream.indirect.scatter.add.f32 [tilespmem:s28], [sflag:$0x3], $0x10, s26, s14, $0xb8;
	[tilespmem:$0x6990] =	vst v63  }
0x67: {  	_ =	swait.ge [sflag:s15], $0x7D0  }
.Ltmp0:
0x68: {  	[sflag:s15] =	ssyncset.done $0x0;
	(pc) =	sbr.rel @p3 .LBB2_2-.Ltmp0, $4  }
0x69: {  	[sflag:s15] =	ssyncadd.s32 $0xFFFFF830  }
0x6a: {  	[spmem:s3] =	stream.indirect.scatter.add.f32 [tilespmem:s30], [sflag:$0x3], $0x10, s29, s14, $0xb8;
	[tilespmem:$0x6990] =	vst v63  }
0x6b: {  	_ =	swait.ge [sflag:s15], $0x7D0  }
0x6c: {  	s0 =	smov.u32 s5;
	s1 =	sadd.s32 $0x7D0, s1;
	[sflag:s15] =	ssyncset.done $0x0  }
0x6d: {  	s0 =	sadd.s32 s2, s8;
	[sflag:s15] =	ssyncadd.s32 $0xFFFFF830  }
0x6e: {  	[tilespmem:s4], [sflag:$0x1] =	stream.linear.gather [hbm4b:s0+s4], $0x400, $0x38;
	[tilespmem:$0x6990] =	vst v63  }
0x6f: {  	_ = 	snop  }
0x70: {  	[tilespmem:s11], [sflag:$0x2] =	stream.linear.gather [hbm4b:s1+s4], $0x3E80, $0x38;
	[tilespmem:$0x6990] =	vst v63  }
0x71: {  	_ =	swait.ge [sflag:s12], $0x400  }
0x72: {  	[sflag:s12] =	ssyncset.done $0x0  }
0x73: {  	[sflag:s12] =	ssyncadd.s32 $0xFFFFFC00  }
0x74: {  	_ =	swait.ge [sflag:s13], $0x3E80  }
0x75: {  	[sflag:s13] =	ssyncset.done $0x0  }
0x76: {  	[sflag:s13] =	ssyncadd.s32 $0xFFFFC180  }
0x77: {  	[spmem:s3] =	stream.indirect.scatter.add.f32 [tilespmem:s11], [sflag:$0x3], $0x10, s4, s14, $0xb8;
	[tilespmem:$0x6990] =	vst v63  }
0x78: {  	_ =	swait.ge [sflag:s15], $0x7D0  }
0x79: {  	[sflag:s15] =	ssyncset.done $0x0  }
0x7a: {  	[sflag:s15] =	ssyncadd.s32 $0xFFFFF830  }
0x7b: {  	[spmem:s3] =	stream.indirect.scatter.add.f32 [tilespmem:s17], [sflag:$0x3], $0x10, s16, s14, $0xb8;
	[tilespmem:$0x6990] =	vst v63  }
0x7c: {  	_ =	swait.ge [sflag:s15], $0x7D0  }
0x7d: {  	[sflag:s15] =	ssyncset.done $0x0  }
0x7e: {  	[sflag:s15] =	ssyncadd.s32 $0xFFFFF830  }
0x7f: {  	[spmem:s3] =	stream.indirect.scatter.add.f32 [tilespmem:s19], [sflag:$0x3], $0x10, s18, s14, $0xb8;
	[tilespmem:$0x6990] =	vst v63  }
0x80: {  	_ =	swait.ge [sflag:s15], $0x7D0  }
0x81: {  	[sflag:s15] =	ssyncset.done $0x0  }
0x82: {  	[sflag:s15] =	ssyncadd.s32 $0xFFFFF830  }
0x83: {  	[spmem:s3] =	stream.indirect.scatter.add.f32 [tilespmem:s21], [sflag:$0x3], $0x10, s20, s14, $0xb8;
	[tilespmem:$0x6990] =	vst v63  }
0x84: {  	_ =	swait.ge [sflag:s15], $0x7D0  }
0x85: {  	[sflag:s15] =	ssyncset.done $0x0  }
0x86: {  	[sflag:s15] =	ssyncadd.s32 $0xFFFFF830  }
0x87: {  	[spmem:s3] =	stream.indirect.scatter.add.f32 [tilespmem:s23], [sflag:$0x3], $0x10, s22, s14, $0xb8;
	[tilespmem:$0x6990] =	vst v63  }
0x88: {  	_ =	swait.ge [sflag:s15], $0x7D0  }
0x89: {  	[sflag:s15] =	ssyncset.done $0x0  }
0x8a: {  	[sflag:s15] =	ssyncadd.s32 $0xFFFFF830  }
0x8b: {  	[spmem:s3] =	stream.indirect.scatter.add.f32 [tilespmem:s25], [sflag:$0x3], $0x10, s24, s14, $0xb8;
	[tilespmem:$0x6990] =	vst v63  }
0x8c: {  	_ =	swait.ge [sflag:s15], $0x7D0  }
0x8d: {  	[sflag:s15] =	ssyncset.done $0x0  }
0x8e: {  	[sflag:s15] =	ssyncadd.s32 $0xFFFFF830  }
0x8f: {  	[spmem:s3] =	stream.indirect.scatter.add.f32 [tilespmem:s28], [sflag:$0x3], $0x10, s26, s14, $0xb8;
	[tilespmem:$0x6990] =	vst v63  }
0x90: {  	_ =	swait.ge [sflag:s15], $0x7D0  }
0x91: {  	[sflag:s15] =	ssyncset.done $0x0  }
0x92: {  	[sflag:s15] =	ssyncadd.s32 $0xFFFFF830  }
0x93: {  	[spmem:s3] =	stream.indirect.scatter.add.f32 [tilespmem:s30], [sflag:$0x3], $0x10, s29, s14, $0xb8;
	[tilespmem:$0x6990] =	vst v63  }
0x94: {  	_ =	swait.ge [sflag:s15], $0x7D0  }
0x95: {  	[sflag:s15] =	ssyncset.done $0x0  }
0x96: {  	s0 =	stileid.u32;
	[sflag:s15] =	ssyncadd.s32 $0xFFFFF830  }
0x97: {  	s0 =	sshll.u32 @!p2 s0, $0x6;
	[bflag:$0x0] =	sbarrier.arrive $0xFFFF  }
0x98: {  	s0 =	sor.u32 @!p2 $0x1C03, s0;
	s1 =	sshrl.u32 @!p2 s3, $0x3;
	s2 =	rddreg [dreg:$0x4]  }
0x99: {  	[hbm:s2], [sflag:s0] =	dma.local @!p2 [spmem:s1], $0x4E20  }
0x9a: {  	s0 =	simm.s32 @!p2 $0x3  }
0x9b: {  	s31 =	sadd.s32 $0x1, s31;
	_ =	swait.ge @!p2 [sflag:s0], $0x4E20  }
0x9c: {  	p3 =	sne.s32 s31, s7;
	s1 =	simm.s32 @p1 $0x1C03;
	[sflag:s0] =	ssyncset.done @!p2 $0x0  }
0x9d: {  	s2 =	rddreg [dreg:$0x5];
	[sflag:s0] =	ssyncadd.s32 @!p2 $0xFFFFB1E0;
	s0 =	sshrl.u32 @p1 s3, $0x3  }
0x9e: {  	[hbm:s2], [sflag:s1] =	dma.local @p1 [spmem:s0], $0x4E20  }
.Ltmp1:
0x9f: {  	_ = 	snop;
	(pc) =	sbr.rel @p3 .LBB2_1-.Ltmp1, $4  }
0xa0: {  	s0 =	simm.s32 @p1 $0x3  }
0xa1: {  	_ =	swait.ge @p1 [sflag:s0], $0x4E20  }
0xa2: {  	[sflag:s0] =	ssyncset.done @p1 $0x0  }
0xa3: {  	[sflag:s0] =	ssyncadd.s32 @p1 $0xFFFFB1E0  }
0xa4: {  	_ =	sfence.sel $0x180000  }
0xa5: {  	[bflag:$0x0] =	sbarrier.arrive $0xFFFF  }
0xa6: {  	_ =	strace $0x9000004A  }
0xa7: {  	[bflag:$0x2] =	sbarrier.arrive $0xFFFF  }
0xa8: {  	s0 =	rddreg [dreg:$0x3]  }
0xa9: {  	s0 =	sadd.s32 @!p0 $0x100000, s0  }
0xaa: {  	[sflag:s0] =	ssyncadd.tile.s32 @!p0 $0x1;
	_ =	shalt  }
.Lfunc_end2:
_tile_overlayer_lowered:
.L_overlay_start_2:
0xab: {  	(tag) =	ssettag $0x2  }
0xac: {  	s0 =	rddreg [dreg:$0x0];
	s2 =	stileid.u32  }
0xad: {  	s1 =	rddreg [dreg:$0x1];
	p0 =	sne.s32 s2, $0x0  }
0xae: {  	s3 =	rddreg [dreg:$0x2];
	[bflag:$0x3] =	sbarrier.arrive $0xFFFF;
	s2 =	simm.s32 @!p0 $0x1C03  }
0xaf: {  	[timem:s3], [sflag:s2] =	dma.local @!p0 [hbm:s0], s1  }
0xb0: {  	s0 =	simm.s32 @!p0 $0x3  }
0xb1: {  	_ =	swait.ge @!p0 [sflag:s0], s1  }
0xb2: {  	s1 =	ssub.s32 @!p0 $0x0, s1;
	[sflag:s0] =	ssyncset.done @!p0 $0x0  }
0xb3: {  	[sflag:s0] =	ssyncadd.s32 @!p0 s1  }
0xb4: {  	[bflag:$0x3] =	sbarrier.arrive $0xFFFF  }
0xb5: {  	_ =	shalt  }

// kernel: kernel.15.cloned.1.call-start
scs
__scs_entry_jumppad:
0x0: {  	(pc) =	sbr.rel $0x88, $3  }
0x1: {  	(tag) =	ssettag $0x0;
	lr =	simm.s32 $0x1  }
0x2: {  	[smem:$0x3F95] =	sst lr;
	_ =	strace $0xD0000000  }
0x3: {  	_ = 	snop  }
0x4: {  	_ = 	snop  }
0x5: {  	_ = 	snop  }
0x6: {  	_ = 	snop  }
0x7: {  	_ = 	snop  }
__scs_overlays_trampoline_lowered:
0x8: {  	[smem:$0x3FA4] =	sst s0  }
0x9: {  	[smem:$0x3FA5] =	sst s1  }
0xa: {  	[smem:$0x3FA6] =	sst s2  }
0xb: {  	[smem:$0x3FA7] =	sst s3  }
0xc: {  	[smem:$0x3FA8] =	sst s4  }
0xd: {  	[smem:$0x3FA9] =	sst s5  }
0xe: {  	[smem:$0x3FAA] =	sst s6  }
0xf: {  	[smem:$0x3FAB] =	sst s7  }
0x10: {  	[smem:$0x3FAC] =	sst s8  }
0x11: {  	[smem:$0x3FAD] =	sst s9;
	s0 =	simm.s32 @!p0 $0x0  }
0x12: {  	s1 =	sld [smem:$0x3F93];
	s0 =	simm.s32 @p0 $0x1  }
0x13: {  	[smem:$0x3FAE] =	sst s0;
	s0 =	simm.s32 @!p1 $0x0  }
0x14: {  	s2 =	sld [smem:$0x3F92];
	s0 =	simm.s32 @p1 $0x1  }
0x15: {  	[smem:$0x3FAF] =	sst s0;
	s0 =	simm.s32 @!p2 $0x0  }
0x16: {  	s3 =	sld [smem:$0x3FDB];
	s0 =	simm.s32 @p2 $0x1  }
0x17: {  	s4 =	simm.s32 $0x1BF5;
	[smem:$0x3FB1] =	sst s0  }
0x18: {  	s0 =	sld [smem:$0x3F94];
	_ =	swait.ge [sflag:s4], $0x0  }
0x19: {  	s7 =	sld [smem:$0x3F95]  }
0x1a: {  	s8 =	sadd.s32 $0xFFFFE003, lr  }
0x1b: {  	s9 =	sadd.s32 $0xFFFFFEF7, lr;
	s5 =	simm.s32 $0xFFFFFFFF;
	p2 =	slt.u32 s8, $0xFFFFF086  }
0x1c: {  	p1 =	slt.u32 s9, $0xF7A;
	s5 =	simm.s32 @!p2 $0x0  }
0x1d: {  	s5 =	simm.s32 @p1 $0x1;
	p0 =	seq.s32 s7, s2  }
0x1e: {  	s7 =	smul.u32 @!p0 $0xF7A, s2;
	p2 =	seq.s32 @!p0 s5, $0x0  }
0x1f: {  	s9 =	smul.u32 $0xF7A, s1;
	s8 =	simm.s32 @!p0 $0x1BF5;
	p2 =	por !p2, p0  }
0x20: {  	[sflag:s8] =	ssyncset.s32 @!p0 $0xFFFFF086;
	s6 =	sadd.s32 @!p0 s3, s7;
	s7 =	simm.s32 @!p0 $0x108  }
0x21: {  	s3 =	sadd.s32 s3, s9;
	s6 =	sadd.s32 @!p0 $0x88, s6;
	s7 =	simm.s32 @p2 $0x1082  }
0x22: {  	[simem:s7], [sflag:s8] =	dma.local @!p0 [hbm:s6], $0xF7A  }
0x23: {  	s9 =	sor.u32 $0xD0000000, s2;
	s6 =	simm.s32 $0x108;
	_ =	swait.ge @!p0 [sflag:s8], $0x0  }
0x24: {  	s3 =	sadd.s32 $0x88, s3;
	s6 =	simm.s32 @!p1 $0x1082;
	[sflag:s4] =	ssyncset.s32 $0xFFFFF086  }
0x25: {  	[simem:s6], [sflag:s4] =	dma.local [hbm:s3], $0xF7A  }
0x26: {  	[smem:$0x3F95] =	sst s1;
	(tag) =	ssettag s2;
	_ =	strace s9  }
0x27: {  	s1 =	sld [smem:$0x3FA5]  }
0x28: {  	s2 =	sld [smem:$0x3FA6]  }
0x29: {  	s4 =	sld [smem:$0x3FA8]  }
0x2a: {  	p0 =	seq.s32 s5, $0x0;
	s5 =	sld [smem:$0x3FA9]  }
0x2b: {  	s6 =	sld [smem:$0x3FAA]  }
0x2c: {  	s7 =	sld [smem:$0x3FAB]  }
0x2d: {  	s3 =	simm.s32 $0x108;
	s8 =	sld [smem:$0x3FAC]  }
0x2e: {  	s3 =	simm.s32 @!p0 $0x1082;
	s9 =	sld [smem:$0x3FAD]  }
0x2f: {  	lr =	sadd.s32 s0, s3;
	s0 =	sld [smem:$0x3FA4]  }
0x30: {  	s3 =	sld [smem:$0x3FA7]  }
0x31: {  	[smem:$0x3FB0] =	sst s10  }
0x32: {  	s10 =	sld [smem:$0x3FAE];
	_ =	sdelay $0x3  }
0x33: {  	p0 =	seq.s32 s10, $0x1;
	s10 =	sld [smem:$0x3FB0];
	_ =	sdelay $0x3  }
0x34: {  	[smem:$0x3FB0] =	sst s10  }
0x35: {  	s10 =	sld [smem:$0x3FAF];
	_ =	sdelay $0x3  }
0x36: {  	p1 =	seq.s32 s10, $0x1;
	s10 =	sld [smem:$0x3FB0];
	_ =	sdelay $0x3  }
0x37: {  	[smem:$0x3FB0] =	sst s10  }
0x38: {  	s10 =	sld [smem:$0x3FB1]  }
0x39: {  	_ = 	snop;
	(pc) =	sbr.ind lr, $3  }
0x3a: {  	_ = 	snop  }
0x3b: {  	_ = 	snop  }
0x3c: {  	p2 =	seq.s32 s10, $0x1;
	s10 =	sld [smem:$0x3FB0]  }
0x3d: {  	_ =	shalt  }
0x3e: {  	_ =	shalt  }
0x3f: {  	_ =	shalt  }
0x40: {  	_ =	shalt  }
0x41: {  	_ =	shalt  }
0x42: {  	_ =	shalt  }
0x43: {  	_ =	shalt  }
0x44: {  	_ =	shalt  }
0x45: {  	_ =	shalt  }
0x46: {  	_ =	shalt  }
0x47: {  	_ =	shalt  }
0x48: {  	_ =	shalt  }
0x49: {  	_ =	shalt  }
0x4a: {  	_ =	shalt  }
0x4b: {  	_ =	shalt  }
0x4c: {  	_ =	shalt  }
0x4d: {  	_ =	shalt  }
0x4e: {  	_ =	shalt  }
0x4f: {  	_ =	shalt  }
0x50: {  	_ =	shalt  }
0x51: {  	_ =	shalt  }
0x52: {  	_ =	shalt  }
0x53: {  	_ =	shalt  }
0x54: {  	_ =	shalt  }
0x55: {  	_ =	shalt  }
0x56: {  	_ =	shalt  }
0x57: {  	_ =	shalt  }
0x58: {  	_ =	shalt  }
0x59: {  	_ =	shalt  }
0x5a: {  	_ =	shalt  }
0x5b: {  	_ =	shalt  }
0x5c: {  	_ =	shalt  }
0x5d: {  	_ =	shalt  }
0x5e: {  	_ =	shalt  }
0x5f: {  	_ =	shalt  }
0x60: {  	_ =	shalt  }
0x61: {  	_ =	shalt  }
0x62: {  	_ =	shalt  }
0x63: {  	_ =	shalt  }
0x64: {  	_ =	shalt  }
0x65: {  	_ =	shalt  }
0x66: {  	_ =	shalt  }
0x67: {  	_ =	shalt  }
0x68: {  	_ =	shalt  }
0x69: {  	_ =	shalt  }
0x6a: {  	_ =	shalt  }
0x6b: {  	_ =	shalt  }
0x6c: {  	_ =	shalt  }
0x6d: {  	_ =	shalt  }
0x6e: {  	_ =	shalt  }
0x6f: {  	_ =	shalt  }
0x70: {  	_ =	shalt  }
0x71: {  	_ =	shalt  }
0x72: {  	_ =	shalt  }
0x73: {  	_ =	shalt  }
0x74: {  	_ =	shalt  }
0x75: {  	_ =	shalt  }
0x76: {  	_ =	shalt  }
0x77: {  	_ =	shalt  }
0x78: {  	_ =	shalt  }
0x79: {  	_ =	shalt  }
0x7a: {  	_ =	shalt  }
0x7b: {  	_ =	shalt  }
0x7c: {  	_ =	shalt  }
0x7d: {  	_ =	shalt  }
0x7e: {  	_ =	shalt  }
0x7f: {  	_ =	shalt  }
0x80: {  	_ =	shalt  }
0x81: {  	_ =	shalt  }
0x82: {  	_ =	shalt  }
0x83: {  	_ =	shalt  }
0x84: {  	_ =	shalt  }
0x85: {  	_ =	shalt  }
0x86: {  	_ =	shalt  }
0x87: {  	_ =	shalt  }
.Lfunc_end0:
.L_simem_size_0:
called_computation.2_lowered:
.L_overlay_start_0:
0x88: {  	s2 =	sld [smem:$0x3FD9]  }
0x89: {  	s3 =	sld [smem:$0x3FFE];
	_ =	sdelay $0x1  }
0x8a: {  	s1 =	srdreg.scid  }
0x8b: {  	s0 =	sand.u32 $0x1, s1  }
0x8c: {  	s16 =	sshll.u32 s0, $0xA;
	s2 =	sadd.s32 s3, s2  }
0x8d: {  	s2 =	sadd.s32 s2, s16  }
0x8e: {  	[smem:$0x3FBC] =	sst s2  }
0x8f: {  	_ = 	snop  }
0x90: {  	(tm) =	ssettm $0x1  }
0x91: {  	s17 =	sld [smem:$0x3FFB];
	_ =	sdelay $0x3  }
0x92: {  	_ =	strace s17  }
0x93: {  	s2 =	sld [smem:$0x3FFC];
	_ =	sdelay $0x3  }
0x94: {  	_ =	strace s2  }
0x95: {  	s2 =	sld [smem:$0x3FFD];
	_ =	sdelay $0x3  }
0x96: {  	_ =	strace s2  }
0x97: {  	_ =	strace $0x8FFFFFFF  }
0x98: {  	s18 =	sld [smem:$0x3FDB];
	_ =	sdelay $0x1  }
0x99: {  	s19 =	simm.s32 $_scs_section_size  }
0x9a: {  	s4 =	simm.s32 $_size__tile_overlayer_lowered;
	s5 =	simm.s32 $_tile_overlayer_lowered  }
0x9b: {  	s22 =	simm.s32 $0x1BFF;
	s21 =	sshll.u32 s5, $0x1;
	s2 =	sadd.s32 s19, s18  }
0x9c: {  	s6 =	simm.s32 $0x0;
	s20 =	sshll.u32 s4, $0x1;
	s4 =	sadd.s32 s21, s2  }
0x9d: {  	[timem:s6], [sflag:s22] =	dma.local [hbm:s4], s20  }
0x9e: {  	_ =	swait.ge [sflag:s22], s20  }
0x9f: {  	s3 =	ssub.s32 $0x0, s20;
	[sflag:s22] =	ssyncset.done $0x0  }
0xa0: {  	[sflag:s22] =	ssyncadd.s32 s3;
	_ =	sdelay $0x1  }
0xa1: {  	s23 =	simm.s32 $0x1B8B  }
0xa2: {  	_ =	swait.ge [sflag:s23], $0x1  }
0xa3: {  	[sflag:s23] =	ssyncset.done $0x0  }
0xa4: {  	s25 =	simm.s32 $0x1B8E;
	s24 =	sld [smem:$0x3FFE];
	[sflag:s23] =	ssyncadd.s32 $0xFFFFFFFF  }
0xa5: {  	s26 =	simm.s32 $execute0_lowered;
	[smem:$0x3FD2] =	sst s25  }
0xa6: {  	s4 =	sshll.u32 s26, $0x1;
	_ =	strace $0x8000004C;
	[dreg:$0x1] =	wrdreg $0xFFFFFFFF  }
0xa7: {  	s28 =	simm.s32 $_size_execute0_lowered;
	s2 =	sadd.s32 s2, s4;
	[dreg:$0x0] =	wrdreg $0x0  }
0xa8: {  	s4 =	sshll.u32 s28, $0x1;
	[dreg:$0x2] =	wrdreg s2  }
0xa9: {  	[dreg:$0x3] =	wrdreg s4  }
0xaa: {  	[dreg:$0x4] =	wrdreg $0xC0  }
0xab: {  	_ =	task [dreg:s6], $0x5FFFF  }
0xac: {  	[dreg:$0x1] =	wrdreg $0xFFFFFFFF  }
0xad: {  	[dreg:$0x0] =	wrdreg $0x60  }
0xae: {  	[dreg:$0x2] =	wrdreg s24  }
0xaf: {  	[dreg:$0x3] =	wrdreg $0x81000  }
0xb0: {  	[dreg:$0x4] =	wrdreg $0xA8100  }
0xb1: {  	[dreg:$0x5] =	wrdreg $0x9  }
0xb2: {  	_ =	task.clear_ibuf [dreg:s6], $0x6FFFF;
	_ =	strace $0x9000004C  }
0xb3: {  	s29 =	simm.s32 $0x9;
	_ =	strace $0x8000004E  }
0xb4: {  	_ =	swait.ge [sflag:s29], $0x1  }
0xb5: {  	[sflag:s29] =	ssyncadd.s32 $0xFFFFFFFF  }
0xb6: {  	_ =	strace $0x9000004E  }
0xb7: {  	_ =	sfence  }
0xb8: {  	s30 =	sld [smem:$0x0];
	_ =	sdelay $0x2  }
0xb9: {  	s31 =	sshll.u32 s1, $0xD;
	s1 =	sshrl.u32 s1, $0x2  }
0xba: {  	s3 =	sand.u32 $0x4000, s31;
	s1 =	sadd.s32 s1, s30  }
0xbb: {  	s0 =	sor.u32 s3, s0;
	s1 =	sshll.u32 s1, $0x11  }
0xbc: {  	s0 =	sor.u32 s1, s0  }
0xbd: {  	s0 =	sadd.s32 $0x8F2B, s0  }
0xbe: {  	[sflag:s0] =	ssyncadd.remote.s32 $0x1  }
0xbf: {  	_ =	sfence.sel $0xFFFF  }
0xc0: {  	[dreg:$0x0] =	wrdreg $0xFFFFFFFF;
	(pc) =	sbr.abs _section_cstart, $3  }
0xc1: {  	[dreg:$0x1] =	wrdreg $0xFFFFFFFF  }
0xc2: {  	_ =	task.clear_ibuf [dreg:s6], $0x2FFFF;
	_ =	strace $0x9FFFFFFF  }
0xc3: {  	(tm) =	ssettm $0x7FFFFFFF  }
tec
execute0_lowered:
.L_overlay_start_1:
0x0: {  	(tag) =	ssettag $0x1  }
0x1: {  	s1 =	rddreg [dreg:$0x0]  }
0x2: {  	s0 =	rddreg [dreg:$0x1];
	s3 =	srdreg.scid  }
0x3: {  	s4 =	stileid.u32;
	s2 =	rddreg [dreg:$0x2]  }
0x4: {  	s11 =	simm.s32 $0x7D;
	s20 =	simm.s32 $0xBD0;
	s12 =	simm.s32 $0x400  }
0x5: {  	s21 =	simm.s32 $0x4A50;
	s13 =	simm.s32 $0x4280;
	s22 =	simm.s32 $0x13A0  }
0x6: {  	s14 =	simm.s32 $0x80;
	s5 =	sand.u32 $0x1, s3;
	s3 =	simm.s32 $0x0  }
0x7: {  	s23 =	simm.s32 $0x5220;
	s9 =	sadd.s32 $0x36400, s1;
	[smem:$0x7FF] =	sst s3  }
0x8: {  	s10 =	sadd.s32 $0x3B400, s1;
	_ =	strace $0x8000004D;
	[dreg:$0xd] =	wrdreg s9  }
0x9: {  	s24 =	simm.s32 $0x1B70;
	s19 =	sshrl.u32 s2, $0x3;
	[dreg:$0xe] =	wrdreg s10  }
0xa: {  	s25 =	simm.s32 $0x59F0;
	s26 =	simm.s32 $0x2340;
	[dreg:$0x11] =	wrdreg s19  }
0xb: {  	s28 =	simm.s32 $0x7930;
	s29 =	simm.s32 $0x1;
	[dreg:$0x6] =	wrdreg s20  }
0xc: {  	s30 =	simm.s32 $0x2;
	s6 =	smul.u32 $0x5000, s4;
	[dreg:$0x7] =	wrdreg s21  }
0xd: {  	s31 =	simm.s32 $0x3;
	s8 =	smul.u32 $0x9C40, s4;
	[dreg:$0x8] =	wrdreg s22  }
0xe: {  	p0 =	seq.s32 s4, $0x1;
	s7 =	smul.u32 $0x2800, s5;
	[dreg:$0x9] =	wrdreg s23  }
0xf: {  	p1 =	sne.s32 s4, $0x0;
	s15 =	smul.u32 $0x4E20, s5;
	[dreg:$0xa] =	wrdreg s24  }
0x10: {  	s5 =	ssub.s32 $0x2, s5;
	s16 =	sadd.s32 s8, s1;
	[dreg:$0xb] =	wrdreg s25  }
0x11: {  	s17 =	sshrl.u32 s5, $0x1;
	s10 =	simm.s32 $0x5;
	[dreg:$0xc] =	wrdreg s26  }
0x12: {  	s19 =	simm.s32 $0x280;
	s20 =	simm.s32 $0x2B10;
	s21 =	simm.s32 $0x6990  }
0x13: {  	s22 =	simm.s32 $0x300;
	s23 =	simm.s32 $0x32E0;
	s24 =	simm.s32 $0x7160  }
0x14: {  	s25 =	simm.s32 $0x380;
	s26 =	simm.s32 $0x3AB0;
	s9 =	simm.s32 $0x0  }
0x15: {  	s6 =	sadd.s32 s7, s6;
	s7 =	sadd.s32 s15, s16;
	s5 =	ssub.s32 s5, s17  }
0x16: {  	s15 =	simm.s32 $0x100;
	s16 =	simm.s32 $0x180;
	s18 =	sadd.s32 $0x40400, s7  }
0x17: {  	s6 =	sshrl.u32 s6, $0x3;
	s5 =	smax.u32 s5, $0x1;
	[dreg:$0x4] =	wrdreg s18  }
0x18: {  	s7 =	sadd.s32 $0xDC800, s7;
	s1 =	sadd.s32 s6, s1;
	[dreg:$0xf] =	wrdreg s5  }
0x19: {  	s17 =	simm.s32 $0x200;
	[dreg:$0x5] =	wrdreg s7;
	s1 =	sadd.s32 $0x2C400, s1  }
0x1a: {  	s18 =	simm.s32 $0x61C0;
	[dreg:$0x10] =	wrdreg s1;
	s1 =	simm.s32 $0x4  }
.LBB2_1:
.Ltmp0:
0x1b: {  	(pc) =	sbr.rel @p0 .LBB2_4-.Ltmp0, $1  }
0x1c: {  	_ =	sdelay $0x3  }
.Ltmp1:
0x1d: {  	(pc) =	sbr.rel @p1 .LBB2_6-.Ltmp1, $1  }
0x1e: {  	_ =	sdelay $0x3  }
.Ltmp2:
0x1f: {  	(pc) =	sbr.rel .LBB2_5-.Ltmp2, $3  }
0x20: {  	_ =	sdelay $0x1  }
0x21: {  	s4 =	sshrl.u32 s0, $0x3;
	s5 =	rddreg [dreg:$0xd];
	s6 =	simm.s32 $0x1C05  }
0x22: {  	[spmem:s4], [sflag:s6] =	dma.local [hbm:s5], $0x4E20  }
.LBB2_4:
0x23: {  	s4 =	rddreg [dreg:$0xe]  }
0x24: {  	s5 =	rddreg [dreg:$0x11];
	s6 =	simm.s32 $0x1C45  }
0x25: {  	[spmem:s5], [sflag:s6] =	dma.local [hbm:s4], $0x4E20  }
.LBB2_5:
0x26: {  	_ =	swait.ge [sflag:s10], $0x4E20  }
0x27: {  	[sflag:s10] =	ssyncset.done $0x0  }
0x28: {  	[sflag:s10] =	ssyncadd.s32 $0xFFFFB1E0  }
.LBB2_6:
0x29: {  	[bflag:$0x0] =	sbarrier.arrive $0xFFFF  }
0x2a: {  	s5 =	rddreg [dreg:$0x10]  }
0x2b: {  	[tilespmem:s3], [sflag:$0x5] =	stream.linear.gather [hbm4b:s5+s3], $0x400, $0x38;
	[tilespmem:$0xCF20] =	vst v63  }
0x2c: {  	_ =	swait.ge [sflag:s10], $0x400  }
0x2d: {  	[sflag:s10] =	ssyncset.done $0x0  }
0x2e: {  	[sflag:s10] =	ssyncadd.s32 $0xFFFFFC00  }
0x2f: {  	[tilespmem:s12], [sflag:$0x1] =	stream.indirect.gather [spmem:s0], $0x10, s3, s11, $0xb8;
	[tilespmem:$0xCF20] =	vst v63  }
0x30: {  	_ = 	snop  }
0x31: {  	[tilespmem:s13], [sflag:$0x2] =	stream.indirect.gather [spmem:s2], $0x10, s3, s11, $0xb8;
	[tilespmem:$0xCF20] =	vst v63  }
0x32: {  	s4 =	rddreg [dreg:$0x6]  }
0x33: {  	[tilespmem:s4], [sflag:$0x1] =	stream.indirect.gather [spmem:s0], $0x10, s14, s11, $0xb8;
	[tilespmem:$0xCF20] =	vst v63  }
0x34: {  	s7 =	rddreg [dreg:$0x7]  }
0x35: {  	[tilespmem:s7], [sflag:$0x2] =	stream.indirect.gather [spmem:s2], $0x10, s14, s11, $0xb8;
	[tilespmem:$0xCF20] =	vst v63  }
0x36: {  	s6 =	rddreg [dreg:$0x8]  }
0x37: {  	[tilespmem:s6], [sflag:$0x1] =	stream.indirect.gather [spmem:s0], $0x10, s15, s11, $0xb8;
	[tilespmem:$0xCF20] =	vst v63  }
0x38: {  	s8 =	rddreg [dreg:$0x9]  }
0x39: {  	[tilespmem:s8], [sflag:$0x2] =	stream.indirect.gather [spmem:s2], $0x10, s15, s11, $0xb8;
	[tilespmem:$0xCF20] =	vst v63  }
0x3a: {  	s6 =	rddreg [dreg:$0xa]  }
0x3b: {  	[tilespmem:s6], [sflag:$0x1] =	stream.indirect.gather [spmem:s0], $0x10, s16, s11, $0xb8;
	[tilespmem:$0xCF20] =	vst v63  }
0x3c: {  	s8 =	rddreg [dreg:$0xb]  }
0x3d: {  	[tilespmem:s8], [sflag:$0x2] =	stream.indirect.gather [spmem:s2], $0x10, s16, s11, $0xb8;
	[tilespmem:$0xCF20] =	vst v63  }
0x3e: {  	s6 =	rddreg [dreg:$0xc]  }
0x3f: {  	[tilespmem:s6], [sflag:$0x1] =	stream.indirect.gather [spmem:s0], $0x10, s17, s11, $0xb8;
	[tilespmem:$0xCF20] =	vst v63  }
0x40: {  	_ = 	snop  }
0x41: {  	[tilespmem:s18], [sflag:$0x2] =	stream.indirect.gather [spmem:s2], $0x10, s17, s11, $0xb8;
	[tilespmem:$0xCF20] =	vst v63  }
0x42: {  	_ = 	snop  }
0x43: {  	[tilespmem:s20], [sflag:$0x1] =	stream.indirect.gather [spmem:s0], $0x10, s19, s11, $0xb8;
	[tilespmem:$0xCF20] =	vst v63  }
0x44: {  	_ = 	snop  }
0x45: {  	[tilespmem:s21], [sflag:$0x2] =	stream.indirect.gather [spmem:s2], $0x10, s19, s11, $0xb8;
	[tilespmem:$0xCF20] =	vst v63  }
0x46: {  	_ = 	snop  }
0x47: {  	[tilespmem:s23], [sflag:$0x1] =	stream.indirect.gather [spmem:s0], $0x10, s22, s11, $0xb8;
	[tilespmem:$0xCF20] =	vst v63  }
0x48: {  	_ = 	snop  }
0x49: {  	[tilespmem:s24], [sflag:$0x2] =	stream.indirect.gather [spmem:s2], $0x10, s22, s11, $0xb8;
	[tilespmem:$0xCF20] =	vst v63  }
0x4a: {  	_ = 	snop  }
0x4b: {  	[tilespmem:s26], [sflag:$0x1] =	stream.indirect.gather [spmem:s0], $0x10, s25, s11, $0xb8;
	[tilespmem:$0xCF20] =	vst v63  }
0x4c: {  	_ = 	snop  }
0x4d: {  	[tilespmem:s28], [sflag:$0x2] =	stream.indirect.gather [spmem:s2], $0x10, s25, s11, $0xb8;
	[tilespmem:$0xCF20] =	vst v63  }
0x4e: {  	_ =	swait.ge [sflag:s29], $0x7D0  }
0x4f: {  	[sflag:s29] =	ssyncset.done $0x0  }
0x50: {  	[sflag:s29] =	ssyncadd.s32 $0xFFFFF830  }
0x51: {  	_ =	swait.ge [sflag:s30], $0x7D0  }
0x52: {  	[sflag:s30] =	ssyncset.done $0x0  }
0x53: {  	[sflag:s30] =	ssyncadd.s32 $0xFFFFF830  }
0x54: {  	_ =	swait.ge [sflag:s29], $0x7D0  }
0x55: {  	[sflag:s29] =	ssyncset.done $0x0  }
0x56: {  	[sflag:s29] =	ssyncadd.s32 $0xFFFFF830  }
0x57: {  	_ =	swait.ge [sflag:s30], $0x7D0  }
0x58: {  	[sflag:s30] =	ssyncset.done $0x0  }
0x59: {  	[sflag:s30] =	ssyncadd.s32 $0xFFFFF830  }
0x5a: {  	_ =	swait.ge [sflag:s29], $0x7D0  }
0x5b: {  	[sflag:s29] =	ssyncset.done $0x0  }
0x5c: {  	[sflag:s29] =	ssyncadd.s32 $0xFFFFF830  }
0x5d: {  	_ =	swait.ge [sflag:s30], $0x7D0  }
0x5e: {  	[sflag:s30] =	ssyncset.done $0x0  }
0x5f: {  	[sflag:s30] =	ssyncadd.s32 $0xFFFFF830  }
0x60: {  	_ =	swait.ge [sflag:s29], $0x7D0  }
0x61: {  	[sflag:s29] =	ssyncset.done $0x0  }
0x62: {  	[sflag:s29] =	ssyncadd.s32 $0xFFFFF830  }
0x63: {  	_ =	swait.ge [sflag:s30], $0x7D0  }
0x64: {  	[sflag:s30] =	ssyncset.done $0x0  }
0x65: {  	[sflag:s30] =	ssyncadd.s32 $0xFFFFF830  }
0x66: {  	_ =	swait.ge [sflag:s29], $0x7D0  }
0x67: {  	[sflag:s29] =	ssyncset.done $0x0  }
0x68: {  	[sflag:s29] =	ssyncadd.s32 $0xFFFFF830  }
0x69: {  	_ =	swait.ge [sflag:s30], $0x7D0  }
0x6a: {  	[sflag:s30] =	ssyncset.done $0x0  }
0x6b: {  	[sflag:s30] =	ssyncadd.s32 $0xFFFFF830  }
0x6c: {  	_ =	swait.ge [sflag:s29], $0x7D0  }
0x6d: {  	[sflag:s29] =	ssyncset.done $0x0  }
0x6e: {  	[sflag:s29] =	ssyncadd.s32 $0xFFFFF830  }
0x6f: {  	_ =	swait.ge [sflag:s30], $0x7D0  }
0x70: {  	[sflag:s30] =	ssyncset.done $0x0  }
0x71: {  	[sflag:s30] =	ssyncadd.s32 $0xFFFFF830  }
0x72: {  	_ =	swait.ge [sflag:s29], $0x7D0  }
0x73: {  	[sflag:s29] =	ssyncset.done $0x0  }
0x74: {  	[sflag:s29] =	ssyncadd.s32 $0xFFFFF830  }
0x75: {  	_ =	swait.ge [sflag:s30], $0x7D0  }
0x76: {  	[sflag:s30] =	ssyncset.done $0x0  }
0x77: {  	[sflag:s30] =	ssyncadd.s32 $0xFFFFF830  }
0x78: {  	_ =	swait.ge [sflag:s29], $0x7D0  }
0x79: {  	[sflag:s29] =	ssyncset.done $0x0  }
0x7a: {  	[sflag:s29] =	ssyncadd.s32 $0xFFFFF830  }
0x7b: {  	_ =	swait.ge [sflag:s30], $0x7D0  }
0x7c: {  	s8 =	rddreg [dreg:$0x5];
	[sflag:s30] =	ssyncset.done $0x0  }
0x7d: {  	s6 =	rddreg [dreg:$0x4];
	[sflag:s30] =	ssyncadd.s32 $0xFFFFF830;
	s4 =	sadd.s32 $0x0, s8  }
0x7e: {  	[hbm4b:s4+s3] =	stream.linear.scatter [tilespmem:s12], [sflag:$0x3], $0x3E80, $0x38;
	[tilespmem:$0xCF20] =	vst v63  }
0x7f: {  	s8 =	sadd.s32 $0x0, s6  }
0x80: {  	[hbm4b:s8+s3] =	stream.linear.scatter [tilespmem:s13], [sflag:$0x4], $0x3E80, $0x38;
	[tilespmem:$0xCF20] =	vst v63  }
0x81: {  	_ =	swait.ge [sflag:s31], $0x3E80  }
0x82: {  	[sflag:s31] =	ssyncset.done $0x0  }
0x83: {  	[sflag:s31] =	ssyncadd.s32 $0xFFFFC180  }
0x84: {  	_ =	swait.ge [sflag:s1], $0x3E80  }
0x85: {  	s7 =	smov.u32 s5;
	s4 =	simm.s32 $0x7D0;
	[sflag:s1] =	ssyncset.done $0x0  }
.LBB2_7:
0x86: {  	[sflag:s1] =	ssyncadd.s32 $0xFFFFC180;
	s7 =	sadd.s32 $0x80, s7  }
0x87: {  	[tilespmem:s3], [sflag:$0x5] =	stream.linear.gather [hbm4b:s7+s3], $0x400, $0x38;
	[tilespmem:$0xCF20] =	vst v63  }
0x88: {  	_ =	swait.ge [sflag:s10], $0x400  }
0x89: {  	[sflag:s10] =	ssyncset.done $0x0  }
0x8a: {  	[sflag:s10] =	ssyncadd.s32 $0xFFFFFC00  }
0x8b: {  	[tilespmem:s12], [sflag:$0x1] =	stream.indirect.gather [spmem:s0], $0x10, s3, s11, $0xb8;
	[tilespmem:$0xCF20] =	vst v63  }
0x8c: {  	_ = 	snop  }
0x8d: {  	[tilespmem:s13], [sflag:$0x2] =	stream.indirect.gather [spmem:s2], $0x10, s3, s11, $0xb8;
	[tilespmem:$0xCF20] =	vst v63  }
0x8e: {  	s6 =	rddreg [dreg:$0x6]  }
0x8f: {  	[tilespmem:s6], [sflag:$0x1] =	stream.indirect.gather [spmem:s0], $0x10, s14, s11, $0xb8;
	[tilespmem:$0xCF20] =	vst v63  }
0x90: {  	s5 =	rddreg [dreg:$0x7]  }
0x91: {  	[tilespmem:s5], [sflag:$0x2] =	stream.indirect.gather [spmem:s2], $0x10, s14, s11, $0xb8;
	[tilespmem:$0xCF20] =	vst v63  }
0x92: {  	s6 =	rddreg [dreg:$0x8]  }
0x93: {  	[tilespmem:s6], [sflag:$0x1] =	stream.indirect.gather [spmem:s0], $0x10, s15, s11, $0xb8;
	[tilespmem:$0xCF20] =	vst v63  }
0x94: {  	s5 =	rddreg [dreg:$0x9]  }
0x95: {  	[tilespmem:s5], [sflag:$0x2] =	stream.indirect.gather [spmem:s2], $0x10, s15, s11, $0xb8;
	[tilespmem:$0xCF20] =	vst v63  }
0x96: {  	s6 =	rddreg [dreg:$0xa]  }
0x97: {  	[tilespmem:s6], [sflag:$0x1] =	stream.indirect.gather [spmem:s0], $0x10, s16, s11, $0xb8;
	[tilespmem:$0xCF20] =	vst v63  }
0x98: {  	s5 =	rddreg [dreg:$0xb]  }
0x99: {  	[tilespmem:s5], [sflag:$0x2] =	stream.indirect.gather [spmem:s2], $0x10, s16, s11, $0xb8;
	[tilespmem:$0xCF20] =	vst v63  }
0x9a: {  	s6 =	rddreg [dreg:$0xc]  }
0x9b: {  	[tilespmem:s6], [sflag:$0x1] =	stream.indirect.gather [spmem:s0], $0x10, s17, s11, $0xb8;
	[tilespmem:$0xCF20] =	vst v63  }
0x9c: {  	_ = 	snop  }
0x9d: {  	[tilespmem:s18], [sflag:$0x2] =	stream.indirect.gather [spmem:s2], $0x10, s17, s11, $0xb8;
	[tilespmem:$0xCF20] =	vst v63  }
0x9e: {  	_ = 	snop  }
0x9f: {  	[tilespmem:s20], [sflag:$0x1] =	stream.indirect.gather [spmem:s0], $0x10, s19, s11, $0xb8;
	[tilespmem:$0xCF20] =	vst v63  }
0xa0: {  	_ = 	snop  }
0xa1: {  	[tilespmem:s21], [sflag:$0x2] =	stream.indirect.gather [spmem:s2], $0x10, s19, s11, $0xb8;
	[tilespmem:$0xCF20] =	vst v63  }
0xa2: {  	_ = 	snop  }
0xa3: {  	[tilespmem:s23], [sflag:$0x1] =	stream.indirect.gather [spmem:s0], $0x10, s22, s11, $0xb8;
	[tilespmem:$0xCF20] =	vst v63  }
0xa4: {  	_ = 	snop  }
0xa5: {  	[tilespmem:s24], [sflag:$0x2] =	stream.indirect.gather [spmem:s2], $0x10, s22, s11, $0xb8;
	[tilespmem:$0xCF20] =	vst v63  }
0xa6: {  	_ = 	snop  }
0xa7: {  	[tilespmem:s26], [sflag:$0x1] =	stream.indirect.gather [spmem:s0], $0x10, s25, s11, $0xb8;
	[tilespmem:$0xCF20] =	vst v63  }
0xa8: {  	_ = 	snop  }
0xa9: {  	[tilespmem:s28], [sflag:$0x2] =	stream.indirect.gather [spmem:s2], $0x10, s25, s11, $0xb8;
	[tilespmem:$0xCF20] =	vst v63  }
0xaa: {  	_ =	swait.ge [sflag:s29], $0x7D0  }
0xab: {  	[sflag:s29] =	ssyncset.done $0x0  }
0xac: {  	[sflag:s29] =	ssyncadd.s32 $0xFFFFF830  }
0xad: {  	_ =	swait.ge [sflag:s30], $0x7D0  }
0xae: {  	[sflag:s30] =	ssyncset.done $0x0  }
0xaf: {  	[sflag:s30] =	ssyncadd.s32 $0xFFFFF830  }
0xb0: {  	_ =	swait.ge [sflag:s29], $0x7D0  }
0xb1: {  	[sflag:s29] =	ssyncset.done $0x0  }
0xb2: {  	[sflag:s29] =	ssyncadd.s32 $0xFFFFF830  }
0xb3: {  	_ =	swait.ge [sflag:s30], $0x7D0  }
0xb4: {  	[sflag:s30] =	ssyncset.done $0x0  }
0xb5: {  	[sflag:s30] =	ssyncadd.s32 $0xFFFFF830  }
0xb6: {  	_ =	swait.ge [sflag:s29], $0x7D0  }
0xb7: {  	[sflag:s29] =	ssyncset.done $0x0  }
0xb8: {  	[sflag:s29] =	ssyncadd.s32 $0xFFFFF830  }
0xb9: {  	_ =	swait.ge [sflag:s30], $0x7D0  }
0xba: {  	[sflag:s30] =	ssyncset.done $0x0  }
0xbb: {  	[sflag:s30] =	ssyncadd.s32 $0xFFFFF830  }
0xbc: {  	_ =	swait.ge [sflag:s29], $0x7D0  }
0xbd: {  	[sflag:s29] =	ssyncset.done $0x0  }
0xbe: {  	[sflag:s29] =	ssyncadd.s32 $0xFFFFF830  }
0xbf: {  	_ =	swait.ge [sflag:s30], $0x7D0  }
0xc0: {  	[sflag:s30] =	ssyncset.done $0x0  }
0xc1: {  	[sflag:s30] =	ssyncadd.s32 $0xFFFFF830  }
0xc2: {  	_ =	swait.ge [sflag:s29], $0x7D0  }
0xc3: {  	[sflag:s29] =	ssyncset.done $0x0  }
0xc4: {  	[sflag:s29] =	ssyncadd.s32 $0xFFFFF830  }
0xc5: {  	_ =	swait.ge [sflag:s30], $0x7D0  }
0xc6: {  	[sflag:s30] =	ssyncset.done $0x0  }
0xc7: {  	[sflag:s30] =	ssyncadd.s32 $0xFFFFF830  }
0xc8: {  	_ =	swait.ge [sflag:s29], $0x7D0  }
0xc9: {  	[sflag:s29] =	ssyncset.done $0x0  }
0xca: {  	[sflag:s29] =	ssyncadd.s32 $0xFFFFF830  }
0xcb: {  	_ =	swait.ge [sflag:s30], $0x7D0  }
0xcc: {  	[sflag:s30] =	ssyncset.done $0x0  }
0xcd: {  	[sflag:s30] =	ssyncadd.s32 $0xFFFFF830  }
0xce: {  	_ =	swait.ge [sflag:s29], $0x7D0  }
0xcf: {  	[sflag:s29] =	ssyncset.done $0x0  }
0xd0: {  	[sflag:s29] =	ssyncadd.s32 $0xFFFFF830  }
0xd1: {  	_ =	swait.ge [sflag:s30], $0x7D0  }
0xd2: {  	[sflag:s30] =	ssyncset.done $0x0  }
0xd3: {  	[sflag:s30] =	ssyncadd.s32 $0xFFFFF830  }
0xd4: {  	_ =	swait.ge [sflag:s29], $0x7D0  }
0xd5: {  	[sflag:s29] =	ssyncset.done $0x0  }
0xd6: {  	[sflag:s29] =	ssyncadd.s32 $0xFFFFF830  }
0xd7: {  	_ =	swait.ge [sflag:s30], $0x7D0  }
0xd8: {  	s8 =	smov.u32 s4;
	s5 =	rddreg [dreg:$0x5];
	[sflag:s30] =	ssyncset.done $0x0  }
0xd9: {  	s6 =	rddreg [dreg:$0x4];
	[sflag:s30] =	ssyncadd.s32 $0xFFFFF830;
	s5 =	sadd.s32 s8, s5  }
0xda: {  	[hbm4b:s5+s3] =	stream.linear.scatter [tilespmem:s12], [sflag:$0x3], $0x3E80, $0x38;
	[tilespmem:$0xCF20] =	vst v63  }
0xdb: {  	p2 =	sne.s32 s4, $0x4650;
	s8 =	sadd.s32 s8, s6  }
0xdc: {  	[hbm4b:s8+s3] =	stream.linear.scatter [tilespmem:s13], [sflag:$0x4], $0x3E80, $0x38;
	[tilespmem:$0xCF20] =	vst v63  }
.Ltmp3:
0xdd: {  	_ =	swait.ge [sflag:s31], $0x3E80;
	(pc) =	sbr.rel @p2 .LBB2_7-.Ltmp3, $4  }
0xde: {  	[sflag:s31] =	ssyncset.done $0x0  }
0xdf: {  	[sflag:s31] =	ssyncadd.s32 $0xFFFFC180  }
0xe0: {  	_ =	swait.ge [sflag:s1], $0x3E80  }
0xe1: {  	s4 =	sadd.s32 $0x7D0, s4;
	[sflag:s1] =	ssyncset.done $0x0  }
0xe2: {  	s9 =	sadd.s32 $0x1, s9;
	s4 =	rddreg [dreg:$0xf]  }
0xe3: {  	p2 =	sne.s32 s9, s4  }
.Ltmp4:
0xe4: {  	_ = 	snop;
	(pc) =	sbr.rel @p2 .LBB2_1-.Ltmp4, $2  }
0xe5: {  	_ =	sdelay $0x2  }
0xe6: {  	[sflag:s1] =	ssyncadd.s32 $0xFFFFC180  }
0xe7: {  	_ =	sfence.sel $0x180000  }
0xe8: {  	[bflag:$0x0] =	sbarrier.arrive $0xFFFF  }
0xe9: {  	_ =	strace $0x9000004D  }
0xea: {  	[bflag:$0x2] =	sbarrier.arrive $0xFFFF  }
0xeb: {  	s0 =	rddreg [dreg:$0x3]  }
0xec: {  	s0 =	sadd.s32 @!p1 $0x100000, s0  }
0xed: {  	[sflag:s0] =	ssyncadd.tile.s32 @!p1 $0x1;
	_ =	shalt  }
.Lfunc_end2:
_tile_overlayer_lowered:
.L_overlay_start_2:
0xee: {  	(tag) =	ssettag $0x2  }
0xef: {  	s0 =	rddreg [dreg:$0x0];
	s2 =	stileid.u32  }
0xf0: {  	s1 =	rddreg [dreg:$0x1];
	p0 =	sne.s32 s2, $0x0  }
0xf1: {  	s3 =	rddreg [dreg:$0x2];
	[bflag:$0x3] =	sbarrier.arrive $0xFFFF;
	s2 =	simm.s32 @!p0 $0x1C05  }
0xf2: {  	[timem:s3], [sflag:s2] =	dma.local @!p0 [hbm:s0], s1  }
0xf3: {  	s0 =	simm.s32 @!p0 $0x5  }
0xf4: {  	_ =	swait.ge @!p0 [sflag:s0], s1  }
0xf5: {  	s1 =	ssub.s32 @!p0 $0x0, s1;
	[sflag:s0] =	ssyncset.done @!p0 $0x0  }
0xf6: {  	[sflag:s0] =	ssyncadd.s32 @!p0 s1  }
0xf7: {  	[bflag:$0x3] =	sbarrier.arrive $0xFFFF  }
0xf8: {  	_ =	shalt  }

// kernel: kernel.18.cloned.1.call-start
scs
__scs_entry_jumppad:
0x0: {  	(pc) =	sbr.rel $0x88, $3  }
0x1: {  	(tag) =	ssettag $0x0;
	lr =	simm.s32 $0x1  }
0x2: {  	[smem:$0x3F95] =	sst lr;
	_ =	strace $0xD0000000  }
0x3: {  	_ = 	snop  }
0x4: {  	_ = 	snop  }
0x5: {  	_ = 	snop  }
0x6: {  	_ = 	snop  }
0x7: {  	_ = 	snop  }
__scs_overlays_trampoline_lowered:
0x8: {  	[smem:$0x3FA4] =	sst s0  }
0x9: {  	[smem:$0x3FA5] =	sst s1  }
0xa: {  	[smem:$0x3FA6] =	sst s2  }
0xb: {  	[smem:$0x3FA7] =	sst s3  }
0xc: {  	[smem:$0x3FA8] =	sst s4  }
0xd: {  	[smem:$0x3FA9] =	sst s5  }
0xe: {  	[smem:$0x3FAA] =	sst s6  }
0xf: {  	[smem:$0x3FAB] =	sst s7  }
0x10: {  	[smem:$0x3FAC] =	sst s8  }
0x11: {  	[smem:$0x3FAD] =	sst s9;
	s0 =	simm.s32 @!p0 $0x0  }
0x12: {  	s1 =	sld [smem:$0x3F93];
	s0 =	simm.s32 @p0 $0x1  }
0x13: {  	[smem:$0x3FAE] =	sst s0;
	s0 =	simm.s32 @!p1 $0x0  }
0x14: {  	s2 =	sld [smem:$0x3F92];
	s0 =	simm.s32 @p1 $0x1  }
0x15: {  	[smem:$0x3FAF] =	sst s0;
	s0 =	simm.s32 @!p2 $0x0  }
0x16: {  	s3 =	sld [smem:$0x3FDB];
	s0 =	simm.s32 @p2 $0x1  }
0x17: {  	s4 =	simm.s32 $0x1BF5;
	[smem:$0x3FB1] =	sst s0  }
0x18: {  	s0 =	sld [smem:$0x3F94];
	_ =	swait.ge [sflag:s4], $0x0  }
0x19: {  	s7 =	sld [smem:$0x3F95]  }
0x1a: {  	s8 =	sadd.s32 $0xFFFFE003, lr  }
0x1b: {  	s9 =	sadd.s32 $0xFFFFFEF7, lr;
	s5 =	simm.s32 $0xFFFFFFFF;
	p2 =	slt.u32 s8, $0xFFFFF086  }
0x1c: {  	p1 =	slt.u32 s9, $0xF7A;
	s5 =	simm.s32 @!p2 $0x0  }
0x1d: {  	s5 =	simm.s32 @p1 $0x1;
	p0 =	seq.s32 s7, s2  }
0x1e: {  	s7 =	smul.u32 @!p0 $0xF7A, s2;
	p2 =	seq.s32 @!p0 s5, $0x0  }
0x1f: {  	s9 =	smul.u32 $0xF7A, s1;
	s8 =	simm.s32 @!p0 $0x1BF5;
	p2 =	por !p2, p0  }
0x20: {  	[sflag:s8] =	ssyncset.s32 @!p0 $0xFFFFF086;
	s6 =	sadd.s32 @!p0 s3, s7;
	s7 =	simm.s32 @!p0 $0x108  }
0x21: {  	s3 =	sadd.s32 s3, s9;
	s6 =	sadd.s32 @!p0 $0x88, s6;
	s7 =	simm.s32 @p2 $0x1082  }
0x22: {  	[simem:s7], [sflag:s8] =	dma.local @!p0 [hbm:s6], $0xF7A  }
0x23: {  	s9 =	sor.u32 $0xD0000000, s2;
	s6 =	simm.s32 $0x108;
	_ =	swait.ge @!p0 [sflag:s8], $0x0  }
0x24: {  	s3 =	sadd.s32 $0x88, s3;
	s6 =	simm.s32 @!p1 $0x1082;
	[sflag:s4] =	ssyncset.s32 $0xFFFFF086  }
0x25: {  	[simem:s6], [sflag:s4] =	dma.local [hbm:s3], $0xF7A  }
0x26: {  	[smem:$0x3F95] =	sst s1;
	(tag) =	ssettag s2;
	_ =	strace s9  }
0x27: {  	s1 =	sld [smem:$0x3FA5]  }
0x28: {  	s2 =	sld [smem:$0x3FA6]  }
0x29: {  	s4 =	sld [smem:$0x3FA8]  }
0x2a: {  	p0 =	seq.s32 s5, $0x0;
	s5 =	sld [smem:$0x3FA9]  }
0x2b: {  	s6 =	sld [smem:$0x3FAA]  }
0x2c: {  	s7 =	sld [smem:$0x3FAB]  }
0x2d: {  	s3 =	simm.s32 $0x108;
	s8 =	sld [smem:$0x3FAC]  }
0x2e: {  	s3 =	simm.s32 @!p0 $0x1082;
	s9 =	sld [smem:$0x3FAD]  }
0x2f: {  	lr =	sadd.s32 s0, s3;
	s0 =	sld [smem:$0x3FA4]  }
0x30: {  	s3 =	sld [smem:$0x3FA7]  }
0x31: {  	[smem:$0x3FB0] =	sst s10  }
0x32: {  	s10 =	sld [smem:$0x3FAE];
	_ =	sdelay $0x3  }
0x33: {  	p0 =	seq.s32 s10, $0x1;
	s10 =	sld [smem:$0x3FB0];
	_ =	sdelay $0x3  }
0x34: {  	[smem:$0x3FB0] =	sst s10  }
0x35: {  	s10 =	sld [smem:$0x3FAF];
	_ =	sdelay $0x3  }
0x36: {  	p1 =	seq.s32 s10, $0x1;
	s10 =	sld [smem:$0x3FB0];
	_ =	sdelay $0x3  }
0x37: {  	[smem:$0x3FB0] =	sst s10  }
0x38: {  	s10 =	sld [smem:$0x3FB1]  }
0x39: {  	_ = 	snop;
	(pc) =	sbr.ind lr, $3  }
0x3a: {  	_ = 	snop  }
0x3b: {  	_ = 	snop  }
0x3c: {  	p2 =	seq.s32 s10, $0x1;
	s10 =	sld [smem:$0x3FB0]  }
0x3d: {  	_ =	shalt  }
0x3e: {  	_ =	shalt  }
0x3f: {  	_ =	shalt  }
0x40: {  	_ =	shalt  }
0x41: {  	_ =	shalt  }
0x42: {  	_ =	shalt  }
0x43: {  	_ =	shalt  }
0x44: {  	_ =	shalt  }
0x45: {  	_ =	shalt  }
0x46: {  	_ =	shalt  }
0x47: {  	_ =	shalt  }
0x48: {  	_ =	shalt  }
0x49: {  	_ =	shalt  }
0x4a: {  	_ =	shalt  }
0x4b: {  	_ =	shalt  }
0x4c: {  	_ =	shalt  }
0x4d: {  	_ =	shalt  }
0x4e: {  	_ =	shalt  }
0x4f: {  	_ =	shalt  }
0x50: {  	_ =	shalt  }
0x51: {  	_ =	shalt  }
0x52: {  	_ =	shalt  }
0x53: {  	_ =	shalt  }
0x54: {  	_ =	shalt  }
0x55: {  	_ =	shalt  }
0x56: {  	_ =	shalt  }
0x57: {  	_ =	shalt  }
0x58: {  	_ =	shalt  }
0x59: {  	_ =	shalt  }
0x5a: {  	_ =	shalt  }
0x5b: {  	_ =	shalt  }
0x5c: {  	_ =	shalt  }
0x5d: {  	_ =	shalt  }
0x5e: {  	_ =	shalt  }
0x5f: {  	_ =	shalt  }
0x60: {  	_ =	shalt  }
0x61: {  	_ =	shalt  }
0x62: {  	_ =	shalt  }
0x63: {  	_ =	shalt  }
0x64: {  	_ =	shalt  }
0x65: {  	_ =	shalt  }
0x66: {  	_ =	shalt  }
0x67: {  	_ =	shalt  }
0x68: {  	_ =	shalt  }
0x69: {  	_ =	shalt  }
0x6a: {  	_ =	shalt  }
0x6b: {  	_ =	shalt  }
0x6c: {  	_ =	shalt  }
0x6d: {  	_ =	shalt  }
0x6e: {  	_ =	shalt  }
0x6f: {  	_ =	shalt  }
0x70: {  	_ =	shalt  }
0x71: {  	_ =	shalt  }
0x72: {  	_ =	shalt  }
0x73: {  	_ =	shalt  }
0x74: {  	_ =	shalt  }
0x75: {  	_ =	shalt  }
0x76: {  	_ =	shalt  }
0x77: {  	_ =	shalt  }
0x78: {  	_ =	shalt  }
0x79: {  	_ =	shalt  }
0x7a: {  	_ =	shalt  }
0x7b: {  	_ =	shalt  }
0x7c: {  	_ =	shalt  }
0x7d: {  	_ =	shalt  }
0x7e: {  	_ =	shalt  }
0x7f: {  	_ =	shalt  }
0x80: {  	_ =	shalt  }
0x81: {  	_ =	shalt  }
0x82: {  	_ =	shalt  }
0x83: {  	_ =	shalt  }
0x84: {  	_ =	shalt  }
0x85: {  	_ =	shalt  }
0x86: {  	_ =	shalt  }
0x87: {  	_ =	shalt  }
.Lfunc_end0:
.L_simem_size_0:
called_computation.3_lowered:
.L_overlay_start_0:
0x88: {  	s2 =	sld [smem:$0x3FD9]  }
0x89: {  	s3 =	sld [smem:$0x3FFE];
	_ =	sdelay $0x1  }
0x8a: {  	s1 =	srdreg.scid  }
0x8b: {  	s0 =	sand.u32 $0x1, s1  }
0x8c: {  	s17 =	sshll.u32 s0, $0xA;
	s2 =	sadd.s32 s3, s2  }
0x8d: {  	s2 =	sadd.s32 s2, s17  }
0x8e: {  	[smem:$0x3FBC] =	sst s2  }
0x8f: {  	_ = 	snop  }
0x90: {  	s2 =	sld [smem:$0x3FD0];
	(tm) =	ssettm $0x1  }
0x91: {  	s18 =	sld [smem:$0x3FFB];
	_ =	sdelay $0x3  }
0x92: {  	_ =	strace s18  }
0x93: {  	s3 =	sld [smem:$0x3FFC];
	_ =	sdelay $0x3  }
0x94: {  	_ =	strace s3  }
0x95: {  	s3 =	sld [smem:$0x3FFD];
	_ =	sdelay $0x3  }
0x96: {  	_ =	strace s3  }
0x97: {  	_ =	strace $0x8FFFFFFF  }
0x98: {  	s19 =	sld [smem:$0x3FDB];
	_ =	sdelay $0x1  }
0x99: {  	s4 =	simm.s32 $_scs_section_size  }
0x9a: {  	s5 =	simm.s32 $_size__tile_overlayer_lowered;
	s6 =	simm.s32 $_tile_overlayer_lowered  }
0x9b: {  	s22 =	simm.s32 $0x1BFF;
	s21 =	sshll.u32 s6, $0x1;
	s3 =	sadd.s32 s4, s19  }
0x9c: {  	s7 =	simm.s32 $0x0;
	s20 =	sshll.u32 s5, $0x1;
	s5 =	sadd.s32 s21, s3  }
0x9d: {  	[timem:s7], [sflag:s22] =	dma.local [hbm:s5], s20  }
0x9e: {  	_ =	swait.ge [sflag:s22], s20  }
0x9f: {  	s4 =	ssub.s32 $0x0, s20;
	[sflag:s22] =	ssyncset.done $0x0  }
0xa0: {  	[sflag:s22] =	ssyncadd.s32 s4;
	_ =	sdelay $0x1  }
0xa1: {  	s23 =	simm.s32 $0x1B8B  }
0xa2: {  	_ =	swait.ge [sflag:s23], $0x1  }
0xa3: {  	[sflag:s23] =	ssyncset.done $0x0  }
0xa4: {  	s25 =	simm.s32 $0x1B8E;
	s24 =	sld [smem:$0x3FFE];
	[sflag:s23] =	ssyncadd.s32 $0xFFFFFFFF  }
0xa5: {  	s26 =	simm.s32 $execute0_lowered;
	[smem:$0x3FD2] =	sst s25  }
0xa6: {  	s5 =	sshll.u32 s26, $0x1;
	_ =	strace $0x8000004F;
	[dreg:$0x1] =	wrdreg $0xFFFFFFFF  }
0xa7: {  	s28 =	simm.s32 $_size_execute0_lowered;
	s3 =	sadd.s32 s3, s5;
	[dreg:$0x0] =	wrdreg $0x0  }
0xa8: {  	s5 =	sshll.u32 s28, $0x1;
	[dreg:$0x2] =	wrdreg s3  }
0xa9: {  	[dreg:$0x3] =	wrdreg s5  }
0xaa: {  	[dreg:$0x4] =	wrdreg $0xC0  }
0xab: {  	_ =	task [dreg:s7], $0x5FFFF  }
0xac: {  	[dreg:$0x1] =	wrdreg $0xFFFFFFFF  }
0xad: {  	[dreg:$0x0] =	wrdreg $0x60  }
0xae: {  	[dreg:$0x2] =	wrdreg s24  }
0xaf: {  	[dreg:$0x3] =	wrdreg s2  }
0xb0: {  	[dreg:$0x4] =	wrdreg $0xFE000  }
0xb1: {  	[dreg:$0x5] =	wrdreg $0x9  }
0xb2: {  	_ =	task.clear_ibuf [dreg:s7], $0x6FFFF;
	_ =	strace $0x9000004F  }
0xb3: {  	s29 =	simm.s32 $0x9;
	_ =	strace $0x80000051  }
0xb4: {  	_ =	swait.ge [sflag:s29], $0x1  }
0xb5: {  	[sflag:s29] =	ssyncadd.s32 $0xFFFFFFFF  }
0xb6: {  	_ =	strace $0x90000051  }
0xb7: {  	_ =	sfence  }
0xb8: {  	s30 =	sld [smem:$0x0];
	_ =	sdelay $0x2  }
0xb9: {  	s31 =	sshll.u32 s1, $0xD;
	s1 =	sshrl.u32 s1, $0x2  }
0xba: {  	s3 =	sand.u32 $0x4000, s31;
	s1 =	sadd.s32 s1, s30  }
0xbb: {  	s0 =	sor.u32 s3, s0;
	s1 =	sshll.u32 s1, $0x11  }
0xbc: {  	s0 =	sor.u32 s1, s0  }
0xbd: {  	s0 =	sadd.s32 $0x8F2B, s0  }
0xbe: {  	[sflag:s0] =	ssyncadd.remote.s32 $0x1  }
0xbf: {  	_ =	sfence.sel $0xFFFF  }
0xc0: {  	[dreg:$0x0] =	wrdreg $0xFFFFFFFF;
	(pc) =	sbr.abs _section_cstart, $3  }
0xc1: {  	[dreg:$0x1] =	wrdreg $0xFFFFFFFF  }
0xc2: {  	_ =	task.clear_ibuf [dreg:s7], $0x2FFFF;
	_ =	strace $0x9FFFFFFF  }
0xc3: {  	(tm) =	ssettm $0x7FFFFFFF  }
tec
execute0_lowered:
.L_overlay_start_1:
0x0: {  	(tag) =	ssettag $0x1  }
0x1: {  	s0 =	rddreg [dreg:$0x0];
	s9 =	stileid.u32  }
0x2: {  	s1 =	srdreg.scid;
	s3 =	rddreg [dreg:$0x2]  }
0x3: {  	s4 =	simm.s32 $0x0;
	s11 =	simm.s32 $0x400;
	s12 =	simm.s32 $0x1  }
0x4: {  	s13 =	simm.s32 $0x2;
	s14 =	simm.s32 $0x7D;
	s15 =	simm.s32 $0x3  }
0x5: {  	s16 =	simm.s32 $0x80;
	s17 =	simm.s32 $0x2340;
	s18 =	simm.s32 $0x100  }
0x6: {  	s19 =	simm.s32 $0x4280;
	s20 =	simm.s32 $0x180;
	s21 =	simm.s32 $0x61C0  }
0x7: {  	s22 =	simm.s32 $0x200;
	s28 =	simm.s32 $0xBF80;
	s29 =	simm.s32 $0x380  }
0x8: {  	s30 =	simm.s32 $0xDEC0;
	s31 =	simm.s32 $0x0;
	s2 =	smul.u32 $0x5000, s9  }
0x9: {  	s1 =	sand.u32 $0x1, s1;
	s6 =	smul.u32 $0x27100, s9;
	[smem:$0x7FF] =	sst s4  }
0xa: {  	s24 =	sadd.s32 $0x2BAE00, s0;
	p0 =	seq.s32 s9, $0x0;
	s5 =	smul.u32 $0x2800, s1  }
0xb: {  	_ =	strace $0x80000050;
	[dreg:$0x4] =	wrdreg s24;
	s25 =	ssub.s32 $0x2, s1  }
0xc: {  	p1 =	seq.s32 s1, $0x1;
	s8 =	smul.u32 $0x13880, s1;
	s1 =	sor.u32 s1, s9  }
0xd: {  	s24 =	simm.s32 $0x280;
	s23 =	sadd.s32 s6, s0;
	s7 =	sshrl.u32 s25, $0x1  }
0xe: {  	p0 =	por !p0, !p1;
	p2 =	sne.s32 s1, $0x0;
	s2 =	sadd.s32 s5, s2  }
0xf: {  	p1 =	por !p0, !p0;
	s26 =	sadd.s32 s8, s23;
	p0 =	sne.s32 s9, $0x0  }
0x10: {  	s23 =	simm.s32 $0x8100;
	s2 =	sshrl.u32 s2, $0x3;
	s9 =	sadd.s32 $0x36400, s26  }
0x11: {  	s10 =	sshrl.u32 @!p0 s3, $0x3;
	s2 =	sadd.s32 s2, s0;
	s0 =	sadd.s32 $0x2A7400, s0  }
0x12: {  	s26 =	simm.s32 $0x300;
	[dreg:$0x5] =	wrdreg s0;
	s0 =	ssub.s32 s25, s7  }
0x13: {  	s8 =	sadd.s32 $0x2C400, s2;
	s25 =	simm.s32 $0xA040;
	s7 =	smax.u32 s0, $0x1  }
.LBB2_1:
0x14: {  	s0 =	simm.s32 @!p0 $0x1C03;
	s1 =	rddreg [dreg:$0x1]  }
0x15: {  	[spmem:s10], [sflag:s0] =	dma.local @!p0 [hbm:s1], $0x13880  }
0x16: {  	s0 =	simm.s32 @!p0 $0x3  }
0x17: {  	_ =	swait.ge @!p0 [sflag:s0], $0x13880  }
0x18: {  	[sflag:s0] =	ssyncset.done @!p0 $0x0  }
0x19: {  	[sflag:s0] =	ssyncadd.s32 @!p0 $0xFFFEC780  }
0x1a: {  	s6 =	sadd.s32 $0x0, s8;
	[bflag:$0x0] =	sbarrier.arrive $0xFFFF  }
0x1b: {  	[tilespmem:s4], [sflag:$0x1] =	stream.linear.gather [hbm4b:s6+s4], $0x400, $0x38;
	[tilespmem:$0x19A40] =	vst v63  }
0x1c: {  	_ = 	snop  }
0x1d: {  	[tilespmem:s11], [sflag:$0x2] =	stream.linear.gather [hbm4b:s9+s4], $0xFA00, $0x38;
	[tilespmem:$0x19A40] =	vst v63  }
0x1e: {  	_ =	swait.ge [sflag:s12], $0x400  }
0x1f: {  	[sflag:s12] =	ssyncset.done $0x0  }
0x20: {  	[sflag:s12] =	ssyncadd.s32 $0xFFFFFC00  }
0x21: {  	_ =	swait.ge [sflag:s13], $0xFA00  }
0x22: {  	[sflag:s13] =	ssyncset.done $0x0  }
0x23: {  	[sflag:s13] =	ssyncadd.s32 $0xFFFF0600  }
0x24: {  	[spmem:s3] =	stream.indirect.scatter.add.f32 [tilespmem:s11], [sflag:$0x3], $0x40, s4, s14, $0xb8;
	[tilespmem:$0x19A40] =	vst v63  }
0x25: {  	_ =	swait.ge [sflag:s15], $0x1F40  }
0x26: {  	[sflag:s15] =	ssyncset.done $0x0  }
0x27: {  	[sflag:s15] =	ssyncadd.s32 $0xFFFFE0C0  }
0x28: {  	[spmem:s3] =	stream.indirect.scatter.add.f32 [tilespmem:s17], [sflag:$0x3], $0x40, s16, s14, $0xb8;
	[tilespmem:$0x19A40] =	vst v63  }
0x29: {  	_ =	swait.ge [sflag:s15], $0x1F40  }
0x2a: {  	[sflag:s15] =	ssyncset.done $0x0  }
0x2b: {  	[sflag:s15] =	ssyncadd.s32 $0xFFFFE0C0  }
0x2c: {  	[spmem:s3] =	stream.indirect.scatter.add.f32 [tilespmem:s19], [sflag:$0x3], $0x40, s18, s14, $0xb8;
	[tilespmem:$0x19A40] =	vst v63  }
0x2d: {  	_ =	swait.ge [sflag:s15], $0x1F40  }
0x2e: {  	[sflag:s15] =	ssyncset.done $0x0  }
0x2f: {  	[sflag:s15] =	ssyncadd.s32 $0xFFFFE0C0  }
0x30: {  	[spmem:s3] =	stream.indirect.scatter.add.f32 [tilespmem:s21], [sflag:$0x3], $0x40, s20, s14, $0xb8;
	[tilespmem:$0x19A40] =	vst v63  }
0x31: {  	_ =	swait.ge [sflag:s15], $0x1F40  }
0x32: {  	[sflag:s15] =	ssyncset.done $0x0  }
0x33: {  	[sflag:s15] =	ssyncadd.s32 $0xFFFFE0C0  }
0x34: {  	[spmem:s3] =	stream.indirect.scatter.add.f32 [tilespmem:s23], [sflag:$0x3], $0x40, s22, s14, $0xb8;
	[tilespmem:$0x19A40] =	vst v63  }
0x35: {  	_ =	swait.ge [sflag:s15], $0x1F40  }
0x36: {  	[sflag:s15] =	ssyncset.done $0x0  }
0x37: {  	[sflag:s15] =	ssyncadd.s32 $0xFFFFE0C0  }
0x38: {  	[spmem:s3] =	stream.indirect.scatter.add.f32 [tilespmem:s25], [sflag:$0x3], $0x40, s24, s14, $0xb8;
	[tilespmem:$0x19A40] =	vst v63  }
0x39: {  	_ =	swait.ge [sflag:s15], $0x1F40  }
0x3a: {  	[sflag:s15] =	ssyncset.done $0x0  }
0x3b: {  	[sflag:s15] =	ssyncadd.s32 $0xFFFFE0C0  }
0x3c: {  	[spmem:s3] =	stream.indirect.scatter.add.f32 [tilespmem:s28], [sflag:$0x3], $0x40, s26, s14, $0xb8;
	[tilespmem:$0x19A40] =	vst v63  }
0x3d: {  	_ =	swait.ge [sflag:s15], $0x1F40  }
0x3e: {  	[sflag:s15] =	ssyncset.done $0x0  }
0x3f: {  	[sflag:s15] =	ssyncadd.s32 $0xFFFFE0C0  }
0x40: {  	[spmem:s3] =	stream.indirect.scatter.add.f32 [tilespmem:s30], [sflag:$0x3], $0x40, s29, s14, $0xb8;
	[tilespmem:$0x19A40] =	vst v63  }
0x41: {  	s2 =	simm.s32 $0x80;
	_ =	swait.ge [sflag:s15], $0x1F40  }
0x42: {  	s1 =	sadd.s32 $0x1F40, s9;
	s0 =	simm.s32 $0x100;
	[sflag:s15] =	ssyncset.done $0x0  }
.LBB2_2:
0x43: {  	s6 =	sadd.s32 s2, s8  }
0x44: {  	[sflag:s15] =	ssyncadd.s32 $0xFFFFE0C0;
	s2 =	smov.u32 s0;
	s5 =	sadd.s32 $0x80, s0  }
0x45: {  	[tilespmem:s4], [sflag:$0x1] =	stream.linear.gather [hbm4b:s6+s4], $0x400, $0x38;
	[tilespmem:$0x19A40] =	vst v63  }
0x46: {  	p3 =	sne.s32 s0, $0x480  }
0x47: {  	[tilespmem:s11], [sflag:$0x2] =	stream.linear.gather [hbm4b:s1+s4], $0xFA00, $0x38;
	[tilespmem:$0x19A40] =	vst v63  }
0x48: {  	_ =	swait.ge [sflag:s12], $0x400  }
0x49: {  	[sflag:s12] =	ssyncset.done $0x0  }
0x4a: {  	[sflag:s12] =	ssyncadd.s32 $0xFFFFFC00  }
0x4b: {  	_ =	swait.ge [sflag:s13], $0xFA00  }
0x4c: {  	[sflag:s13] =	ssyncset.done $0x0  }
0x4d: {  	[sflag:s13] =	ssyncadd.s32 $0xFFFF0600  }
0x4e: {  	[spmem:s3] =	stream.indirect.scatter.add.f32 [tilespmem:s11], [sflag:$0x3], $0x40, s4, s14, $0xb8;
	[tilespmem:$0x19A40] =	vst v63  }
0x4f: {  	_ =	swait.ge [sflag:s15], $0x1F40  }
0x50: {  	[sflag:s15] =	ssyncset.done $0x0  }
0x51: {  	[sflag:s15] =	ssyncadd.s32 $0xFFFFE0C0  }
0x52: {  	[spmem:s3] =	stream.indirect.scatter.add.f32 [tilespmem:s17], [sflag:$0x3], $0x40, s16, s14, $0xb8;
	[tilespmem:$0x19A40] =	vst v63  }
0x53: {  	_ =	swait.ge [sflag:s15], $0x1F40  }
0x54: {  	[sflag:s15] =	ssyncset.done $0x0  }
0x55: {  	[sflag:s15] =	ssyncadd.s32 $0xFFFFE0C0  }
0x56: {  	[spmem:s3] =	stream.indirect.scatter.add.f32 [tilespmem:s19], [sflag:$0x3], $0x40, s18, s14, $0xb8;
	[tilespmem:$0x19A40] =	vst v63  }
0x57: {  	_ =	swait.ge [sflag:s15], $0x1F40  }
0x58: {  	[sflag:s15] =	ssyncset.done $0x0  }
0x59: {  	[sflag:s15] =	ssyncadd.s32 $0xFFFFE0C0  }
0x5a: {  	[spmem:s3] =	stream.indirect.scatter.add.f32 [tilespmem:s21], [sflag:$0x3], $0x40, s20, s14, $0xb8;
	[tilespmem:$0x19A40] =	vst v63  }
0x5b: {  	_ =	swait.ge [sflag:s15], $0x1F40  }
0x5c: {  	[sflag:s15] =	ssyncset.done $0x0  }
0x5d: {  	[sflag:s15] =	ssyncadd.s32 $0xFFFFE0C0  }
0x5e: {  	[spmem:s3] =	stream.indirect.scatter.add.f32 [tilespmem:s23], [sflag:$0x3], $0x40, s22, s14, $0xb8;
	[tilespmem:$0x19A40] =	vst v63  }
0x5f: {  	_ =	swait.ge [sflag:s15], $0x1F40  }
0x60: {  	[sflag:s15] =	ssyncset.done $0x0  }
0x61: {  	[sflag:s15] =	ssyncadd.s32 $0xFFFFE0C0  }
0x62: {  	[spmem:s3] =	stream.indirect.scatter.add.f32 [tilespmem:s25], [sflag:$0x3], $0x40, s24, s14, $0xb8;
	[tilespmem:$0x19A40] =	vst v63  }
0x63: {  	_ =	swait.ge [sflag:s15], $0x1F40  }
0x64: {  	[sflag:s15] =	ssyncset.done $0x0  }
0x65: {  	[sflag:s15] =	ssyncadd.s32 $0xFFFFE0C0  }
0x66: {  	[spmem:s3] =	stream.indirect.scatter.add.f32 [tilespmem:s28], [sflag:$0x3], $0x40, s26, s14, $0xb8;
	[tilespmem:$0x19A40] =	vst v63  }
0x67: {  	_ =	swait.ge [sflag:s15], $0x1F40  }
.Ltmp0:
0x68: {  	[sflag:s15] =	ssyncset.done $0x0;
	(pc) =	sbr.rel @p3 .LBB2_2-.Ltmp0, $4  }
0x69: {  	[sflag:s15] =	ssyncadd.s32 $0xFFFFE0C0  }
0x6a: {  	[spmem:s3] =	stream.indirect.scatter.add.f32 [tilespmem:s30], [sflag:$0x3], $0x40, s29, s14, $0xb8;
	[tilespmem:$0x19A40] =	vst v63  }
0x6b: {  	_ =	swait.ge [sflag:s15], $0x1F40  }
0x6c: {  	s0 =	smov.u32 s5;
	s1 =	sadd.s32 $0x1F40, s1;
	[sflag:s15] =	ssyncset.done $0x0  }
0x6d: {  	s0 =	sadd.s32 s2, s8;
	[sflag:s15] =	ssyncadd.s32 $0xFFFFE0C0  }
0x6e: {  	[tilespmem:s4], [sflag:$0x1] =	stream.linear.gather [hbm4b:s0+s4], $0x400, $0x38;
	[tilespmem:$0x19A40] =	vst v63  }
0x6f: {  	_ = 	snop  }
0x70: {  	[tilespmem:s11], [sflag:$0x2] =	stream.linear.gather [hbm4b:s1+s4], $0xFA00, $0x38;
	[tilespmem:$0x19A40] =	vst v63  }
0x71: {  	_ =	swait.ge [sflag:s12], $0x400  }
0x72: {  	[sflag:s12] =	ssyncset.done $0x0  }
0x73: {  	[sflag:s12] =	ssyncadd.s32 $0xFFFFFC00  }
0x74: {  	_ =	swait.ge [sflag:s13], $0xFA00  }
0x75: {  	[sflag:s13] =	ssyncset.done $0x0  }
0x76: {  	[sflag:s13] =	ssyncadd.s32 $0xFFFF0600  }
0x77: {  	[spmem:s3] =	stream.indirect.scatter.add.f32 [tilespmem:s11], [sflag:$0x3], $0x40, s4, s14, $0xb8;
	[tilespmem:$0x19A40] =	vst v63  }
0x78: {  	_ =	swait.ge [sflag:s15], $0x1F40  }
0x79: {  	[sflag:s15] =	ssyncset.done $0x0  }
0x7a: {  	[sflag:s15] =	ssyncadd.s32 $0xFFFFE0C0  }
0x7b: {  	[spmem:s3] =	stream.indirect.scatter.add.f32 [tilespmem:s17], [sflag:$0x3], $0x40, s16, s14, $0xb8;
	[tilespmem:$0x19A40] =	vst v63  }
0x7c: {  	_ =	swait.ge [sflag:s15], $0x1F40  }
0x7d: {  	[sflag:s15] =	ssyncset.done $0x0  }
0x7e: {  	[sflag:s15] =	ssyncadd.s32 $0xFFFFE0C0  }
0x7f: {  	[spmem:s3] =	stream.indirect.scatter.add.f32 [tilespmem:s19], [sflag:$0x3], $0x40, s18, s14, $0xb8;
	[tilespmem:$0x19A40] =	vst v63  }
0x80: {  	_ =	swait.ge [sflag:s15], $0x1F40  }
0x81: {  	[sflag:s15] =	ssyncset.done $0x0  }
0x82: {  	[sflag:s15] =	ssyncadd.s32 $0xFFFFE0C0  }
0x83: {  	[spmem:s3] =	stream.indirect.scatter.add.f32 [tilespmem:s21], [sflag:$0x3], $0x40, s20, s14, $0xb8;
	[tilespmem:$0x19A40] =	vst v63  }
0x84: {  	_ =	swait.ge [sflag:s15], $0x1F40  }
0x85: {  	[sflag:s15] =	ssyncset.done $0x0  }
0x86: {  	[sflag:s15] =	ssyncadd.s32 $0xFFFFE0C0  }
0x87: {  	[spmem:s3] =	stream.indirect.scatter.add.f32 [tilespmem:s23], [sflag:$0x3], $0x40, s22, s14, $0xb8;
	[tilespmem:$0x19A40] =	vst v63  }
0x88: {  	_ =	swait.ge [sflag:s15], $0x1F40  }
0x89: {  	[sflag:s15] =	ssyncset.done $0x0  }
0x8a: {  	[sflag:s15] =	ssyncadd.s32 $0xFFFFE0C0  }
0x8b: {  	[spmem:s3] =	stream.indirect.scatter.add.f32 [tilespmem:s25], [sflag:$0x3], $0x40, s24, s14, $0xb8;
	[tilespmem:$0x19A40] =	vst v63  }
0x8c: {  	_ =	swait.ge [sflag:s15], $0x1F40  }
0x8d: {  	[sflag:s15] =	ssyncset.done $0x0  }
0x8e: {  	[sflag:s15] =	ssyncadd.s32 $0xFFFFE0C0  }
0x8f: {  	[spmem:s3] =	stream.indirect.scatter.add.f32 [tilespmem:s28], [sflag:$0x3], $0x40, s26, s14, $0xb8;
	[tilespmem:$0x19A40] =	vst v63  }
0x90: {  	_ =	swait.ge [sflag:s15], $0x1F40  }
0x91: {  	[sflag:s15] =	ssyncset.done $0x0  }
0x92: {  	[sflag:s15] =	ssyncadd.s32 $0xFFFFE0C0  }
0x93: {  	[spmem:s3] =	stream.indirect.scatter.add.f32 [tilespmem:s30], [sflag:$0x3], $0x40, s29, s14, $0xb8;
	[tilespmem:$0x19A40] =	vst v63  }
0x94: {  	_ =	swait.ge [sflag:s15], $0x1F40  }
0x95: {  	[sflag:s15] =	ssyncset.done $0x0  }
0x96: {  	s0 =	stileid.u32;
	[sflag:s15] =	ssyncadd.s32 $0xFFFFE0C0  }
0x97: {  	s0 =	sshll.u32 @!p2 s0, $0x6;
	[bflag:$0x0] =	sbarrier.arrive $0xFFFF  }
0x98: {  	s0 =	sor.u32 @!p2 $0x1C03, s0;
	s1 =	sshrl.u32 @!p2 s3, $0x3;
	s2 =	rddreg [dreg:$0x4]  }
0x99: {  	[hbm:s2], [sflag:s0] =	dma.local @!p2 [spmem:s1], $0x13880  }
0x9a: {  	s0 =	simm.s32 @!p2 $0x3  }
0x9b: {  	s31 =	sadd.s32 $0x1, s31;
	_ =	swait.ge @!p2 [sflag:s0], $0x13880  }
0x9c: {  	p3 =	sne.s32 s31, s7;
	s1 =	simm.s32 @p1 $0x1C03;
	[sflag:s0] =	ssyncset.done @!p2 $0x0  }
0x9d: {  	s2 =	rddreg [dreg:$0x5];
	[sflag:s0] =	ssyncadd.s32 @!p2 $0xFFFEC780;
	s0 =	sshrl.u32 @p1 s3, $0x3  }
0x9e: {  	[hbm:s2], [sflag:s1] =	dma.local @p1 [spmem:s0], $0x13880  }
.Ltmp1:
0x9f: {  	_ = 	snop;
	(pc) =	sbr.rel @p3 .LBB2_1-.Ltmp1, $4  }
0xa0: {  	s0 =	simm.s32 @p1 $0x3  }
0xa1: {  	_ =	swait.ge @p1 [sflag:s0], $0x13880  }
0xa2: {  	[sflag:s0] =	ssyncset.done @p1 $0x0  }
0xa3: {  	[sflag:s0] =	ssyncadd.s32 @p1 $0xFFFEC780  }
0xa4: {  	_ =	sfence.sel $0x180000  }
0xa5: {  	[bflag:$0x0] =	sbarrier.arrive $0xFFFF  }
0xa6: {  	_ =	strace $0x90000050  }
0xa7: {  	[bflag:$0x2] =	sbarrier.arrive $0xFFFF  }
0xa8: {  	s0 =	rddreg [dreg:$0x3]  }
0xa9: {  	s0 =	sadd.s32 @!p0 $0x100000, s0  }
0xaa: {  	[sflag:s0] =	ssyncadd.tile.s32 @!p0 $0x1;
	_ =	shalt  }
.Lfunc_end2:
_tile_overlayer_lowered:
.L_overlay_start_2:
0xab: {  	(tag) =	ssettag $0x2  }
0xac: {  	s0 =	rddreg [dreg:$0x0];
	s2 =	stileid.u32  }
0xad: {  	s1 =	rddreg [dreg:$0x1];
	p0 =	sne.s32 s2, $0x0  }
0xae: {  	s3 =	rddreg [dreg:$0x2];
	[bflag:$0x3] =	sbarrier.arrive $0xFFFF;
	s2 =	simm.s32 @!p0 $0x1C03  }
0xaf: {  	[timem:s3], [sflag:s2] =	dma.local @!p0 [hbm:s0], s1  }
0xb0: {  	s0 =	simm.s32 @!p0 $0x3  }
0xb1: {  	_ =	swait.ge @!p0 [sflag:s0], s1  }
0xb2: {  	s1 =	ssub.s32 @!p0 $0x0, s1;
	[sflag:s0] =	ssyncset.done @!p0 $0x0  }
0xb3: {  	[sflag:s0] =	ssyncadd.s32 @!p0 s1  }
0xb4: {  	[bflag:$0x3] =	sbarrier.arrive $0xFFFF  }
0xb5: {  	_ =	shalt  }

// kernel: kernel.9.cloned.1.call-start
scs
__scs_entry_jumppad:
0x0: {  	(pc) =	sbr.rel $0x88, $3  }
0x1: {  	(tag) =	ssettag $0x0;
	lr =	simm.s32 $0x1  }
0x2: {  	[smem:$0x3F95] =	sst lr;
	_ =	strace $0xD0000000  }
0x3: {  	_ = 	snop  }
0x4: {  	_ = 	snop  }
0x5: {  	_ = 	snop  }
0x6: {  	_ = 	snop  }
0x7: {  	_ = 	snop  }
__scs_overlays_trampoline_lowered:
0x8: {  	[smem:$0x3FA4] =	sst s0  }
0x9: {  	[smem:$0x3FA5] =	sst s1  }
0xa: {  	[smem:$0x3FA6] =	sst s2  }
0xb: {  	[smem:$0x3FA7] =	sst s3  }
0xc: {  	[smem:$0x3FA8] =	sst s4  }
0xd: {  	[smem:$0x3FA9] =	sst s5  }
0xe: {  	[smem:$0x3FAA] =	sst s6  }
0xf: {  	[smem:$0x3FAB] =	sst s7  }
0x10: {  	[smem:$0x3FAC] =	sst s8  }
0x11: {  	[smem:$0x3FAD] =	sst s9;
	s0 =	simm.s32 @!p0 $0x0  }
0x12: {  	s1 =	sld [smem:$0x3F93];
	s0 =	simm.s32 @p0 $0x1  }
0x13: {  	[smem:$0x3FAE] =	sst s0;
	s0 =	simm.s32 @!p1 $0x0  }
0x14: {  	s2 =	sld [smem:$0x3F92];
	s0 =	simm.s32 @p1 $0x1  }
0x15: {  	[smem:$0x3FAF] =	sst s0;
	s0 =	simm.s32 @!p2 $0x0  }
0x16: {  	s3 =	sld [smem:$0x3FDB];
	s0 =	simm.s32 @p2 $0x1  }
0x17: {  	s4 =	simm.s32 $0x1BF5;
	[smem:$0x3FB1] =	sst s0  }
0x18: {  	s0 =	sld [smem:$0x3F94];
	_ =	swait.ge [sflag:s4], $0x0  }
0x19: {  	s7 =	sld [smem:$0x3F95]  }
0x1a: {  	s8 =	sadd.s32 $0xFFFFE003, lr  }
0x1b: {  	s9 =	sadd.s32 $0xFFFFFEF7, lr;
	s5 =	simm.s32 $0xFFFFFFFF;
	p2 =	slt.u32 s8, $0xFFFFF086  }
0x1c: {  	p1 =	slt.u32 s9, $0xF7A;
	s5 =	simm.s32 @!p2 $0x0  }
0x1d: {  	s5 =	simm.s32 @p1 $0x1;
	p0 =	seq.s32 s7, s2  }
0x1e: {  	s7 =	smul.u32 @!p0 $0xF7A, s2;
	p2 =	seq.s32 @!p0 s5, $0x0  }
0x1f: {  	s9 =	smul.u32 $0xF7A, s1;
	s8 =	simm.s32 @!p0 $0x1BF5;
	p2 =	por !p2, p0  }
0x20: {  	[sflag:s8] =	ssyncset.s32 @!p0 $0xFFFFF086;
	s6 =	sadd.s32 @!p0 s3, s7;
	s7 =	simm.s32 @!p0 $0x108  }
0x21: {  	s3 =	sadd.s32 s3, s9;
	s6 =	sadd.s32 @!p0 $0x88, s6;
	s7 =	simm.s32 @p2 $0x1082  }
0x22: {  	[simem:s7], [sflag:s8] =	dma.local @!p0 [hbm:s6], $0xF7A  }
0x23: {  	s9 =	sor.u32 $0xD0000000, s2;
	s6 =	simm.s32 $0x108;
	_ =	swait.ge @!p0 [sflag:s8], $0x0  }
0x24: {  	s3 =	sadd.s32 $0x88, s3;
	s6 =	simm.s32 @!p1 $0x1082;
	[sflag:s4] =	ssyncset.s32 $0xFFFFF086  }
0x25: {  	[simem:s6], [sflag:s4] =	dma.local [hbm:s3], $0xF7A  }
0x26: {  	[smem:$0x3F95] =	sst s1;
	(tag) =	ssettag s2;
	_ =	strace s9  }
0x27: {  	s1 =	sld [smem:$0x3FA5]  }
0x28: {  	s2 =	sld [smem:$0x3FA6]  }
0x29: {  	s4 =	sld [smem:$0x3FA8]  }
0x2a: {  	p0 =	seq.s32 s5, $0x0;
	s5 =	sld [smem:$0x3FA9]  }
0x2b: {  	s6 =	sld [smem:$0x3FAA]  }
0x2c: {  	s7 =	sld [smem:$0x3FAB]  }
0x2d: {  	s3 =	simm.s32 $0x108;
	s8 =	sld [smem:$0x3FAC]  }
0x2e: {  	s3 =	simm.s32 @!p0 $0x1082;
	s9 =	sld [smem:$0x3FAD]  }
0x2f: {  	lr =	sadd.s32 s0, s3;
	s0 =	sld [smem:$0x3FA4]  }
0x30: {  	s3 =	sld [smem:$0x3FA7]  }
0x31: {  	[smem:$0x3FB0] =	sst s10  }
0x32: {  	s10 =	sld [smem:$0x3FAE];
	_ =	sdelay $0x3  }
0x33: {  	p0 =	seq.s32 s10, $0x1;
	s10 =	sld [smem:$0x3FB0];
	_ =	sdelay $0x3  }
0x34: {  	[smem:$0x3FB0] =	sst s10  }
0x35: {  	s10 =	sld [smem:$0x3FAF];
	_ =	sdelay $0x3  }
0x36: {  	p1 =	seq.s32 s10, $0x1;
	s10 =	sld [smem:$0x3FB0];
	_ =	sdelay $0x3  }
0x37: {  	[smem:$0x3FB0] =	sst s10  }
0x38: {  	s10 =	sld [smem:$0x3FB1]  }
0x39: {  	_ = 	snop;
	(pc) =	sbr.ind lr, $3  }
0x3a: {  	_ = 	snop  }
0x3b: {  	_ = 	snop  }
0x3c: {  	p2 =	seq.s32 s10, $0x1;
	s10 =	sld [smem:$0x3FB0]  }
0x3d: {  	_ =	shalt  }
0x3e: {  	_ =	shalt  }
0x3f: {  	_ =	shalt  }
0x40: {  	_ =	shalt  }
0x41: {  	_ =	shalt  }
0x42: {  	_ =	shalt  }
0x43: {  	_ =	shalt  }
0x44: {  	_ =	shalt  }
0x45: {  	_ =	shalt  }
0x46: {  	_ =	shalt  }
0x47: {  	_ =	shalt  }
0x48: {  	_ =	shalt  }
0x49: {  	_ =	shalt  }
0x4a: {  	_ =	shalt  }
0x4b: {  	_ =	shalt  }
0x4c: {  	_ =	shalt  }
0x4d: {  	_ =	shalt  }
0x4e: {  	_ =	shalt  }
0x4f: {  	_ =	shalt  }
0x50: {  	_ =	shalt  }
0x51: {  	_ =	shalt  }
0x52: {  	_ =	shalt  }
0x53: {  	_ =	shalt  }
0x54: {  	_ =	shalt  }
0x55: {  	_ =	shalt  }
0x56: {  	_ =	shalt  }
0x57: {  	_ =	shalt  }
0x58: {  	_ =	shalt  }
0x59: {  	_ =	shalt  }
0x5a: {  	_ =	shalt  }
0x5b: {  	_ =	shalt  }
0x5c: {  	_ =	shalt  }
0x5d: {  	_ =	shalt  }
0x5e: {  	_ =	shalt  }
0x5f: {  	_ =	shalt  }
0x60: {  	_ =	shalt  }
0x61: {  	_ =	shalt  }
0x62: {  	_ =	shalt  }
0x63: {  	_ =	shalt  }
0x64: {  	_ =	shalt  }
0x65: {  	_ =	shalt  }
0x66: {  	_ =	shalt  }
0x67: {  	_ =	shalt  }
0x68: {  	_ =	shalt  }
0x69: {  	_ =	shalt  }
0x6a: {  	_ =	shalt  }
0x6b: {  	_ =	shalt  }
0x6c: {  	_ =	shalt  }
0x6d: {  	_ =	shalt  }
0x6e: {  	_ =	shalt  }
0x6f: {  	_ =	shalt  }
0x70: {  	_ =	shalt  }
0x71: {  	_ =	shalt  }
0x72: {  	_ =	shalt  }
0x73: {  	_ =	shalt  }
0x74: {  	_ =	shalt  }
0x75: {  	_ =	shalt  }
0x76: {  	_ =	shalt  }
0x77: {  	_ =	shalt  }
0x78: {  	_ =	shalt  }
0x79: {  	_ =	shalt  }
0x7a: {  	_ =	shalt  }
0x7b: {  	_ =	shalt  }
0x7c: {  	_ =	shalt  }
0x7d: {  	_ =	shalt  }
0x7e: {  	_ =	shalt  }
0x7f: {  	_ =	shalt  }
0x80: {  	_ =	shalt  }
0x81: {  	_ =	shalt  }
0x82: {  	_ =	shalt  }
0x83: {  	_ =	shalt  }
0x84: {  	_ =	shalt  }
0x85: {  	_ =	shalt  }
0x86: {  	_ =	shalt  }
0x87: {  	_ =	shalt  }
.Lfunc_end0:
.L_simem_size_0:
called_computation_lowered:
.L_overlay_start_0:
0x88: {  	s2 =	sld [smem:$0x3FD9]  }
0x89: {  	s3 =	sld [smem:$0x3FFE];
	_ =	sdelay $0x1  }
0x8a: {  	s1 =	srdreg.scid  }
0x8b: {  	s0 =	sand.u32 $0x1, s1  }
0x8c: {  	s17 =	sshll.u32 s0, $0xA;
	s2 =	sadd.s32 s3, s2  }
0x8d: {  	s2 =	sadd.s32 s2, s17  }
0x8e: {  	[smem:$0x3FBC] =	sst s2  }
0x8f: {  	_ = 	snop  }
0x90: {  	s2 =	sld [smem:$0x3FD0];
	(tm) =	ssettm $0x1  }
0x91: {  	s18 =	sld [smem:$0x3FFB];
	_ =	sdelay $0x3  }
0x92: {  	_ =	strace s18  }
0x93: {  	s3 =	sld [smem:$0x3FFC];
	_ =	sdelay $0x3  }
0x94: {  	_ =	strace s3  }
0x95: {  	s3 =	sld [smem:$0x3FFD];
	_ =	sdelay $0x3  }
0x96: {  	_ =	strace s3  }
0x97: {  	_ =	strace $0x8FFFFFFF  }
0x98: {  	s19 =	sld [smem:$0x3FDB];
	_ =	sdelay $0x1  }
0x99: {  	s4 =	simm.s32 $_scs_section_size  }
0x9a: {  	s5 =	simm.s32 $_size__tile_overlayer_lowered;
	s6 =	simm.s32 $_tile_overlayer_lowered  }
0x9b: {  	s22 =	simm.s32 $0x1BFF;
	s21 =	sshll.u32 s6, $0x1;
	s3 =	sadd.s32 s4, s19  }
0x9c: {  	s7 =	simm.s32 $0x0;
	s20 =	sshll.u32 s5, $0x1;
	s5 =	sadd.s32 s21, s3  }
0x9d: {  	[timem:s7], [sflag:s22] =	dma.local [hbm:s5], s20  }
0x9e: {  	_ =	swait.ge [sflag:s22], s20  }
0x9f: {  	s4 =	ssub.s32 $0x0, s20;
	[sflag:s22] =	ssyncset.done $0x0  }
0xa0: {  	[sflag:s22] =	ssyncadd.s32 s4;
	_ =	sdelay $0x1  }
0xa1: {  	s23 =	simm.s32 $0x1B8B  }
0xa2: {  	_ =	swait.ge [sflag:s23], $0x1  }
0xa3: {  	[sflag:s23] =	ssyncset.done $0x0  }
0xa4: {  	s25 =	simm.s32 $0x1B8E;
	s24 =	sld [smem:$0x3FFE];
	[sflag:s23] =	ssyncadd.s32 $0xFFFFFFFF  }
0xa5: {  	s26 =	simm.s32 $execute0_lowered;
	[smem:$0x3FD2] =	sst s25  }
0xa6: {  	s5 =	sshll.u32 s26, $0x1;
	_ =	strace $0x80000046;
	[dreg:$0x1] =	wrdreg $0xFFFFFFFF  }
0xa7: {  	s28 =	simm.s32 $_size_execute0_lowered;
	s3 =	sadd.s32 s3, s5;
	[dreg:$0x0] =	wrdreg $0x0  }
0xa8: {  	s5 =	sshll.u32 s28, $0x1;
	[dreg:$0x2] =	wrdreg s3  }
0xa9: {  	[dreg:$0x3] =	wrdreg s5  }
0xaa: {  	[dreg:$0x4] =	wrdreg $0xC0  }
0xab: {  	_ =	task [dreg:s7], $0x5FFFF  }
0xac: {  	[dreg:$0x1] =	wrdreg $0xFFFFFFFF  }
0xad: {  	[dreg:$0x0] =	wrdreg $0x60  }
0xae: {  	[dreg:$0x2] =	wrdreg s2  }
0xaf: {  	[dreg:$0x3] =	wrdreg s24  }
0xb0: {  	[dreg:$0x4] =	wrdreg $0xFE000  }
0xb1: {  	[dreg:$0x5] =	wrdreg $0x9  }
0xb2: {  	_ =	task.clear_ibuf [dreg:s7], $0x6FFFF;
	_ =	strace $0x90000046  }
0xb3: {  	s29 =	simm.s32 $0x9;
	_ =	strace $0x80000048  }
0xb4: {  	_ =	swait.ge [sflag:s29], $0x1  }
0xb5: {  	[sflag:s29] =	ssyncadd.s32 $0xFFFFFFFF  }
0xb6: {  	_ =	strace $0x90000048  }
0xb7: {  	_ =	sfence  }
0xb8: {  	s30 =	sld [smem:$0x0];
	_ =	sdelay $0x2  }
0xb9: {  	s31 =	sshll.u32 s1, $0xD;
	s1 =	sshrl.u32 s1, $0x2  }
0xba: {  	s3 =	sand.u32 $0x4000, s31;
	s1 =	sadd.s32 s1, s30  }
0xbb: {  	s0 =	sor.u32 s3, s0;
	s1 =	sshll.u32 s1, $0x11  }
0xbc: {  	s0 =	sor.u32 s1, s0  }
0xbd: {  	s0 =	sadd.s32 $0x8F2B, s0  }
0xbe: {  	[sflag:s0] =	ssyncadd.remote.s32 $0x1  }
0xbf: {  	_ =	sfence.sel $0xFFFF  }
0xc0: {  	[dreg:$0x0] =	wrdreg $0xFFFFFFFF;
	(pc) =	sbr.abs _section_cstart, $3  }
0xc1: {  	[dreg:$0x1] =	wrdreg $0xFFFFFFFF  }
0xc2: {  	_ =	task.clear_ibuf [dreg:s7], $0x2FFFF;
	_ =	strace $0x9FFFFFFF  }
0xc3: {  	(tm) =	ssettm $0x7FFFFFFF  }
tec
execute0_lowered:
.L_overlay_start_1:
0x0: {  	(tag) =	ssettag $0x1  }
0x1: {  	s0 =	srdreg.scid;
	s4 =	rddreg [dreg:$0x1]  }
0x2: {  	s1 =	stileid.u32;
	s2 =	rddreg [dreg:$0x2]  }
0x3: {  	s3 =	simm.s32 $0x0;
	s9 =	simm.s32 $0x200;
	s10 =	simm.s32 $0x1  }
0x4: {  	s11 =	simm.s32 $0x2;
	s12 =	simm.s32 $0x7D;
	s13 =	simm.s32 $0x400  }
0x5: {  	s14 =	simm.s32 $0x8100;
	s16 =	simm.s32 $0x2340;
	s17 =	simm.s32 $0x280  }
0x6: {  	s18 =	simm.s32 $0xA040;
	s19 =	simm.s32 $0x100;
	s20 =	simm.s32 $0x4280  }
0x7: {  	s21 =	simm.s32 $0x300;
	s22 =	simm.s32 $0xBF80;
	s23 =	simm.s32 $0x180  }
0x8: {  	s24 =	simm.s32 $0x61C0;
	s0 =	sand.u32 $0x1, s0;
	s5 =	smul.u32 $0x5000, s1  }
0x9: {  	s25 =	simm.s32 $0x380;
	s28 =	simm.s32 $0x3;
	s6 =	smul.u32 $0x2800, s0  }
0xa: {  	[smem:$0x7FF] =	sst s3;
	s7 =	smul.u32 $0x27100, s1;
	s26 =	ssub.s32 $0x2, s0  }
0xb: {  	_ =	strace $0x80000047;
	s8 =	sshrl.u32 s26, $0x1;
	s5 =	sadd.s32 s6, s5  }
0xc: {  	s0 =	smul.u32 $0x13880, s0;
	s6 =	ssub.s32 s26, s8;
	s5 =	sshrl.u32 s5, $0x3  }
0xd: {  	s6 =	smax.u32 s6, $0x1;
	s5 =	sadd.s32 s5, s4;
	s4 =	sadd.s32 s7, s4  }
0xe: {  	[dreg:$0x5] =	wrdreg s6;
	s30 =	sadd.s32 $0x36400, s5;
	s0 =	sadd.s32 s0, s4  }
0xf: {  	s29 =	simm.s32 $0x4;
	[dreg:$0x4] =	wrdreg s30;
	s31 =	sadd.s32 $0x40400, s0  }
0x10: {  	p0 =	sne.s32 s1, $0x0;
	s0 =	sadd.s32 $0x2B1400, s0;
	[dreg:$0x6] =	wrdreg s31  }
0x11: {  	s1 =	simm.s32 $0x0;
	[dreg:$0x7] =	wrdreg s0;
	s0 =	sshrl.u32 @!p0 s2, $0x3  }
0x12: {  	s26 =	simm.s32 $0xDEC0;
	s5 =	sadd.s32 $0x2C400, s5;
	[dreg:$0x8] =	wrdreg s0  }
.LBB2_1:
0x13: {  	[dreg:$0x9] =	wrdreg s1  }
0x14: {  	s1 =	rddreg [dreg:$0x0]  }
0x15: {  	s0 =	simm.s32 @!p0 $0x1C05;
	s4 =	rddreg [dreg:$0x8]  }
0x16: {  	[spmem:s4], [sflag:s0] =	dma.local @!p0 [hbm:s1], $0x13880  }
0x17: {  	s0 =	simm.s32 @!p0 $0x5  }
0x18: {  	_ =	swait.ge @!p0 [sflag:s0], $0x13880  }
0x19: {  	[sflag:s0] =	ssyncset.done @!p0 $0x0  }
0x1a: {  	[sflag:s0] =	ssyncadd.s32 @!p0 $0xFFFEC780  }
0x1b: {  	[bflag:$0x0] =	sbarrier.arrive $0xFFFF  }
0x1c: {  	s8 =	sadd.s32 $0x0, s5;
	s7 =	rddreg [dreg:$0x4]  }
0x1d: {  	[tilespmem:s3], [sflag:$0x1] =	stream.linear.gather [hbm4b:s8+s3], $0x200, $0x38;
	[tilespmem:$0x19A40] =	vst v63  }
0x1e: {  	s0 =	sadd.s32 $0x0, s7  }
0x1f: {  	[tilespmem:s9], [sflag:$0x2] =	stream.linear.gather [hbm4b:s0+s3], $0x200, $0x38;
	[tilespmem:$0x19A40] =	vst v63  }
0x20: {  	_ =	swait.ge [sflag:s10], $0x200  }
0x21: {  	[sflag:s10] =	ssyncset.done $0x0  }
0x22: {  	[sflag:s10] =	ssyncadd.s32 $0xFFFFFE00  }
0x23: {  	_ =	swait.ge [sflag:s11], $0x200  }
0x24: {  	[sflag:s11] =	ssyncset.done $0x0  }
0x25: {  	[sflag:s11] =	ssyncadd.s32 $0xFFFFFE00  }
0x26: {  	[tilespmem:s13], [sflag:$0x3] =	stream.indirect.gather [spmem:s2], $0x40, s3, s12, $0xb8;
	[tilespmem:$0x19A40] =	vst v63  }
0x27: {  	_ = 	snop  }
0x28: {  	[tilespmem:s14], [sflag:$0x4] =	stream.indirect.gather [spmem:s2], $0x40, s9, s12, $0xb8;
	[tilespmem:$0x19A40] =	vst v63  }
0x29: {  	s15 =	simm.s32 $0x80  }
0x2a: {  	[tilespmem:s16], [sflag:$0x3] =	stream.indirect.gather [spmem:s2], $0x40, s15, s12, $0xb8;
	[tilespmem:$0x19A40] =	vst v63  }
0x2b: {  	_ = 	snop  }
0x2c: {  	[tilespmem:s18], [sflag:$0x4] =	stream.indirect.gather [spmem:s2], $0x40, s17, s12, $0xb8;
	[tilespmem:$0x19A40] =	vst v63  }
0x2d: {  	_ = 	snop  }
0x2e: {  	[tilespmem:s20], [sflag:$0x3] =	stream.indirect.gather [spmem:s2], $0x40, s19, s12, $0xb8;
	[tilespmem:$0x19A40] =	vst v63  }
0x2f: {  	_ = 	snop  }
0x30: {  	[tilespmem:s22], [sflag:$0x4] =	stream.indirect.gather [spmem:s2], $0x40, s21, s12, $0xb8;
	[tilespmem:$0x19A40] =	vst v63  }
0x31: {  	_ = 	snop  }
0x32: {  	[tilespmem:s24], [sflag:$0x3] =	stream.indirect.gather [spmem:s2], $0x40, s23, s12, $0xb8;
	[tilespmem:$0x19A40] =	vst v63  }
0x33: {  	_ = 	snop  }
0x34: {  	[tilespmem:s26], [sflag:$0x4] =	stream.indirect.gather [spmem:s2], $0x40, s25, s12, $0xb8;
	[tilespmem:$0x19A40] =	vst v63  }
0x35: {  	_ =	swait.ge [sflag:s28], $0x1F40  }
0x36: {  	[sflag:s28] =	ssyncset.done $0x0  }
0x37: {  	[sflag:s28] =	ssyncadd.s32 $0xFFFFE0C0  }
0x38: {  	_ =	swait.ge [sflag:s29], $0x1F40  }
0x39: {  	[sflag:s29] =	ssyncset.done $0x0  }
0x3a: {  	[sflag:s29] =	ssyncadd.s32 $0xFFFFE0C0  }
0x3b: {  	_ =	swait.ge [sflag:s28], $0x1F40  }
0x3c: {  	[sflag:s28] =	ssyncset.done $0x0  }
0x3d: {  	[sflag:s28] =	ssyncadd.s32 $0xFFFFE0C0  }
0x3e: {  	_ =	swait.ge [sflag:s29], $0x1F40  }
0x3f: {  	[sflag:s29] =	ssyncset.done $0x0  }
0x40: {  	[sflag:s29] =	ssyncadd.s32 $0xFFFFE0C0  }
0x41: {  	_ =	swait.ge [sflag:s28], $0x1F40  }
0x42: {  	[sflag:s28] =	ssyncset.done $0x0  }
0x43: {  	[sflag:s28] =	ssyncadd.s32 $0xFFFFE0C0  }
0x44: {  	_ =	swait.ge [sflag:s29], $0x1F40  }
0x45: {  	[sflag:s29] =	ssyncset.done $0x0  }
0x46: {  	[sflag:s29] =	ssyncadd.s32 $0xFFFFE0C0  }
0x47: {  	_ =	swait.ge [sflag:s28], $0x1F40  }
0x48: {  	[sflag:s28] =	ssyncset.done $0x0  }
0x49: {  	[sflag:s28] =	ssyncadd.s32 $0xFFFFE0C0  }
0x4a: {  	_ =	swait.ge [sflag:s29], $0x1F40  }
0x4b: {  	[sflag:s29] =	ssyncset.done $0x0  }
0x4c: {  	s6 =	rddreg [dreg:$0x7];
	[sflag:s29] =	ssyncadd.s32 $0xFFFFE0C0  }
0x4d: {  	[hbm4b:s6+s3] =	stream.linear.scatter [tilespmem:s13], [sflag:$0x1], $0x7D00, $0x38;
	[tilespmem:$0x19A40] =	vst v63  }
0x4e: {  	s30 =	rddreg [dreg:$0x6]  }
0x4f: {  	[hbm4b:s30+s3] =	stream.linear.scatter [tilespmem:s14], [sflag:$0x2], $0x7D00, $0x38;
	[tilespmem:$0x19A40] =	vst v63  }
0x50: {  	_ =	swait.ge [sflag:s10], $0x7D00  }
0x51: {  	[sflag:s10] =	ssyncset.done $0x0  }
0x52: {  	s4 =	simm.s32 $0x40;
	s8 =	simm.s32 $0x80;
	[sflag:s10] =	ssyncadd.s32 $0xFFFF8300  }
0x53: {  	s0 =	sadd.s32 $0x40, s5;
	s31 =	sadd.s32 $0xFA0, s6;
	_ =	swait.ge [sflag:s11], $0x7D00  }
0x54: {  	s1 =	sadd.s32 $0xFA0, s30;
	s6 =	rddreg [dreg:$0x4];
	[sflag:s11] =	ssyncset.done $0x0  }
.LBB2_2:
0x55: {  	[sflag:s11] =	ssyncadd.s32 $0xFFFF8300  }
0x56: {  	[tilespmem:s3], [sflag:$0x1] =	stream.linear.gather [hbm4b:s0+s3], $0x200, $0x38;
	[tilespmem:$0x19A40] =	vst v63  }
0x57: {  	s4 =	sadd.s32 s4, s6  }
0x58: {  	[tilespmem:s9], [sflag:$0x2] =	stream.linear.gather [hbm4b:s4+s3], $0x200, $0x38;
	[tilespmem:$0x19A40] =	vst v63  }
0x59: {  	_ =	swait.ge [sflag:s10], $0x200  }
0x5a: {  	[sflag:s10] =	ssyncset.done $0x0  }
0x5b: {  	[sflag:s10] =	ssyncadd.s32 $0xFFFFFE00  }
0x5c: {  	_ =	swait.ge [sflag:s11], $0x200  }
0x5d: {  	[sflag:s11] =	ssyncset.done $0x0  }
0x5e: {  	[sflag:s11] =	ssyncadd.s32 $0xFFFFFE00  }
0x5f: {  	[tilespmem:s13], [sflag:$0x3] =	stream.indirect.gather [spmem:s2], $0x40, s3, s12, $0xb8;
	[tilespmem:$0x19A40] =	vst v63  }
0x60: {  	s30 =	sadd.s32 s8, s5  }
0x61: {  	[tilespmem:s14], [sflag:$0x4] =	stream.indirect.gather [spmem:s2], $0x40, s9, s12, $0xb8;
	[tilespmem:$0x19A40] =	vst v63  }
0x62: {  	s0 =	smov.u32 s30;
	s30 =	simm.s32 $0x80  }
0x63: {  	[tilespmem:s16], [sflag:$0x3] =	stream.indirect.gather [spmem:s2], $0x40, s30, s12, $0xb8;
	[tilespmem:$0x19A40] =	vst v63  }
0x64: {  	_ = 	snop  }
0x65: {  	[tilespmem:s18], [sflag:$0x4] =	stream.indirect.gather [spmem:s2], $0x40, s17, s12, $0xb8;
	[tilespmem:$0x19A40] =	vst v63  }
0x66: {  	_ = 	snop  }
0x67: {  	[tilespmem:s20], [sflag:$0x3] =	stream.indirect.gather [spmem:s2], $0x40, s19, s12, $0xb8;
	[tilespmem:$0x19A40] =	vst v63  }
0x68: {  	_ = 	snop  }
0x69: {  	[tilespmem:s22], [sflag:$0x4] =	stream.indirect.gather [spmem:s2], $0x40, s21, s12, $0xb8;
	[tilespmem:$0x19A40] =	vst v63  }
0x6a: {  	_ = 	snop  }
0x6b: {  	[tilespmem:s24], [sflag:$0x3] =	stream.indirect.gather [spmem:s2], $0x40, s23, s12, $0xb8;
	[tilespmem:$0x19A40] =	vst v63  }
0x6c: {  	_ = 	snop  }
0x6d: {  	[tilespmem:s26], [sflag:$0x4] =	stream.indirect.gather [spmem:s2], $0x40, s25, s12, $0xb8;
	[tilespmem:$0x19A40] =	vst v63  }
0x6e: {  	_ =	swait.ge [sflag:s28], $0x1F40  }
0x6f: {  	[sflag:s28] =	ssyncset.done $0x0  }
0x70: {  	[sflag:s28] =	ssyncadd.s32 $0xFFFFE0C0  }
0x71: {  	_ =	swait.ge [sflag:s29], $0x1F40  }
0x72: {  	[sflag:s29] =	ssyncset.done $0x0  }
0x73: {  	[sflag:s29] =	ssyncadd.s32 $0xFFFFE0C0  }
0x74: {  	_ =	swait.ge [sflag:s28], $0x1F40  }
0x75: {  	[sflag:s28] =	ssyncset.done $0x0  }
0x76: {  	[sflag:s28] =	ssyncadd.s32 $0xFFFFE0C0  }
0x77: {  	_ =	swait.ge [sflag:s29], $0x1F40  }
0x78: {  	[sflag:s29] =	ssyncset.done $0x0  }
0x79: {  	[sflag:s29] =	ssyncadd.s32 $0xFFFFE0C0  }
0x7a: {  	_ =	swait.ge [sflag:s28], $0x1F40  }
0x7b: {  	[sflag:s28] =	ssyncset.done $0x0  }
0x7c: {  	[sflag:s28] =	ssyncadd.s32 $0xFFFFE0C0  }
0x7d: {  	_ =	swait.ge [sflag:s29], $0x1F40  }
0x7e: {  	[sflag:s29] =	ssyncset.done $0x0  }
0x7f: {  	[sflag:s29] =	ssyncadd.s32 $0xFFFFE0C0  }
0x80: {  	_ =	swait.ge [sflag:s28], $0x1F40  }
0x81: {  	[sflag:s28] =	ssyncset.done $0x0  }
0x82: {  	[sflag:s28] =	ssyncadd.s32 $0xFFFFE0C0  }
0x83: {  	_ =	swait.ge [sflag:s29], $0x1F40  }
0x84: {  	[sflag:s29] =	ssyncset.done $0x0  }
0x85: {  	[sflag:s29] =	ssyncadd.s32 $0xFFFFE0C0  }
0x86: {  	[hbm4b:s31+s3] =	stream.linear.scatter [tilespmem:s13], [sflag:$0x1], $0x7D00, $0x38;
	[tilespmem:$0x19A40] =	vst v63  }
0x87: {  	p1 =	sne.s32 s8, $0x4C0  }
0x88: {  	[hbm4b:s1+s3] =	stream.linear.scatter [tilespmem:s14], [sflag:$0x2], $0x7D00, $0x38;
	[tilespmem:$0x19A40] =	vst v63  }
.Ltmp0:
0x89: {  	_ =	swait.ge [sflag:s10], $0x7D00;
	(pc) =	sbr.rel @p1 .LBB2_2-.Ltmp0, $4  }
0x8a: {  	s7 =	sadd.s32 $0x40, s8;
	[sflag:s10] =	ssyncset.done $0x0  }
0x8b: {  	s15 =	smov.u32 s8;
	s8 =	smov.u32 s7;
	[sflag:s10] =	ssyncadd.s32 $0xFFFF8300  }
0x8c: {  	s4 =	smov.u32 s15;
	s31 =	sadd.s32 $0xFA0, s31;
	_ =	swait.ge [sflag:s11], $0x7D00  }
0x8d: {  	s1 =	sadd.s32 $0xFA0, s1;
	s6 =	rddreg [dreg:$0x4];
	[sflag:s11] =	ssyncset.done $0x0  }
0x8e: {  	[sflag:s11] =	ssyncadd.s32 $0xFFFF8300  }
0x8f: {  	[tilespmem:s3], [sflag:$0x1] =	stream.linear.gather [hbm4b:s0+s3], $0x200, $0x38;
	[tilespmem:$0x19A40] =	vst v63  }
0x90: {  	s8 =	sadd.s32 s4, s6  }
0x91: {  	[tilespmem:s9], [sflag:$0x2] =	stream.linear.gather [hbm4b:s8+s3], $0x200, $0x38;
	[tilespmem:$0x19A40] =	vst v63  }
0x92: {  	_ =	swait.ge [sflag:s10], $0x200  }
0x93: {  	[sflag:s10] =	ssyncset.done $0x0  }
0x94: {  	[sflag:s10] =	ssyncadd.s32 $0xFFFFFE00  }
0x95: {  	_ =	swait.ge [sflag:s11], $0x200  }
0x96: {  	[sflag:s11] =	ssyncset.done $0x0  }
0x97: {  	[sflag:s11] =	ssyncadd.s32 $0xFFFFFE00  }
0x98: {  	[tilespmem:s13], [sflag:$0x3] =	stream.indirect.gather [spmem:s2], $0x40, s3, s12, $0xb8;
	[tilespmem:$0x19A40] =	vst v63  }
0x99: {  	_ = 	snop  }
0x9a: {  	[tilespmem:s14], [sflag:$0x4] =	stream.indirect.gather [spmem:s2], $0x40, s9, s12, $0xb8;
	[tilespmem:$0x19A40] =	vst v63  }
0x9b: {  	s15 =	simm.s32 $0x80  }
0x9c: {  	[tilespmem:s16], [sflag:$0x3] =	stream.indirect.gather [spmem:s2], $0x40, s15, s12, $0xb8;
	[tilespmem:$0x19A40] =	vst v63  }
0x9d: {  	_ = 	snop  }
0x9e: {  	[tilespmem:s18], [sflag:$0x4] =	stream.indirect.gather [spmem:s2], $0x40, s17, s12, $0xb8;
	[tilespmem:$0x19A40] =	vst v63  }
0x9f: {  	_ = 	snop  }
0xa0: {  	[tilespmem:s20], [sflag:$0x3] =	stream.indirect.gather [spmem:s2], $0x40, s19, s12, $0xb8;
	[tilespmem:$0x19A40] =	vst v63  }
0xa1: {  	_ = 	snop  }
0xa2: {  	[tilespmem:s22], [sflag:$0x4] =	stream.indirect.gather [spmem:s2], $0x40, s21, s12, $0xb8;
	[tilespmem:$0x19A40] =	vst v63  }
0xa3: {  	_ = 	snop  }
0xa4: {  	[tilespmem:s24], [sflag:$0x3] =	stream.indirect.gather [spmem:s2], $0x40, s23, s12, $0xb8;
	[tilespmem:$0x19A40] =	vst v63  }
0xa5: {  	_ = 	snop  }
0xa6: {  	[tilespmem:s26], [sflag:$0x4] =	stream.indirect.gather [spmem:s2], $0x40, s25, s12, $0xb8;
	[tilespmem:$0x19A40] =	vst v63  }
0xa7: {  	_ =	swait.ge [sflag:s28], $0x1F40  }
0xa8: {  	[sflag:s28] =	ssyncset.done $0x0  }
0xa9: {  	[sflag:s28] =	ssyncadd.s32 $0xFFFFE0C0  }
0xaa: {  	_ =	swait.ge [sflag:s29], $0x1F40  }
0xab: {  	[sflag:s29] =	ssyncset.done $0x0  }
0xac: {  	[sflag:s29] =	ssyncadd.s32 $0xFFFFE0C0  }
0xad: {  	_ =	swait.ge [sflag:s28], $0x1F40  }
0xae: {  	[sflag:s28] =	ssyncset.done $0x0  }
0xaf: {  	[sflag:s28] =	ssyncadd.s32 $0xFFFFE0C0  }
0xb0: {  	_ =	swait.ge [sflag:s29], $0x1F40  }
0xb1: {  	[sflag:s29] =	ssyncset.done $0x0  }
0xb2: {  	[sflag:s29] =	ssyncadd.s32 $0xFFFFE0C0  }
0xb3: {  	_ =	swait.ge [sflag:s28], $0x1F40  }
0xb4: {  	[sflag:s28] =	ssyncset.done $0x0  }
0xb5: {  	[sflag:s28] =	ssyncadd.s32 $0xFFFFE0C0  }
0xb6: {  	_ =	swait.ge [sflag:s29], $0x1F40  }
0xb7: {  	[sflag:s29] =	ssyncset.done $0x0  }
0xb8: {  	[sflag:s29] =	ssyncadd.s32 $0xFFFFE0C0  }
0xb9: {  	_ =	swait.ge [sflag:s28], $0x1F40  }
0xba: {  	[sflag:s28] =	ssyncset.done $0x0  }
0xbb: {  	[sflag:s28] =	ssyncadd.s32 $0xFFFFE0C0  }
0xbc: {  	_ =	swait.ge [sflag:s29], $0x1F40  }
0xbd: {  	[sflag:s29] =	ssyncset.done $0x0  }
0xbe: {  	[sflag:s29] =	ssyncadd.s32 $0xFFFFE0C0  }
0xbf: {  	[hbm4b:s31+s3] =	stream.linear.scatter [tilespmem:s13], [sflag:$0x1], $0x7D00, $0x38;
	[tilespmem:$0x19A40] =	vst v63  }
0xc0: {  	_ = 	snop  }
0xc1: {  	[hbm4b:s1+s3] =	stream.linear.scatter [tilespmem:s14], [sflag:$0x2], $0x7D00, $0x38;
	[tilespmem:$0x19A40] =	vst v63  }
0xc2: {  	_ =	swait.ge [sflag:s10], $0x7D00  }
0xc3: {  	[sflag:s10] =	ssyncset.done $0x0  }
0xc4: {  	[sflag:s10] =	ssyncadd.s32 $0xFFFF8300  }
0xc5: {  	_ =	swait.ge [sflag:s11], $0x7D00  }
0xc6: {  	s30 =	rddreg [dreg:$0x9]  }
0xc7: {  	s31 =	rddreg [dreg:$0x5];
	s1 =	sadd.s32 $0x1, s30  }
0xc8: {  	p1 =	sne.s32 s1, s31  }
.Ltmp1:
0xc9: {  	_ = 	snop;
	(pc) =	sbr.rel @p1 .LBB2_1-.Ltmp1, $3  }
0xca: {  	_ =	sdelay $0x1  }
0xcb: {  	[sflag:s11] =	ssyncset.done $0x0  }
0xcc: {  	[sflag:s11] =	ssyncadd.s32 $0xFFFF8300  }
0xcd: {  	_ =	sfence.sel $0x180000  }
0xce: {  	[bflag:$0x0] =	sbarrier.arrive $0xFFFF  }
0xcf: {  	_ =	strace $0x90000047  }
0xd0: {  	[bflag:$0x2] =	sbarrier.arrive $0xFFFF  }
0xd1: {  	s0 =	rddreg [dreg:$0x3]  }
0xd2: {  	s0 =	sadd.s32 @!p0 $0x100000, s0  }
0xd3: {  	[sflag:s0] =	ssyncadd.tile.s32 @!p0 $0x1;
	_ =	shalt  }
.Lfunc_end2:
_tile_overlayer_lowered:
.L_overlay_start_2:
0xd4: {  	(tag) =	ssettag $0x2  }
0xd5: {  	s0 =	rddreg [dreg:$0x0];
	s2 =	stileid.u32  }
0xd6: {  	s1 =	rddreg [dreg:$0x1];
	p0 =	sne.s32 s2, $0x0  }
0xd7: {  	s3 =	rddreg [dreg:$0x2];
	[bflag:$0x3] =	sbarrier.arrive $0xFFFF;
	s2 =	simm.s32 @!p0 $0x1C05  }
0xd8: {  	[timem:s3], [sflag:s2] =	dma.local @!p0 [hbm:s0], s1  }
0xd9: {  	s0 =	simm.s32 @!p0 $0x5  }
0xda: {  	_ =	swait.ge @!p0 [sflag:s0], s1  }
0xdb: {  	s1 =	ssub.s32 @!p0 $0x0, s1;
	[sflag:s0] =	ssyncset.done @!p0 $0x0  }
0xdc: {  	[sflag:s0] =	ssyncadd.s32 @!p0 s1  }
0xdd: {  	[bflag:$0x3] =	sbarrier.arrive $0xFFFF  }
0xde: {  	_ =	shalt  }

</sc_bundles>
